<compile_context>
chip_gen: v7x
topology: tpu7x:2x2x1
jax: 0.10.2.dev20260603
libtpu: 0.0.44.dev20260713+nightly
codegen_flags: <defaults>
</compile_context>

<pallas_src>
import functools

import jax
import jax.numpy as jnp
from jax import lax
from jax.experimental import pallas as pl
from jax.experimental.pallas import tpu as pltpu
from jax.experimental.pallas import tpu_sc as plsc

N = 10000
E = 320000
D = 128
NPAD = 10240
CHUNK = 80
EDGES_PER_CORE = E // 2
EDGES_PER_SUB = EDGES_PER_CORE // 16
CHUNKS_PER_SUB = EDGES_PER_SUB // CHUNK
SECS = 5
CPS = CHUNKS_PER_SUB // SECS
EPS = CPS * CHUNK
STRIPE = NPAD // 16

_MESH = plsc.VectorSubcoreMesh(core_axis_name="c", subcore_axis_name="s")


def _fill(ref, nrows, ncols, value):
    def body(r, carry):
        for j in range(ncols // 16):
            ref[r, pl.ds(j * 16, 16)] = jnp.full((16,), value, jnp.float32)
        return carry
    lax.fori_loop(0, nrows, body, 0)


def _load_idx2(idx_all, idx2):
    def body(t, carry):
        for j in range(CHUNK // 16):
            idx2[t, pl.ds(j * 16, 16)] = idx_all[pl.ds(t * CHUNK + j * 16, 16)]
        return carry
    lax.fori_loop(0, CPS, body, 0)


@functools.partial(
    pl.kernel,
    mesh=_MESH,
    out_type=jax.ShapeDtypeStruct((2, NPAD, D), jnp.float32),
    scratch_types=[
        pltpu.VMEM((EPS,), jnp.int32),
        pltpu.VMEM((CPS, CHUNK), jnp.int32),
        pltpu.VMEM((CHUNK, D), jnp.float32),
        pltpu.VMEM_SHARED((NPAD, D), jnp.float32),
        pltpu.SemaphoreType.DMA,
    ],
)
def _sc_degree(ei_dst, cnt_out, dst_sec, dst2, val_v, cnt_sh, sem):
    c = lax.axis_index("c")
    s = lax.axis_index("s")
    base = (c * 16 + s) * EDGES_PER_SUB
    _fill(val_v, CHUNK, D, 0.0)
    for j in range(STRIPE // CHUNK):
        pltpu.sync_copy(val_v, cnt_sh.at[pl.ds(s * STRIPE + j * CHUNK, CHUNK)])
    _fill(val_v, CHUNK, D, 1.0)
    plsc.subcore_barrier()

    def section(sec, carry):
        pltpu.sync_copy(ei_dst.at[pl.ds(base + sec * EPS, EPS)], dst_sec)
        _load_idx2(dst_sec, dst2)
        def fire(t, carry2):
            pltpu.async_copy(val_v, cnt_sh.at[dst2.at[t]], sem, add=True)
            return carry2
        lax.fori_loop(0, CPS, fire, 0)
        def drain(t, carry2):
            pltpu.make_async_copy(val_v, cnt_sh.at[dst2.at[t]], sem).wait()
            return carry2
        lax.fori_loop(0, CPS, drain, 0)
        return carry
    lax.fori_loop(0, SECS, section, 0)
    plsc.subcore_barrier()
    pltpu.sync_copy(cnt_sh.at[pl.ds(s * STRIPE, STRIPE)],
                    cnt_out.at[c, pl.ds(s * STRIPE, STRIPE)])


@functools.partial(
    pl.kernel,
    mesh=_MESH,
    out_type=jax.ShapeDtypeStruct((2, NPAD, D), jnp.float32),
    scratch_types=[
        pltpu.VMEM((EPS,), jnp.int32),
        pltpu.VMEM((EPS,), jnp.int32),
        pltpu.VMEM((CPS, CHUNK), jnp.int32),
        pltpu.VMEM((CHUNK, D), jnp.float32),
        pltpu.VMEM((CHUNK, D), jnp.float32),
        pltpu.VMEM((CHUNK, D), jnp.float32),
        pltpu.VMEM((CHUNK, D), jnp.float32),
        pltpu.VMEM_SHARED((NPAD, D), jnp.float32),
        pltpu.SemaphoreType.DMA,
        pltpu.SemaphoreType.DMA,
        pltpu.SemaphoreType.DMA,
        pltpu.SemaphoreType.DMA,
        pltpu.SemaphoreType.DMA,
        pltpu.SemaphoreType.DMA,
        pltpu.SemaphoreType.DMA,
        pltpu.SemaphoreType.DMA,
    ],
)
def _sc_round(h, ei_src, ei_dst, agg_out,
              src_sec, dst_sec, dst2, rows_a, rows_b, rows_c, rows_d, agg_sh,
              sem_a, sem_b, sem_c, sem_d, ssem_a, ssem_b, ssem_c, ssem_d):
    c = lax.axis_index("c")
    s = lax.axis_index("s")
    base = (c * 16 + s) * EDGES_PER_SUB
    _fill(rows_a, CHUNK, D, 0.0)
    for j in range(STRIPE // CHUNK):
        pltpu.sync_copy(rows_a, agg_sh.at[pl.ds(s * STRIPE + j * CHUNK, CHUNK)])
    plsc.subcore_barrier()

    def gather(t, rows, sem):
        return pltpu.async_copy(h.at[src_sec.at[pl.ds(t * CHUNK, CHUNK)]],
                                rows, sem)

    def gwait(t, rows, sem):
        pltpu.make_async_copy(h.at[src_sec.at[pl.ds(t * CHUNK, CHUNK)]],
                              rows, sem).wait()

    def sissue(t, rows, sem):
        pltpu.async_copy(rows, agg_sh.at[dst2.at[t]], sem, add=True)

    def swait(t, rows, sem):
        pltpu.make_async_copy(rows, agg_sh.at[dst2.at[t]], sem).wait()

    bufs = (rows_a, rows_b, rows_c, rows_d)
    gsems = (sem_a, sem_b, sem_c, sem_d)
    ssems = (ssem_a, ssem_b, ssem_c, ssem_d)

    def section(sec, carry):
        pltpu.sync_copy(ei_src.at[pl.ds(base + sec * EPS, EPS)], src_sec)
        pltpu.sync_copy(ei_dst.at[pl.ds(base + sec * EPS, EPS)], dst_sec)
        _load_idx2(dst_sec, dst2)
        for k in range(4):
            gather(k, bufs[k], gsems[k])

        def body(g, carry2):
            t0 = 4 * g
            for k in range(4):
                gwait(t0 + k, bufs[k], gsems[k])
                sissue(t0 + k, bufs[k], ssems[k])
            for k in range(4):
                swait(t0 + k, bufs[k], ssems[k])

                @pl.when(t0 + k + 4 < CPS)
                def _(tk=t0 + k + 4, bk=bufs[k], gk=gsems[k]):
                    gather(tk, bk, gk)
            return carry2

        lax.fori_loop(0, CPS // 4, body, 0)
        t_last = CPS - 1
        gwait(t_last, bufs[t_last % 4], gsems[t_last % 4])
        sissue(t_last, bufs[t_last % 4], ssems[t_last % 4])
        swait(t_last, bufs[t_last % 4], ssems[t_last % 4])
        return carry

    lax.fori_loop(0, SECS, section, 0)
    plsc.subcore_barrier()
    pltpu.sync_copy(agg_sh.at[pl.ds(s * STRIPE, STRIPE)],
                    agg_out.at[c, pl.ds(s * STRIPE, STRIPE)])



_R = 2000
_GRID = N // _R

_cnt_spec = pl.BlockSpec((2, _R, D), lambda i: (0, i, 0))
_p_spec = pl.BlockSpec((2, _R, D), lambda i: (0, i, 0))
_row_spec = pl.BlockSpec((_R, D), lambda i: (i, 0))


def _deg(cnt_blk):
    return jnp.maximum(cnt_blk[0, :, 0:1] + cnt_blk[1, :, 0:1], 1.0)


def _tc_mm_body(x_ref, w_ref, o_ref):
    o_ref[...] = lax.dot_general(x_ref[...], w_ref[...],
                                 (((1,), (1,)), ((), ())),
                                 preferred_element_type=jnp.float32)


def _tc_in_body(y_ref, cnt_ref, o_ref):
    o_ref[...] = y_ref[...] * lax.rsqrt(_deg(cnt_ref[...]))


def _tc_mid_body(p_ref, cnt_ref, o_ref):
    o_ref[...] = (p_ref[0] + p_ref[1]) / _deg(cnt_ref[...])


def _tc_fin_body(p_ref, cnt_ref, o_ref):
    o_ref[...] = (p_ref[0] + p_ref[1]) * lax.rsqrt(_deg(cnt_ref[...]))


_out_t = jax.ShapeDtypeStruct((N, D), jnp.float32)

_tc_mm = pl.pallas_call(
    _tc_mm_body, grid=(_GRID,),
    in_specs=[_row_spec, pl.BlockSpec((D, D), lambda i: (0, 0))],
    out_specs=_row_spec, out_shape=_out_t)

_tc_in = pl.pallas_call(
    _tc_in_body, grid=(_GRID,),
    in_specs=[_row_spec, _cnt_spec],
    out_specs=_row_spec, out_shape=_out_t)

_tc_mid = pl.pallas_call(
    _tc_mid_body, grid=(_GRID,),
    in_specs=[_p_spec, _cnt_spec], out_specs=_row_spec, out_shape=_out_t)

_tc_fin = pl.pallas_call(
    _tc_fin_body, grid=(_GRID,),
    in_specs=[_p_spec, _cnt_spec], out_specs=_row_spec, out_shape=_out_t)


def kernel(x, edge_index, W):
    src = edge_index[0]
    dst = edge_index[1]
    y = _tc_mm(x, W)
    cnt = _sc_degree(dst)
    x1 = _tc_in(y, cnt)
    p = _sc_round(x1, src, dst)
    x2 = _tc_mid(p, cnt)
    q = _sc_round(x2, src, dst)
    return _tc_fin(q, cnt)

# --- scband reference (transcript-rebuilt; emitter-appended) ---
"""Pipeline reference for scband-sgclayer-30683246363240 (READ-ONLY COPY).

The authoritative reference and input builder live on the scoring server;
editing this copy changes nothing except your own understanding.
"""

import jax, jax.numpy as jnp
import numpy as np

N = 10000
E = 320000
D_IN = 128
D_OUT = 128
K = 2


def setup_inputs(seed: int = 0) -> dict:
    key = jax.random.key(seed)
    k1, k2, k3 = jax.random.split(key, 3)
    x = jax.random.normal(k1, (N, D_IN), dtype=jnp.float32)
    edge_index = jax.random.randint(k2, (2, E), 0, N, dtype=jnp.int32)
    # fc weight, xavier_uniform init, shape [out_feats, in_feats], no bias
    limit = float(np.sqrt(6.0 / (D_IN + D_OUT)))
    W = jax.random.uniform(k3, (D_OUT, D_IN), minval=-limit, maxval=limit, dtype=jnp.float32)
    return {"x": x, "edge_index": edge_index, "W": W}


def reference(x, edge_index, W):
    # SGC propagation: k rounds of symmetric-normalized sum aggregation, then linear.
    # dropedge=0 and cutgraph=0 => edge weights w are all ones (dropout is identity).
    src = edge_index[0]
    dst = edge_index[1]
    # in-degrees (number of incoming edges per node), clamped to min 1
    degs = jnp.bincount(dst, length=N).astype(jnp.float32)
    degs = jnp.maximum(degs, 1.0)
    norm = jnp.power(degs, -0.5)[:, None]  # [N, 1]
    h = x
    for _ in range(K):
        h = h * norm
        msgs = jnp.take(h, src, axis=0)  # u_mul_e with w=1 -> just gather source features
        agg = jnp.zeros((N, h.shape[1]), dtype=h.dtype).at[dst].add(msgs)  # fn.sum over incoming edges
        h = agg * norm
    # fc: Linear(in_feats, out_feats, bias=False)
    return h @ W.T

if __name__ == "__main__":
    import jax
    _d = setup_inputs()
    print(jax.jit(kernel)(*tuple(_d.values())))

</pallas_src>

<mosaic_0001>
#map = affine_map<(d0, d1) -> (0, 0)>
#map1 = affine_map<(d0, d1) -> (0)>
#map2 = affine_map<(d0, d1) -> (0, 0, 0)>
module attributes {stable_mosaic.version = 14 : i64} {
  func.func @_sc_round(%arg0: i32, %arg1: i32, %arg2: memref<10000x128xf32, #tpu.memory_space<hbm>>, %arg3: memref<320000xi32, #tpu.memory_space<hbm>>, %arg4: memref<320000xi32, #tpu.memory_space<hbm>>, %arg5: memref<2x10240x128xf32, #tpu.memory_space<hbm>>, %arg6: memref<2000xi32, #tpu.memory_space<vmem>>, %arg7: memref<2000xi32, #tpu.memory_space<vmem>>, %arg8: memref<25x80xi32, #tpu.memory_space<vmem>>, %arg9: memref<80x128xf32, #tpu.memory_space<vmem>>, %arg10: memref<80x128xf32, #tpu.memory_space<vmem>>, %arg11: memref<80x128xf32, #tpu.memory_space<vmem>>, %arg12: memref<80x128xf32, #tpu.memory_space<vmem>>, %arg13: memref<10240x128xf32, #tpu.memory_space<vmem_shared>>, %arg14: memref<!tpu.dma_semaphore, #tpu.memory_space<semaphore_mem>>, %arg15: memref<!tpu.dma_semaphore, #tpu.memory_space<semaphore_mem>>, %arg16: memref<!tpu.dma_semaphore, #tpu.memory_space<semaphore_mem>>, %arg17: memref<!tpu.dma_semaphore, #tpu.memory_space<semaphore_mem>>, %arg18: memref<!tpu.dma_semaphore, #tpu.memory_space<semaphore_mem>>, %arg19: memref<!tpu.dma_semaphore, #tpu.memory_space<semaphore_mem>>, %arg20: memref<!tpu.dma_semaphore, #tpu.memory_space<semaphore_mem>>, %arg21: memref<!tpu.dma_semaphore, #tpu.memory_space<semaphore_mem>>) attributes {dimension_semantics = [#tpu.dimension_semantics<core_parallel>, #tpu.dimension_semantics<subcore_parallel>], iteration_bounds = array<i64: 2, 16>, scalar_prefetch = 0 : i64, scratch_operands = 16 : i64, tpu.core_type = #tpu.core_type<sc_vector_subcore>, window_params = [{transform_indices = #map}, {transform_indices = #map1}, {transform_indices = #map1}, {transform_indices = #map2}]} {
    %mul3A = arith.constant 16 : i32
    %mul3A_0 = arith.muli %arg0, %mul3A : i32
    %add3A = arith.addi %mul3A_0, %arg1 : i32
    %mul3A_1 = arith.constant 10000 : i32
    %mul3A_2 = arith.muli %add3A, %mul3A_1 : i32
    %scan3A = arith.constant 0 : i32
    %scan3A_3 = arith.constant 0 : i32
    %scan3A_4 = arith.constant 80 : i32
    %scan3A_5 = arith.addi %scan3A_3, %scan3A_4 : i32
    %scan3A_6 = arith.constant 1 : i32
    scf.for %scan3A_51 = %scan3A_3 to %scan3A_5 step %scan3A_6  : i32 {
      %broadcast_in_dim3A = arith.constant 0.000000e+00 : f32
      %broadcast_in_dim3A_52 = vector.broadcast %broadcast_in_dim3A : f32 to vector<16xf32>
      %swap3A = arith.index_cast %scan3A_51 : i32 to index
      %swap3A_53 = arith.constant 0 : index
      %swap3A_54 = tpu.vector_load %arg9[%swap3A, %swap3A_53] {strides = array<i32>} : memref<80x128xf32, #tpu.memory_space<vmem>>, vector<1x16xf32>,
      %swap3A_55 = vector.shape_cast %swap3A_54 : vector<1x16xf32> to vector<16xf32>
      %swap3A_56 = vector.shape_cast %broadcast_in_dim3A_52 : vector<16xf32> to vector<1x16xf32>
      tpu.vector_store %arg9[%swap3A, %swap3A_53], %swap3A_56 {strides = array<i32>} : memref<80x128xf32, #tpu.memory_space<vmem>>, vector<1x16xf32>,
      %broadcast_in_dim3A_57 = arith.constant 0.000000e+00 : f32
      %broadcast_in_dim3A_58 = vector.broadcast %broadcast_in_dim3A_57 : f32 to vector<16xf32>
      %swap3A_59 = arith.index_cast %scan3A_51 : i32 to index
      %swap3A_60 = arith.constant 16 : index
      %swap3A_61 = tpu.vector_load %arg9[%swap3A_59, %swap3A_60] {strides = array<i32>} : memref<80x128xf32, #tpu.memory_space<vmem>>, vector<1x16xf32>,
      %swap3A_62 = vector.shape_cast %swap3A_61 : vector<1x16xf32> to vector<16xf32>
      %swap3A_63 = vector.shape_cast %broadcast_in_dim3A_58 : vector<16xf32> to vector<1x16xf32>
      tpu.vector_store %arg9[%swap3A_59, %swap3A_60], %swap3A_63 {strides = array<i32>} : memref<80x128xf32, #tpu.memory_space<vmem>>, vector<1x16xf32>,
      %broadcast_in_dim3A_64 = arith.constant 0.000000e+00 : f32
      %broadcast_in_dim3A_65 = vector.broadcast %broadcast_in_dim3A_64 : f32 to vector<16xf32>
      %swap3A_66 = arith.index_cast %scan3A_51 : i32 to index
      %swap3A_67 = arith.constant 32 : index
      %swap3A_68 = tpu.vector_load %arg9[%swap3A_66, %swap3A_67] {strides = array<i32>} : memref<80x128xf32, #tpu.memory_space<vmem>>, vector<1x16xf32>,
      %swap3A_69 = vector.shape_cast %swap3A_68 : vector<1x16xf32> to vector<16xf32>
      %swap3A_70 = vector.shape_cast %broadcast_in_dim3A_65 : vector<16xf32> to vector<1x16xf32>
      tpu.vector_store %arg9[%swap3A_66, %swap3A_67], %swap3A_70 {strides = array<i32>} : memref<80x128xf32, #tpu.memory_space<vmem>>, vector<1x16xf32>,
      %broadcast_in_dim3A_71 = arith.constant 0.000000e+00 : f32
      %broadcast_in_dim3A_72 = vector.broadcast %broadcast_in_dim3A_71 : f32 to vector<16xf32>
      %swap3A_73 = arith.index_cast %scan3A_51 : i32 to index
      %swap3A_74 = arith.constant 48 : index
      %swap3A_75 = tpu.vector_load %arg9[%swap3A_73, %swap3A_74] {strides = array<i32>} : memref<80x128xf32, #tpu.memory_space<vmem>>, vector<1x16xf32>,
      %swap3A_76 = vector.shape_cast %swap3A_75 : vector<1x16xf32> to vector<16xf32>
      %swap3A_77 = vector.shape_cast %broadcast_in_dim3A_72 : vector<16xf32> to vector<1x16xf32>
      tpu.vector_store %arg9[%swap3A_73, %swap3A_74], %swap3A_77 {strides = array<i32>} : memref<80x128xf32, #tpu.memory_space<vmem>>, vector<1x16xf32>,
      %broadcast_in_dim3A_78 = arith.constant 0.000000e+00 : f32
      %broadcast_in_dim3A_79 = vector.broadcast %broadcast_in_dim3A_78 : f32 to vector<16xf32>
      %swap3A_80 = arith.index_cast %scan3A_51 : i32 to index
      %swap3A_81 = arith.constant 64 : index
      %swap3A_82 = tpu.vector_load %arg9[%swap3A_80, %swap3A_81] {strides = array<i32>} : memref<80x128xf32, #tpu.memory_space<vmem>>, vector<1x16xf32>,
      %swap3A_83 = vector.shape_cast %swap3A_82 : vector<1x16xf32> to vector<16xf32>
      %swap3A_84 = vector.shape_cast %broadcast_in_dim3A_79 : vector<16xf32> to vector<1x16xf32>
      tpu.vector_store %arg9[%swap3A_80, %swap3A_81], %swap3A_84 {strides = array<i32>} : memref<80x128xf32, #tpu.memory_space<vmem>>, vector<1x16xf32>,
      %broadcast_in_dim3A_85 = arith.constant 0.000000e+00 : f32
      %broadcast_in_dim3A_86 = vector.broadcast %broadcast_in_dim3A_85 : f32 to vector<16xf32>
      %swap3A_87 = arith.index_cast %scan3A_51 : i32 to index
      %swap3A_88 = arith.constant 80 : index
      %swap3A_89 = tpu.vector_load %arg9[%swap3A_87, %swap3A_88] {strides = array<i32>} : memref<80x128xf32, #tpu.memory_space<vmem>>, vector<1x16xf32>,
      %swap3A_90 = vector.shape_cast %swap3A_89 : vector<1x16xf32> to vector<16xf32>
      %swap3A_91 = vector.shape_cast %broadcast_in_dim3A_86 : vector<16xf32> to vector<1x16xf32>
      tpu.vector_store %arg9[%swap3A_87, %swap3A_88], %swap3A_91 {strides = array<i32>} : memref<80x128xf32, #tpu.memory_space<vmem>>, vector<1x16xf32>,
      %broadcast_in_dim3A_92 = arith.constant 0.000000e+00 : f32
      %broadcast_in_dim3A_93 = vector.broadcast %broadcast_in_dim3A_92 : f32 to vector<16xf32>
      %swap3A_94 = arith.index_cast %scan3A_51 : i32 to index
      %swap3A_95 = arith.constant 96 : index
      %swap3A_96 = tpu.vector_load %arg9[%swap3A_94, %swap3A_95] {strides = array<i32>} : memref<80x128xf32, #tpu.memory_space<vmem>>, vector<1x16xf32>,
      %swap3A_97 = vector.shape_cast %swap3A_96 : vector<1x16xf32> to vector<16xf32>
      %swap3A_98 = vector.shape_cast %broadcast_in_dim3A_93 : vector<16xf32> to vector<1x16xf32>
      tpu.vector_store %arg9[%swap3A_94, %swap3A_95], %swap3A_98 {strides = array<i32>} : memref<80x128xf32, #tpu.memory_space<vmem>>, vector<1x16xf32>,
      %broadcast_in_dim3A_99 = arith.constant 0.000000e+00 : f32
      %broadcast_in_dim3A_100 = vector.broadcast %broadcast_in_dim3A_99 : f32 to vector<16xf32>
      %swap3A_101 = arith.index_cast %scan3A_51 : i32 to index
      %swap3A_102 = arith.constant 112 : index
      %swap3A_103 = tpu.vector_load %arg9[%swap3A_101, %swap3A_102] {strides = array<i32>} : memref<80x128xf32, #tpu.memory_space<vmem>>, vector<1x16xf32>,
      %swap3A_104 = vector.shape_cast %swap3A_103 : vector<1x16xf32> to vector<16xf32>
      %swap3A_105 = vector.shape_cast %broadcast_in_dim3A_100 : vector<16xf32> to vector<1x16xf32>
      tpu.vector_store %arg9[%swap3A_101, %swap3A_102], %swap3A_105 {strides = array<i32>} : memref<80x128xf32, #tpu.memory_space<vmem>>, vector<1x16xf32>,
    }
    %scan3A_7 = arith.constant 80 : i32
    %mul3A_8 = arith.constant 640 : i32
    %mul3A_9 = arith.muli %arg1, %mul3A_8 : i32
    %add3A_10 = arith.constant 0 : i32
    %add3A_11 = arith.addi %mul3A_9, %add3A_10 : i32
    "tpu.region"() ({
      %run_scoped3A = tpu.sem_alloc : memref<!tpu.dma_semaphore, #tpu.memory_space<semaphore_mem>>
      %dma_start3A = arith.constant 0 : i32
      %dma_start3A_51 = tpu.memref_slice %arg13[%add3A_11, %dma_start3A] : memref<10240x128xf32, #tpu.memory_space<vmem_shared>> -> memref<80x128xf32, #tpu.memory_space<vmem_shared>>
      %dma_start3A_52 = arith.constant 0 : i32
      %dma_start3A_53 = tpu.memref_slice %arg13[%add3A_11, %dma_start3A_52] : memref<10240x128xf32, #tpu.memory_space<vmem_shared>> -> memref<80x128xf32, #tpu.memory_space<vmem_shared>>
      tpu.enqueue_dma source(%arg9 : memref<80x128xf32, #tpu.memory_space<vmem>>) target(%dma_start3A_53 : memref<80x128xf32, #tpu.memory_space<vmem_shared>>) target_semaphore(%run_scoped3A : memref<!tpu.dma_semaphore, #tpu.memory_space<semaphore_mem>>)
      %dma_wait3A = arith.constant 0 : i32
      %dma_wait3A_54 = tpu.memref_slice %arg13[%add3A_11, %dma_wait3A] : memref<10240x128xf32, #tpu.memory_space<vmem_shared>> -> memref<80x128xf32, #tpu.memory_space<vmem_shared>>
      %dma_wait3A_55 = arith.constant 0 : i32
      %dma_wait3A_56 = tpu.memref_slice %arg13[%add3A_11, %dma_wait3A_55] : memref<10240x128xf32, #tpu.memory_space<vmem_shared>> -> memref<80x128xf32, #tpu.memory_space<vmem_shared>>
      tpu.wait_dma2 semaphore(%run_scoped3A : memref<!tpu.dma_semaphore, #tpu.memory_space<semaphore_mem>>) src(%arg9 : memref<80x128xf32, #tpu.memory_space<vmem>>) dst(%dma_wait3A_56 : memref<80x128xf32, #tpu.memory_space<vmem_shared>>)
      tpu.yield
    }) : () -> ()
    %mul3A_12 = arith.constant 640 : i32
    %mul3A_13 = arith.muli %arg1, %mul3A_12 : i32
    %add3A_14 = arith.constant 80 : i32
    %add3A_15 = arith.addi %mul3A_13, %add3A_14 : i32
    "tpu.region"() ({
      %run_scoped3A = tpu.sem_alloc : memref<!tpu.dma_semaphore, #tpu.memory_space<semaphore_mem>>
      %dma_start3A = arith.constant 0 : i32
      %dma_start3A_51 = tpu.memref_slice %arg13[%add3A_15, %dma_start3A] : memref<10240x128xf32, #tpu.memory_space<vmem_shared>> -> memref<80x128xf32, #tpu.memory_space<vmem_shared>>
      %dma_start3A_52 = arith.constant 0 : i32
      %dma_start3A_53 = tpu.memref_slice %arg13[%add3A_15, %dma_start3A_52] : memref<10240x128xf32, #tpu.memory_space<vmem_shared>> -> memref<80x128xf32, #tpu.memory_space<vmem_shared>>
      tpu.enqueue_dma source(%arg9 : memref<80x128xf32, #tpu.memory_space<vmem>>) target(%dma_start3A_53 : memref<80x128xf32, #tpu.memory_space<vmem_shared>>) target_semaphore(%run_scoped3A : memref<!tpu.dma_semaphore, #tpu.memory_space<semaphore_mem>>)
      %dma_wait3A = arith.constant 0 : i32
      %dma_wait3A_54 = tpu.memref_slice %arg13[%add3A_15, %dma_wait3A] : memref<10240x128xf32, #tpu.memory_space<vmem_shared>> -> memref<80x128xf32, #tpu.memory_space<vmem_shared>>
      %dma_wait3A_55 = arith.constant 0 : i32
      %dma_wait3A_56 = tpu.memref_slice %arg13[%add3A_15, %dma_wait3A_55] : memref<10240x128xf32, #tpu.memory_space<vmem_shared>> -> memref<80x128xf32, #tpu.memory_space<vmem_shared>>
      tpu.wait_dma2 semaphore(%run_scoped3A : memref<!tpu.dma_semaphore, #tpu.memory_space<semaphore_mem>>) src(%arg9 : memref<80x128xf32, #tpu.memory_space<vmem>>) dst(%dma_wait3A_56 : memref<80x128xf32, #tpu.memory_space<vmem_shared>>)
      tpu.yield
    }) : () -> ()
    %mul3A_16 = arith.constant 640 : i32
    %mul3A_17 = arith.muli %arg1, %mul3A_16 : i32
    %add3A_18 = arith.constant 160 : i32
    %add3A_19 = arith.addi %mul3A_17, %add3A_18 : i32
    "tpu.region"() ({
      %run_scoped3A = tpu.sem_alloc : memref<!tpu.dma_semaphore, #tpu.memory_space<semaphore_mem>>
      %dma_start3A = arith.constant 0 : i32
      %dma_start3A_51 = tpu.memref_slice %arg13[%add3A_19, %dma_start3A] : memref<10240x128xf32, #tpu.memory_space<vmem_shared>> -> memref<80x128xf32, #tpu.memory_space<vmem_shared>>
      %dma_start3A_52 = arith.constant 0 : i32
      %dma_start3A_53 = tpu.memref_slice %arg13[%add3A_19, %dma_start3A_52] : memref<10240x128xf32, #tpu.memory_space<vmem_shared>> -> memref<80x128xf32, #tpu.memory_space<vmem_shared>>
      tpu.enqueue_dma source(%arg9 : memref<80x128xf32, #tpu.memory_space<vmem>>) target(%dma_start3A_53 : memref<80x128xf32, #tpu.memory_space<vmem_shared>>) target_semaphore(%run_scoped3A : memref<!tpu.dma_semaphore, #tpu.memory_space<semaphore_mem>>)
      %dma_wait3A = arith.constant 0 : i32
      %dma_wait3A_54 = tpu.memref_slice %arg13[%add3A_19, %dma_wait3A] : memref<10240x128xf32, #tpu.memory_space<vmem_shared>> -> memref<80x128xf32, #tpu.memory_space<vmem_shared>>
      %dma_wait3A_55 = arith.constant 0 : i32
      %dma_wait3A_56 = tpu.memref_slice %arg13[%add3A_19, %dma_wait3A_55] : memref<10240x128xf32, #tpu.memory_space<vmem_shared>> -> memref<80x128xf32, #tpu.memory_space<vmem_shared>>
      tpu.wait_dma2 semaphore(%run_scoped3A : memref<!tpu.dma_semaphore, #tpu.memory_space<semaphore_mem>>) src(%arg9 : memref<80x128xf32, #tpu.memory_space<vmem>>) dst(%dma_wait3A_56 : memref<80x128xf32, #tpu.memory_space<vmem_shared>>)
      tpu.yield
    }) : () -> ()
    %mul3A_20 = arith.constant 640 : i32
    %mul3A_21 = arith.muli %arg1, %mul3A_20 : i32
    %add3A_22 = arith.constant 240 : i32
    %add3A_23 = arith.addi %mul3A_21, %add3A_22 : i32
    "tpu.region"() ({
      %run_scoped3A = tpu.sem_alloc : memref<!tpu.dma_semaphore, #tpu.memory_space<semaphore_mem>>
      %dma_start3A = arith.constant 0 : i32
      %dma_start3A_51 = tpu.memref_slice %arg13[%add3A_23, %dma_start3A] : memref<10240x128xf32, #tpu.memory_space<vmem_shared>> -> memref<80x128xf32, #tpu.memory_space<vmem_shared>>
      %dma_start3A_52 = arith.constant 0 : i32
      %dma_start3A_53 = tpu.memref_slice %arg13[%add3A_23, %dma_start3A_52] : memref<10240x128xf32, #tpu.memory_space<vmem_shared>> -> memref<80x128xf32, #tpu.memory_space<vmem_shared>>
      tpu.enqueue_dma source(%arg9 : memref<80x128xf32, #tpu.memory_space<vmem>>) target(%dma_start3A_53 : memref<80x128xf32, #tpu.memory_space<vmem_shared>>) target_semaphore(%run_scoped3A : memref<!tpu.dma_semaphore, #tpu.memory_space<semaphore_mem>>)
      %dma_wait3A = arith.constant 0 : i32
      %dma_wait3A_54 = tpu.memref_slice %arg13[%add3A_23, %dma_wait3A] : memref<10240x128xf32, #tpu.memory_space<vmem_shared>> -> memref<80x128xf32, #tpu.memory_space<vmem_shared>>
      %dma_wait3A_55 = arith.constant 0 : i32
      %dma_wait3A_56 = tpu.memref_slice %arg13[%add3A_23, %dma_wait3A_55] : memref<10240x128xf32, #tpu.memory_space<vmem_shared>> -> memref<80x128xf32, #tpu.memory_space<vmem_shared>>
      tpu.wait_dma2 semaphore(%run_scoped3A : memref<!tpu.dma_semaphore, #tpu.memory_space<semaphore_mem>>) src(%arg9 : memref<80x128xf32, #tpu.memory_space<vmem>>) dst(%dma_wait3A_56 : memref<80x128xf32, #tpu.memory_space<vmem_shared>>)
      tpu.yield
    }) : () -> ()
    %mul3A_24 = arith.constant 640 : i32
    %mul3A_25 = arith.muli %arg1, %mul3A_24 : i32
    %add3A_26 = arith.constant 320 : i32
    %add3A_27 = arith.addi %mul3A_25, %add3A_26 : i32
    "tpu.region"() ({
      %run_scoped3A = tpu.sem_alloc : memref<!tpu.dma_semaphore, #tpu.memory_space<semaphore_mem>>
      %dma_start3A = arith.constant 0 : i32
      %dma_start3A_51 = tpu.memref_slice %arg13[%add3A_27, %dma_start3A] : memref<10240x128xf32, #tpu.memory_space<vmem_shared>> -> memref<80x128xf32, #tpu.memory_space<vmem_shared>>
      %dma_start3A_52 = arith.constant 0 : i32
      %dma_start3A_53 = tpu.memref_slice %arg13[%add3A_27, %dma_start3A_52] : memref<10240x128xf32, #tpu.memory_space<vmem_shared>> -> memref<80x128xf32, #tpu.memory_space<vmem_shared>>
      tpu.enqueue_dma source(%arg9 : memref<80x128xf32, #tpu.memory_space<vmem>>) target(%dma_start3A_53 : memref<80x128xf32, #tpu.memory_space<vmem_shared>>) target_semaphore(%run_scoped3A : memref<!tpu.dma_semaphore, #tpu.memory_space<semaphore_mem>>)
      %dma_wait3A = arith.constant 0 : i32
      %dma_wait3A_54 = tpu.memref_slice %arg13[%add3A_27, %dma_wait3A] : memref<10240x128xf32, #tpu.memory_space<vmem_shared>> -> memref<80x128xf32, #tpu.memory_space<vmem_shared>>
      %dma_wait3A_55 = arith.constant 0 : i32
      %dma_wait3A_56 = tpu.memref_slice %arg13[%add3A_27, %dma_wait3A_55] : memref<10240x128xf32, #tpu.memory_space<vmem_shared>> -> memref<80x128xf32, #tpu.memory_space<vmem_shared>>
      tpu.wait_dma2 semaphore(%run_scoped3A : memref<!tpu.dma_semaphore, #tpu.memory_space<semaphore_mem>>) src(%arg9 : memref<80x128xf32, #tpu.memory_space<vmem>>) dst(%dma_wait3A_56 : memref<80x128xf32, #tpu.memory_space<vmem_shared>>)
      tpu.yield
    }) : () -> ()
    %mul3A_28 = arith.constant 640 : i32
    %mul3A_29 = arith.muli %arg1, %mul3A_28 : i32
    %add3A_30 = arith.constant 400 : i32
    %add3A_31 = arith.addi %mul3A_29, %add3A_30 : i32
    "tpu.region"() ({
      %run_scoped3A = tpu.sem_alloc : memref<!tpu.dma_semaphore, #tpu.memory_space<semaphore_mem>>
      %dma_start3A = arith.constant 0 : i32
      %dma_start3A_51 = tpu.memref_slice %arg13[%add3A_31, %dma_start3A] : memref<10240x128xf32, #tpu.memory_space<vmem_shared>> -> memref<80x128xf32, #tpu.memory_space<vmem_shared>>
      %dma_start3A_52 = arith.constant 0 : i32
      %dma_start3A_53 = tpu.memref_slice %arg13[%add3A_31, %dma_start3A_52] : memref<10240x128xf32, #tpu.memory_space<vmem_shared>> -> memref<80x128xf32, #tpu.memory_space<vmem_shared>>
      tpu.enqueue_dma source(%arg9 : memref<80x128xf32, #tpu.memory_space<vmem>>) target(%dma_start3A_53 : memref<80x128xf32, #tpu.memory_space<vmem_shared>>) target_semaphore(%run_scoped3A : memref<!tpu.dma_semaphore, #tpu.memory_space<semaphore_mem>>)
      %dma_wait3A = arith.constant 0 : i32
      %dma_wait3A_54 = tpu.memref_slice %arg13[%add3A_31, %dma_wait3A] : memref<10240x128xf32, #tpu.memory_space<vmem_shared>> -> memref<80x128xf32, #tpu.memory_space<vmem_shared>>
      %dma_wait3A_55 = arith.constant 0 : i32
      %dma_wait3A_56 = tpu.memref_slice %arg13[%add3A_31, %dma_wait3A_55] : memref<10240x128xf32, #tpu.memory_space<vmem_shared>> -> memref<80x128xf32, #tpu.memory_space<vmem_shared>>
      tpu.wait_dma2 semaphore(%run_scoped3A : memref<!tpu.dma_semaphore, #tpu.memory_space<semaphore_mem>>) src(%arg9 : memref<80x128xf32, #tpu.memory_space<vmem>>) dst(%dma_wait3A_56 : memref<80x128xf32, #tpu.memory_space<vmem_shared>>)
      tpu.yield
    }) : () -> ()
    %mul3A_32 = arith.constant 640 : i32
    %mul3A_33 = arith.muli %arg1, %mul3A_32 : i32
    %add3A_34 = arith.constant 480 : i32
    %add3A_35 = arith.addi %mul3A_33, %add3A_34 : i32
    "tpu.region"() ({
      %run_scoped3A = tpu.sem_alloc : memref<!tpu.dma_semaphore, #tpu.memory_space<semaphore_mem>>
      %dma_start3A = arith.constant 0 : i32
      %dma_start3A_51 = tpu.memref_slice %arg13[%add3A_35, %dma_start3A] : memref<10240x128xf32, #tpu.memory_space<vmem_shared>> -> memref<80x128xf32, #tpu.memory_space<vmem_shared>>
      %dma_start3A_52 = arith.constant 0 : i32
      %dma_start3A_53 = tpu.memref_slice %arg13[%add3A_35, %dma_start3A_52] : memref<10240x128xf32, #tpu.memory_space<vmem_shared>> -> memref<80x128xf32, #tpu.memory_space<vmem_shared>>
      tpu.enqueue_dma source(%arg9 : memref<80x128xf32, #tpu.memory_space<vmem>>) target(%dma_start3A_53 : memref<80x128xf32, #tpu.memory_space<vmem_shared>>) target_semaphore(%run_scoped3A : memref<!tpu.dma_semaphore, #tpu.memory_space<semaphore_mem>>)
      %dma_wait3A = arith.constant 0 : i32
      %dma_wait3A_54 = tpu.memref_slice %arg13[%add3A_35, %dma_wait3A] : memref<10240x128xf32, #tpu.memory_space<vmem_shared>> -> memref<80x128xf32, #tpu.memory_space<vmem_shared>>
      %dma_wait3A_55 = arith.constant 0 : i32
      %dma_wait3A_56 = tpu.memref_slice %arg13[%add3A_35, %dma_wait3A_55] : memref<10240x128xf32, #tpu.memory_space<vmem_shared>> -> memref<80x128xf32, #tpu.memory_space<vmem_shared>>
      tpu.wait_dma2 semaphore(%run_scoped3A : memref<!tpu.dma_semaphore, #tpu.memory_space<semaphore_mem>>) src(%arg9 : memref<80x128xf32, #tpu.memory_space<vmem>>) dst(%dma_wait3A_56 : memref<80x128xf32, #tpu.memory_space<vmem_shared>>)
      tpu.yield
    }) : () -> ()
    %mul3A_36 = arith.constant 640 : i32
    %mul3A_37 = arith.muli %arg1, %mul3A_36 : i32
    %add3A_38 = arith.constant 560 : i32
    %add3A_39 = arith.addi %mul3A_37, %add3A_38 : i32
    "tpu.region"() ({
      %run_scoped3A = tpu.sem_alloc : memref<!tpu.dma_semaphore, #tpu.memory_space<semaphore_mem>>
      %dma_start3A = arith.constant 0 : i32
      %dma_start3A_51 = tpu.memref_slice %arg13[%add3A_39, %dma_start3A] : memref<10240x128xf32, #tpu.memory_space<vmem_shared>> -> memref<80x128xf32, #tpu.memory_space<vmem_shared>>
      %dma_start3A_52 = arith.constant 0 : i32
      %dma_start3A_53 = tpu.memref_slice %arg13[%add3A_39, %dma_start3A_52] : memref<10240x128xf32, #tpu.memory_space<vmem_shared>> -> memref<80x128xf32, #tpu.memory_space<vmem_shared>>
      tpu.enqueue_dma source(%arg9 : memref<80x128xf32, #tpu.memory_space<vmem>>) target(%dma_start3A_53 : memref<80x128xf32, #tpu.memory_space<vmem_shared>>) target_semaphore(%run_scoped3A : memref<!tpu.dma_semaphore, #tpu.memory_space<semaphore_mem>>)
      %dma_wait3A = arith.constant 0 : i32
      %dma_wait3A_54 = tpu.memref_slice %arg13[%add3A_39, %dma_wait3A] : memref<10240x128xf32, #tpu.memory_space<vmem_shared>> -> memref<80x128xf32, #tpu.memory_space<vmem_shared>>
      %dma_wait3A_55 = arith.constant 0 : i32
      %dma_wait3A_56 = tpu.memref_slice %arg13[%add3A_39, %dma_wait3A_55] : memref<10240x128xf32, #tpu.memory_space<vmem_shared>> -> memref<80x128xf32, #tpu.memory_space<vmem_shared>>
      tpu.wait_dma2 semaphore(%run_scoped3A : memref<!tpu.dma_semaphore, #tpu.memory_space<semaphore_mem>>) src(%arg9 : memref<80x128xf32, #tpu.memory_space<vmem>>) dst(%dma_wait3A_56 : memref<80x128xf32, #tpu.memory_space<vmem_shared>>)
      tpu.yield
    }) : () -> ()
    %barrier3A = arith.constant 0 : index
    tpu.barrier barrier_id(%barrier3A)
    %scan3A_40 = arith.constant 0 : i32
    %scan3A_41 = arith.constant 0 : i32
    %scan3A_42 = arith.constant 5 : i32
    %scan3A_43 = arith.addi %scan3A_41, %scan3A_42 : i32
    %scan3A_44 = arith.constant 1 : i32
    scf.for %scan3A_51 = %scan3A_41 to %scan3A_43 step %scan3A_44  : i32 {
      %mul3A_52 = arith.constant 2000 : i32
      %mul3A_53 = arith.muli %scan3A_51, %mul3A_52 : i32
      %add3A_54 = arith.addi %mul3A_2, %mul3A_53 : i32
      "tpu.region"() ({
        %run_scoped3A = tpu.sem_alloc : memref<!tpu.dma_semaphore, #tpu.memory_space<semaphore_mem>>
        %dma_start3A_107 = tpu.memref_slice %arg3[%add3A_54] : memref<320000xi32, #tpu.memory_space<hbm>> -> memref<2000xi32, #tpu.memory_space<hbm>>
        %dma_start3A_108 = tpu.memref_slice %arg3[%add3A_54] : memref<320000xi32, #tpu.memory_space<hbm>> -> memref<2000xi32, #tpu.memory_space<hbm>>
        tpu.enqueue_dma source(%dma_start3A_108 : memref<2000xi32, #tpu.memory_space<hbm>>) target(%arg6 : memref<2000xi32, #tpu.memory_space<vmem>>) target_semaphore(%run_scoped3A : memref<!tpu.dma_semaphore, #tpu.memory_space<semaphore_mem>>)
        %dma_wait3A_109 = tpu.memref_slice %arg3[%add3A_54] : memref<320000xi32, #tpu.memory_space<hbm>> -> memref<2000xi32, #tpu.memory_space<hbm>>
        %dma_wait3A_110 = tpu.memref_slice %arg3[%add3A_54] : memref<320000xi32, #tpu.memory_space<hbm>> -> memref<2000xi32, #tpu.memory_space<hbm>>
        tpu.wait_dma2 semaphore(%run_scoped3A : memref<!tpu.dma_semaphore, #tpu.memory_space<semaphore_mem>>) src(%dma_wait3A_110 : memref<2000xi32, #tpu.memory_space<hbm>>) dst(%arg6 : memref<2000xi32, #tpu.memory_space<vmem>>)
        tpu.yield
      }) : () -> ()
      %mul3A_55 = arith.constant 2000 : i32
      %mul3A_56 = arith.muli %scan3A_51, %mul3A_55 : i32
      %add3A_57 = arith.addi %mul3A_2, %mul3A_56 : i32
      "tpu.region"() ({
        %run_scoped3A = tpu.sem_alloc : memref<!tpu.dma_semaphore, #tpu.memory_space<semaphore_mem>>
        %dma_start3A_107 = tpu.memref_slice %arg4[%add3A_57] : memref<320000xi32, #tpu.memory_space<hbm>> -> memref<2000xi32, #tpu.memory_space<hbm>>
        %dma_start3A_108 = tpu.memref_slice %arg4[%add3A_57] : memref<320000xi32, #tpu.memory_space<hbm>> -> memref<2000xi32, #tpu.memory_space<hbm>>
        tpu.enqueue_dma source(%dma_start3A_108 : memref<2000xi32, #tpu.memory_space<hbm>>) target(%arg7 : memref<2000xi32, #tpu.memory_space<vmem>>) target_semaphore(%run_scoped3A : memref<!tpu.dma_semaphore, #tpu.memory_space<semaphore_mem>>)
        %dma_wait3A_109 = tpu.memref_slice %arg4[%add3A_57] : memref<320000xi32, #tpu.memory_space<hbm>> -> memref<2000xi32, #tpu.memory_space<hbm>>
        %dma_wait3A_110 = tpu.memref_slice %arg4[%add3A_57] : memref<320000xi32, #tpu.memory_space<hbm>> -> memref<2000xi32, #tpu.memory_space<hbm>>
        tpu.wait_dma2 semaphore(%run_scoped3A : memref<!tpu.dma_semaphore, #tpu.memory_space<semaphore_mem>>) src(%dma_wait3A_110 : memref<2000xi32, #tpu.memory_space<hbm>>) dst(%arg7 : memref<2000xi32, #tpu.memory_space<vmem>>)
        tpu.yield
      }) : () -> ()
      %scan3A_58 = arith.constant 0 : i32
      %scan3A_59 = arith.constant 0 : i32
      %scan3A_60 = arith.constant 25 : i32
      %scan3A_61 = arith.addi %scan3A_59, %scan3A_60 : i32
      %scan3A_62 = arith.constant 1 : i32
      scf.for %scan3A_107 = %scan3A_59 to %scan3A_61 step %scan3A_62  : i32 {
        %mul3A_108 = arith.constant 80 : i32
        %mul3A_109 = arith.muli %scan3A_107, %mul3A_108 : i32
        %add3A_110 = arith.constant 0 : i32
        %add3A_111 = arith.addi %mul3A_109, %add3A_110 : i32
        %get3A = arith.index_cast %add3A_111 : i32 to index
        %get3A_112 = tpu.vector_load %arg7[%get3A] {strides = array<i32>} : memref<2000xi32, #tpu.memory_space<vmem>>, vector<16xi32>,
        %get3A_113 = vector.shape_cast %get3A_112 : vector<16xi32> to vector<16xi32>
        %swap3A = arith.index_cast %scan3A_107 : i32 to index
        %swap3A_114 = arith.constant 0 : index
        %swap3A_115 = tpu.vector_load %arg8[%swap3A, %swap3A_114] {strides = array<i32>} : memref<25x80xi32, #tpu.memory_space<vmem>>, vector<1x16xi32>,
        %swap3A_116 = vector.shape_cast %swap3A_115 : vector<1x16xi32> to vector<16xi32>
        %swap3A_117 = vector.shape_cast %get3A_113 : vector<16xi32> to vector<1x16xi32>
        tpu.vector_store %arg8[%swap3A, %swap3A_114], %swap3A_117 {strides = array<i32>} : memref<25x80xi32, #tpu.memory_space<vmem>>, vector<1x16xi32>,
        %mul3A_118 = arith.constant 80 : i32
        %mul3A_119 = arith.muli %scan3A_107, %mul3A_118 : i32
        %add3A_120 = arith.constant 16 : i32
        %add3A_121 = arith.addi %mul3A_119, %add3A_120 : i32
        %get3A_122 = arith.index_cast %add3A_121 : i32 to index
        %get3A_123 = tpu.vector_load %arg7[%get3A_122] {strides = array<i32>} : memref<2000xi32, #tpu.memory_space<vmem>>, vector<16xi32>,
        %get3A_124 = vector.shape_cast %get3A_123 : vector<16xi32> to vector<16xi32>
        %swap3A_125 = arith.index_cast %scan3A_107 : i32 to index
        %swap3A_126 = arith.constant 16 : index
        %swap3A_127 = tpu.vector_load %arg8[%swap3A_125, %swap3A_126] {strides = array<i32>} : memref<25x80xi32, #tpu.memory_space<vmem>>, vector<1x16xi32>,
        %swap3A_128 = vector.shape_cast %swap3A_127 : vector<1x16xi32> to vector<16xi32>
        %swap3A_129 = vector.shape_cast %get3A_124 : vector<16xi32> to vector<1x16xi32>
        tpu.vector_store %arg8[%swap3A_125, %swap3A_126], %swap3A_129 {strides = array<i32>} : memref<25x80xi32, #tpu.memory_space<vmem>>, vector<1x16xi32>,
        %mul3A_130 = arith.constant 80 : i32
        %mul3A_131 = arith.muli %scan3A_107, %mul3A_130 : i32
        %add3A_132 = arith.constant 32 : i32
        %add3A_133 = arith.addi %mul3A_131, %add3A_132 : i32
        %get3A_134 = arith.index_cast %add3A_133 : i32 to index
        %get3A_135 = tpu.vector_load %arg7[%get3A_134] {strides = array<i32>} : memref<2000xi32, #tpu.memory_space<vmem>>, vector<16xi32>,
        %get3A_136 = vector.shape_cast %get3A_135 : vector<16xi32> to vector<16xi32>
        %swap3A_137 = arith.index_cast %scan3A_107 : i32 to index
        %swap3A_138 = arith.constant 32 : index
        %swap3A_139 = tpu.vector_load %arg8[%swap3A_137, %swap3A_138] {strides = array<i32>} : memref<25x80xi32, #tpu.memory_space<vmem>>, vector<1x16xi32>,
        %swap3A_140 = vector.shape_cast %swap3A_139 : vector<1x16xi32> to vector<16xi32>
        %swap3A_141 = vector.shape_cast %get3A_136 : vector<16xi32> to vector<1x16xi32>
        tpu.vector_store %arg8[%swap3A_137, %swap3A_138], %swap3A_141 {strides = array<i32>} : memref<25x80xi32, #tpu.memory_space<vmem>>, vector<1x16xi32>,
        %mul3A_142 = arith.constant 80 : i32
        %mul3A_143 = arith.muli %scan3A_107, %mul3A_142 : i32
        %add3A_144 = arith.constant 48 : i32
        %add3A_145 = arith.addi %mul3A_143, %add3A_144 : i32
        %get3A_146 = arith.index_cast %add3A_145 : i32 to index
        %get3A_147 = tpu.vector_load %arg7[%get3A_146] {strides = array<i32>} : memref<2000xi32, #tpu.memory_space<vmem>>, vector<16xi32>,
        %get3A_148 = vector.shape_cast %get3A_147 : vector<16xi32> to vector<16xi32>
        %swap3A_149 = arith.index_cast %scan3A_107 : i32 to index
        %swap3A_150 = arith.constant 48 : index
        %swap3A_151 = tpu.vector_load %arg8[%swap3A_149, %swap3A_150] {strides = array<i32>} : memref<25x80xi32, #tpu.memory_space<vmem>>, vector<1x16xi32>,
        %swap3A_152 = vector.shape_cast %swap3A_151 : vector<1x16xi32> to vector<16xi32>
        %swap3A_153 = vector.shape_cast %get3A_148 : vector<16xi32> to vector<1x16xi32>
        tpu.vector_store %arg8[%swap3A_149, %swap3A_150], %swap3A_153 {strides = array<i32>} : memref<25x80xi32, #tpu.memory_space<vmem>>, vector<1x16xi32>,
        %mul3A_154 = arith.constant 80 : i32
        %mul3A_155 = arith.muli %scan3A_107, %mul3A_154 : i32
        %add3A_156 = arith.constant 64 : i32
        %add3A_157 = arith.addi %mul3A_155, %add3A_156 : i32
        %get3A_158 = arith.index_cast %add3A_157 : i32 to index
        %get3A_159 = tpu.vector_load %arg7[%get3A_158] {strides = array<i32>} : memref<2000xi32, #tpu.memory_space<vmem>>, vector<16xi32>,
        %get3A_160 = vector.shape_cast %get3A_159 : vector<16xi32> to vector<16xi32>
        %swap3A_161 = arith.index_cast %scan3A_107 : i32 to index
        %swap3A_162 = arith.constant 64 : index
        %swap3A_163 = tpu.vector_load %arg8[%swap3A_161, %swap3A_162] {strides = array<i32>} : memref<25x80xi32, #tpu.memory_space<vmem>>, vector<1x16xi32>,
        %swap3A_164 = vector.shape_cast %swap3A_163 : vector<1x16xi32> to vector<16xi32>
        %swap3A_165 = vector.shape_cast %get3A_160 : vector<16xi32> to vector<1x16xi32>
        tpu.vector_store %arg8[%swap3A_161, %swap3A_162], %swap3A_165 {strides = array<i32>} : memref<25x80xi32, #tpu.memory_space<vmem>>, vector<1x16xi32>,
      }
      %scan3A_63 = arith.constant 25 : i32
      %dma_start3A = arith.constant 0 : i32
      %dma_start3A_64 = tpu.memref_slice %arg6[%dma_start3A] : memref<2000xi32, #tpu.memory_space<vmem>> -> memref<80xi32, #tpu.memory_space<vmem>>
      %dma_start3A_65 = arith.constant 0 : i32
      %dma_start3A_66 = arith.constant 0 : i32
      %dma_start3A_67 = tpu.memref_slice %arg2[%dma_start3A_65, %dma_start3A_66] : memref<10000x128xf32, #tpu.memory_space<hbm>> -> memref<10000x128xf32, #tpu.memory_space<hbm>>
      tpu.enqueue_indirect_dma source(%dma_start3A_67 : memref<10000x128xf32, #tpu.memory_space<hbm>>) target(%arg9 : memref<80x128xf32, #tpu.memory_space<vmem>>) offsets(%dma_start3A_64 : memref<80xi32, #tpu.memory_space<vmem>>) semaphore(%arg14 : memref<!tpu.dma_semaphore, #tpu.memory_space<semaphore_mem>>)
      %dma_start3A_68 = arith.constant 80 : i32
      %dma_start3A_69 = tpu.memref_slice %arg6[%dma_start3A_68] : memref<2000xi32, #tpu.memory_space<vmem>> -> memref<80xi32, #tpu.memory_space<vmem>>
      %dma_start3A_70 = arith.constant 0 : i32
      %dma_start3A_71 = arith.constant 0 : i32
      %dma_start3A_72 = tpu.memref_slice %arg2[%dma_start3A_70, %dma_start3A_71] : memref<10000x128xf32, #tpu.memory_space<hbm>> -> memref<10000x128xf32, #tpu.memory_space<hbm>>
      tpu.enqueue_indirect_dma source(%dma_start3A_72 : memref<10000x128xf32, #tpu.memory_space<hbm>>) target(%arg10 : memref<80x128xf32, #tpu.memory_space<vmem>>) offsets(%dma_start3A_69 : memref<80xi32, #tpu.memory_space<vmem>>) semaphore(%arg15 : memref<!tpu.dma_semaphore, #tpu.memory_space<semaphore_mem>>)
      %dma_start3A_73 = arith.constant 160 : i32
      %dma_start3A_74 = tpu.memref_slice %arg6[%dma_start3A_73] : memref<2000xi32, #tpu.memory_space<vmem>> -> memref<80xi32, #tpu.memory_space<vmem>>
      %dma_start3A_75 = arith.constant 0 : i32
      %dma_start3A_76 = arith.constant 0 : i32
      %dma_start3A_77 = tpu.memref_slice %arg2[%dma_start3A_75, %dma_start3A_76] : memref<10000x128xf32, #tpu.memory_space<hbm>> -> memref<10000x128xf32, #tpu.memory_space<hbm>>
      tpu.enqueue_indirect_dma source(%dma_start3A_77 : memref<10000x128xf32, #tpu.memory_space<hbm>>) target(%arg11 : memref<80x128xf32, #tpu.memory_space<vmem>>) offsets(%dma_start3A_74 : memref<80xi32, #tpu.memory_space<vmem>>) semaphore(%arg16 : memref<!tpu.dma_semaphore, #tpu.memory_space<semaphore_mem>>)
      %dma_start3A_78 = arith.constant 240 : i32
      %dma_start3A_79 = tpu.memref_slice %arg6[%dma_start3A_78] : memref<2000xi32, #tpu.memory_space<vmem>> -> memref<80xi32, #tpu.memory_space<vmem>>
      %dma_start3A_80 = arith.constant 0 : i32
      %dma_start3A_81 = arith.constant 0 : i32
      %dma_start3A_82 = tpu.memref_slice %arg2[%dma_start3A_80, %dma_start3A_81] : memref<10000x128xf32, #tpu.memory_space<hbm>> -> memref<10000x128xf32, #tpu.memory_space<hbm>>
      tpu.enqueue_indirect_dma source(%dma_start3A_82 : memref<10000x128xf32, #tpu.memory_space<hbm>>) target(%arg12 : memref<80x128xf32, #tpu.memory_space<vmem>>) offsets(%dma_start3A_79 : memref<80xi32, #tpu.memory_space<vmem>>) semaphore(%arg17 : memref<!tpu.dma_semaphore, #tpu.memory_space<semaphore_mem>>)
      %scan3A_83 = arith.constant 0 : i32
      %scan3A_84 = arith.constant 0 : i32
      %scan3A_85 = arith.constant 6 : i32
      %scan3A_86 = arith.addi %scan3A_84, %scan3A_85 : i32
      %scan3A_87 = arith.constant 1 : i32
      scf.for %scan3A_107 = %scan3A_84 to %scan3A_86 step %scan3A_87  : i32 {
        %mul3A_108 = arith.constant 4 : i32
        %mul3A_109 = arith.muli %mul3A_108, %scan3A_107 : i32
        %add3A_110 = arith.constant 0 : i32
        %add3A_111 = arith.addi %mul3A_109, %add3A_110 : i32
        %mul3A_112 = arith.constant 80 : i32
        %mul3A_113 = arith.muli %add3A_111, %mul3A_112 : i32
        %dma_wait3A_114 = tpu.memref_slice %arg6[%mul3A_113] : memref<2000xi32, #tpu.memory_space<vmem>> -> memref<80xi32, #tpu.memory_space<vmem>>
        %dma_wait3A_115 = arith.constant 0 : i32
        %dma_wait3A_116 = arith.constant 0 : i32
        %dma_wait3A_117 = tpu.memref_slice %arg2[%dma_wait3A_115, %dma_wait3A_116] : memref<10000x128xf32, #tpu.memory_space<hbm>> -> memref<10000x128xf32, #tpu.memory_space<hbm>>
        tpu.wait_indirect_dma semaphore(%arg14 : memref<!tpu.dma_semaphore, #tpu.memory_space<semaphore_mem>>) src(%dma_wait3A_117 : memref<10000x128xf32, #tpu.memory_space<hbm>>) dst(%arg9 : memref<80x128xf32, #tpu.memory_space<vmem>>)
        %add3A_118 = arith.constant 0 : i32
        %add3A_119 = arith.addi %mul3A_109, %add3A_118 : i32
        %dma_start3A_120 = arith.constant 0 : i32
        %dma_start3A_121 = tpu.memref_slice %arg8[%add3A_119, %dma_start3A_120] : memref<25x80xi32, #tpu.memory_space<vmem>> -> memref<1x80xi32, #tpu.memory_space<vmem>>
        %dma_start3A_122 = tpu.memref_squeeze %dma_start3A_121 : memref<1x80xi32, #tpu.memory_space<vmem>> -> memref<80xi32, #tpu.memory_space<vmem>>
        %dma_start3A_123 = arith.constant 0 : i32
        %dma_start3A_124 = arith.constant 0 : i32
        %dma_start3A_125 = tpu.memref_slice %arg13[%dma_start3A_123, %dma_start3A_124] : memref<10240x128xf32, #tpu.memory_space<vmem_shared>> -> memref<10240x128xf32, #tpu.memory_space<vmem_shared>>
        tpu.enqueue_indirect_dma source(%arg9 : memref<80x128xf32, #tpu.memory_space<vmem>>) target(%dma_start3A_125 : memref<10240x128xf32, #tpu.memory_space<vmem_shared>>) offsets(%dma_start3A_122 : memref<80xi32, #tpu.memory_space<vmem>>) semaphore(%arg18 : memref<!tpu.dma_semaphore, #tpu.memory_space<semaphore_mem>>) {add = true}
        %add3A_126 = arith.constant 1 : i32
        %add3A_127 = arith.addi %mul3A_109, %add3A_126 : i32
        %mul3A_128 = arith.constant 80 : i32
        %mul3A_129 = arith.muli %add3A_127, %mul3A_128 : i32
        %dma_wait3A_130 = tpu.memref_slice %arg6[%mul3A_129] : memref<2000xi32, #tpu.memory_space<vmem>> -> memref<80xi32, #tpu.memory_space<vmem>>
        %dma_wait3A_131 = arith.constant 0 : i32
        %dma_wait3A_132 = arith.constant 0 : i32
        %dma_wait3A_133 = tpu.memref_slice %arg2[%dma_wait3A_131, %dma_wait3A_132] : memref<10000x128xf32, #tpu.memory_space<hbm>> -> memref<10000x128xf32, #tpu.memory_space<hbm>>
        tpu.wait_indirect_dma semaphore(%arg15 : memref<!tpu.dma_semaphore, #tpu.memory_space<semaphore_mem>>) src(%dma_wait3A_133 : memref<10000x128xf32, #tpu.memory_space<hbm>>) dst(%arg10 : memref<80x128xf32, #tpu.memory_space<vmem>>)
        %add3A_134 = arith.constant 1 : i32
        %add3A_135 = arith.addi %mul3A_109, %add3A_134 : i32
        %dma_start3A_136 = arith.constant 0 : i32
        %dma_start3A_137 = tpu.memref_slice %arg8[%add3A_135, %dma_start3A_136] : memref<25x80xi32, #tpu.memory_space<vmem>> -> memref<1x80xi32, #tpu.memory_space<vmem>>
        %dma_start3A_138 = tpu.memref_squeeze %dma_start3A_137 : memref<1x80xi32, #tpu.memory_space<vmem>> -> memref<80xi32, #tpu.memory_space<vmem>>
        %dma_start3A_139 = arith.constant 0 : i32
        %dma_start3A_140 = arith.constant 0 : i32
        %dma_start3A_141 = tpu.memref_slice %arg13[%dma_start3A_139, %dma_start3A_140] : memref<10240x128xf32, #tpu.memory_space<vmem_shared>> -> memref<10240x128xf32, #tpu.memory_space<vmem_shared>>
        tpu.enqueue_indirect_dma source(%arg10 : memref<80x128xf32, #tpu.memory_space<vmem>>) target(%dma_start3A_141 : memref<10240x128xf32, #tpu.memory_space<vmem_shared>>) offsets(%dma_start3A_138 : memref<80xi32, #tpu.memory_space<vmem>>) semaphore(%arg19 : memref<!tpu.dma_semaphore, #tpu.memory_space<semaphore_mem>>) {add = true}
        %add3A_142 = arith.constant 2 : i32
        %add3A_143 = arith.addi %mul3A_109, %add3A_142 : i32
        %mul3A_144 = arith.constant 80 : i32
        %mul3A_145 = arith.muli %add3A_143, %mul3A_144 : i32
        %dma_wait3A_146 = tpu.memref_slice %arg6[%mul3A_145] : memref<2000xi32, #tpu.memory_space<vmem>> -> memref<80xi32, #tpu.memory_space<vmem>>
        %dma_wait3A_147 = arith.constant 0 : i32
        %dma_wait3A_148 = arith.constant 0 : i32
        %dma_wait3A_149 = tpu.memref_slice %arg2[%dma_wait3A_147, %dma_wait3A_148] : memref<10000x128xf32, #tpu.memory_space<hbm>> -> memref<10000x128xf32, #tpu.memory_space<hbm>>
        tpu.wait_indirect_dma semaphore(%arg16 : memref<!tpu.dma_semaphore, #tpu.memory_space<semaphore_mem>>) src(%dma_wait3A_149 : memref<10000x128xf32, #tpu.memory_space<hbm>>) dst(%arg11 : memref<80x128xf32, #tpu.memory_space<vmem>>)
        %add3A_150 = arith.constant 2 : i32
        %add3A_151 = arith.addi %mul3A_109, %add3A_150 : i32
        %dma_start3A_152 = arith.constant 0 : i32
        %dma_start3A_153 = tpu.memref_slice %arg8[%add3A_151, %dma_start3A_152] : memref<25x80xi32, #tpu.memory_space<vmem>> -> memref<1x80xi32, #tpu.memory_space<vmem>>
        %dma_start3A_154 = tpu.memref_squeeze %dma_start3A_153 : memref<1x80xi32, #tpu.memory_space<vmem>> -> memref<80xi32, #tpu.memory_space<vmem>>
        %dma_start3A_155 = arith.constant 0 : i32
        %dma_start3A_156 = arith.constant 0 : i32
        %dma_start3A_157 = tpu.memref_slice %arg13[%dma_start3A_155, %dma_start3A_156] : memref<10240x128xf32, #tpu.memory_space<vmem_shared>> -> memref<10240x128xf32, #tpu.memory_space<vmem_shared>>
        tpu.enqueue_indirect_dma source(%arg11 : memref<80x128xf32, #tpu.memory_space<vmem>>) target(%dma_start3A_157 : memref<10240x128xf32, #tpu.memory_space<vmem_shared>>) offsets(%dma_start3A_154 : memref<80xi32, #tpu.memory_space<vmem>>) semaphore(%arg20 : memref<!tpu.dma_semaphore, #tpu.memory_space<semaphore_mem>>) {add = true}
        %add3A_158 = arith.constant 3 : i32
        %add3A_159 = arith.addi %mul3A_109, %add3A_158 : i32
        %mul3A_160 = arith.constant 80 : i32
        %mul3A_161 = arith.muli %add3A_159, %mul3A_160 : i32
        %dma_wait3A_162 = tpu.memref_slice %arg6[%mul3A_161] : memref<2000xi32, #tpu.memory_space<vmem>> -> memref<80xi32, #tpu.memory_space<vmem>>
        %dma_wait3A_163 = arith.constant 0 : i32
        %dma_wait3A_164 = arith.constant 0 : i32
        %dma_wait3A_165 = tpu.memref_slice %arg2[%dma_wait3A_163, %dma_wait3A_164] : memref<10000x128xf32, #tpu.memory_space<hbm>> -> memref<10000x128xf32, #tpu.memory_space<hbm>>
        tpu.wait_indirect_dma semaphore(%arg17 : memref<!tpu.dma_semaphore, #tpu.memory_space<semaphore_mem>>) src(%dma_wait3A_165 : memref<10000x128xf32, #tpu.memory_space<hbm>>) dst(%arg12 : memref<80x128xf32, #tpu.memory_space<vmem>>)
        %add3A_166 = arith.constant 3 : i32
        %add3A_167 = arith.addi %mul3A_109, %add3A_166 : i32
        %dma_start3A_168 = arith.constant 0 : i32
        %dma_start3A_169 = tpu.memref_slice %arg8[%add3A_167, %dma_start3A_168] : memref<25x80xi32, #tpu.memory_space<vmem>> -> memref<1x80xi32, #tpu.memory_space<vmem>>
        %dma_start3A_170 = tpu.memref_squeeze %dma_start3A_169 : memref<1x80xi32, #tpu.memory_space<vmem>> -> memref<80xi32, #tpu.memory_space<vmem>>
        %dma_start3A_171 = arith.constant 0 : i32
        %dma_start3A_172 = arith.constant 0 : i32
        %dma_start3A_173 = tpu.memref_slice %arg13[%dma_start3A_171, %dma_start3A_172] : memref<10240x128xf32, #tpu.memory_space<vmem_shared>> -> memref<10240x128xf32, #tpu.memory_space<vmem_shared>>
        tpu.enqueue_indirect_dma source(%arg12 : memref<80x128xf32, #tpu.memory_space<vmem>>) target(%dma_start3A_173 : memref<10240x128xf32, #tpu.memory_space<vmem_shared>>) offsets(%dma_start3A_170 : memref<80xi32, #tpu.memory_space<vmem>>) semaphore(%arg21 : memref<!tpu.dma_semaphore, #tpu.memory_space<semaphore_mem>>) {add = true}
        %add3A_174 = arith.constant 0 : i32
        %add3A_175 = arith.addi %mul3A_109, %add3A_174 : i32
        %dma_wait3A_176 = arith.constant 0 : i32
        %dma_wait3A_177 = tpu.memref_slice %arg8[%add3A_175, %dma_wait3A_176] : memref<25x80xi32, #tpu.memory_space<vmem>> -> memref<1x80xi32, #tpu.memory_space<vmem>>
        %dma_wait3A_178 = tpu.memref_squeeze %dma_wait3A_177 : memref<1x80xi32, #tpu.memory_space<vmem>> -> memref<80xi32, #tpu.memory_space<vmem>>
        %dma_wait3A_179 = arith.constant 0 : i32
        %dma_wait3A_180 = arith.constant 0 : i32
        %dma_wait3A_181 = tpu.memref_slice %arg13[%dma_wait3A_179, %dma_wait3A_180] : memref<10240x128xf32, #tpu.memory_space<vmem_shared>> -> memref<10240x128xf32, #tpu.memory_space<vmem_shared>>
        tpu.wait_indirect_dma semaphore(%arg18 : memref<!tpu.dma_semaphore, #tpu.memory_space<semaphore_mem>>) src(%arg9 : memref<80x128xf32, #tpu.memory_space<vmem>>) dst(%dma_wait3A_181 : memref<10240x128xf32, #tpu.memory_space<vmem_shared>>)
        %add3A_182 = arith.constant 0 : i32
        %add3A_183 = arith.addi %mul3A_109, %add3A_182 : i32
        %add3A_184 = arith.constant 4 : i32
        %add3A_185 = arith.addi %add3A_183, %add3A_184 : i32
        %lt3A = arith.constant 25 : i32
        %lt3A_186 = arith.cmpi slt, %add3A_185, %lt3A : i32
        %add3A_187 = arith.constant 0 : i32
        %add3A_188 = arith.addi %mul3A_109, %add3A_187 : i32
        %add3A_189 = arith.constant 4 : i32
        %add3A_190 = arith.addi %add3A_188, %add3A_189 : i32
        %convert_element_type3A = arith.extui %lt3A_186 : i1 to i32
        %cond3A = arith.constant 0 : i32
        %cond3A_191 = arith.cmpi ne, %convert_element_type3A, %cond3A : i32
        scf.if %cond3A_191 {
          %mul3A_255 = arith.constant 80 : i32
          %mul3A_256 = arith.muli %add3A_190, %mul3A_255 : i32
          %dma_start3A_257 = tpu.memref_slice %arg6[%mul3A_256] : memref<2000xi32, #tpu.memory_space<vmem>> -> memref<80xi32, #tpu.memory_space<vmem>>
          %dma_start3A_258 = arith.constant 0 : i32
          %dma_start3A_259 = arith.constant 0 : i32
          %dma_start3A_260 = tpu.memref_slice %arg2[%dma_start3A_258, %dma_start3A_259] : memref<10000x128xf32, #tpu.memory_space<hbm>> -> memref<10000x128xf32, #tpu.memory_space<hbm>>
          tpu.enqueue_indirect_dma source(%dma_start3A_260 : memref<10000x128xf32, #tpu.memory_space<hbm>>) target(%arg9 : memref<80x128xf32, #tpu.memory_space<vmem>>) offsets(%dma_start3A_257 : memref<80xi32, #tpu.memory_space<vmem>>) semaphore(%arg14 : memref<!tpu.dma_semaphore, #tpu.memory_space<semaphore_mem>>)
        } else {
        }
        %add3A_192 = arith.constant 1 : i32
        %add3A_193 = arith.addi %mul3A_109, %add3A_192 : i32
        %dma_wait3A_194 = arith.constant 0 : i32
        %dma_wait3A_195 = tpu.memref_slice %arg8[%add3A_193, %dma_wait3A_194] : memref<25x80xi32, #tpu.memory_space<vmem>> -> memref<1x80xi32, #tpu.memory_space<vmem>>
        %dma_wait3A_196 = tpu.memref_squeeze %dma_wait3A_195 : memref<1x80xi32, #tpu.memory_space<vmem>> -> memref<80xi32, #tpu.memory_space<vmem>>
        %dma_wait3A_197 = arith.constant 0 : i32
        %dma_wait3A_198 = arith.constant 0 : i32
        %dma_wait3A_199 = tpu.memref_slice %arg13[%dma_wait3A_197, %dma_wait3A_198] : memref<10240x128xf32, #tpu.memory_space<vmem_shared>> -> memref<10240x128xf32, #tpu.memory_space<vmem_shared>>
        tpu.wait_indirect_dma semaphore(%arg19 : memref<!tpu.dma_semaphore, #tpu.memory_space<semaphore_mem>>) src(%arg10 : memref<80x128xf32, #tpu.memory_space<vmem>>) dst(%dma_wait3A_199 : memref<10240x128xf32, #tpu.memory_space<vmem_shared>>)
        %add3A_200 = arith.constant 1 : i32
        %add3A_201 = arith.addi %mul3A_109, %add3A_200 : i32
        %add3A_202 = arith.constant 4 : i32
        %add3A_203 = arith.addi %add3A_201, %add3A_202 : i32
        %lt3A_204 = arith.constant 25 : i32
        %lt3A_205 = arith.cmpi slt, %add3A_203, %lt3A_204 : i32
        %add3A_206 = arith.constant 1 : i32
        %add3A_207 = arith.addi %mul3A_109, %add3A_206 : i32
        %add3A_208 = arith.constant 4 : i32
        %add3A_209 = arith.addi %add3A_207, %add3A_208 : i32
        %convert_element_type3A_210 = arith.extui %lt3A_205 : i1 to i32
        %cond3A_211 = arith.constant 0 : i32
        %cond3A_212 = arith.cmpi ne, %convert_element_type3A_210, %cond3A_211 : i32
        scf.if %cond3A_212 {
          %mul3A_255 = arith.constant 80 : i32
          %mul3A_256 = arith.muli %add3A_209, %mul3A_255 : i32
          %dma_start3A_257 = tpu.memref_slice %arg6[%mul3A_256] : memref<2000xi32, #tpu.memory_space<vmem>> -> memref<80xi32, #tpu.memory_space<vmem>>
          %dma_start3A_258 = arith.constant 0 : i32
          %dma_start3A_259 = arith.constant 0 : i32
          %dma_start3A_260 = tpu.memref_slice %arg2[%dma_start3A_258, %dma_start3A_259] : memref<10000x128xf32, #tpu.memory_space<hbm>> -> memref<10000x128xf32, #tpu.memory_space<hbm>>
          tpu.enqueue_indirect_dma source(%dma_start3A_260 : memref<10000x128xf32, #tpu.memory_space<hbm>>) target(%arg10 : memref<80x128xf32, #tpu.memory_space<vmem>>) offsets(%dma_start3A_257 : memref<80xi32, #tpu.memory_space<vmem>>) semaphore(%arg15 : memref<!tpu.dma_semaphore, #tpu.memory_space<semaphore_mem>>)
        } else {
        }
        %add3A_213 = arith.constant 2 : i32
        %add3A_214 = arith.addi %mul3A_109, %add3A_213 : i32
        %dma_wait3A_215 = arith.constant 0 : i32
        %dma_wait3A_216 = tpu.memref_slice %arg8[%add3A_214, %dma_wait3A_215] : memref<25x80xi32, #tpu.memory_space<vmem>> -> memref<1x80xi32, #tpu.memory_space<vmem>>
        %dma_wait3A_217 = tpu.memref_squeeze %dma_wait3A_216 : memref<1x80xi32, #tpu.memory_space<vmem>> -> memref<80xi32, #tpu.memory_space<vmem>>
        %dma_wait3A_218 = arith.constant 0 : i32
        %dma_wait3A_219 = arith.constant 0 : i32
        %dma_wait3A_220 = tpu.memref_slice %arg13[%dma_wait3A_218, %dma_wait3A_219] : memref<10240x128xf32, #tpu.memory_space<vmem_shared>> -> memref<10240x128xf32, #tpu.memory_space<vmem_shared>>
        tpu.wait_indirect_dma semaphore(%arg20 : memref<!tpu.dma_semaphore, #tpu.memory_space<semaphore_mem>>) src(%arg11 : memref<80x128xf32, #tpu.memory_space<vmem>>) dst(%dma_wait3A_220 : memref<10240x128xf32, #tpu.memory_space<vmem_shared>>)
        %add3A_221 = arith.constant 2 : i32
        %add3A_222 = arith.addi %mul3A_109, %add3A_221 : i32
        %add3A_223 = arith.constant 4 : i32
        %add3A_224 = arith.addi %add3A_222, %add3A_223 : i32
        %lt3A_225 = arith.constant 25 : i32
        %lt3A_226 = arith.cmpi slt, %add3A_224, %lt3A_225 : i32
        %add3A_227 = arith.constant 2 : i32
        %add3A_228 = arith.addi %mul3A_109, %add3A_227 : i32
        %add3A_229 = arith.constant 4 : i32
        %add3A_230 = arith.addi %add3A_228, %add3A_229 : i32
        %convert_element_type3A_231 = arith.extui %lt3A_226 : i1 to i32
        %cond3A_232 = arith.constant 0 : i32
        %cond3A_233 = arith.cmpi ne, %convert_element_type3A_231, %cond3A_232 : i32
        scf.if %cond3A_233 {
          %mul3A_255 = arith.constant 80 : i32
          %mul3A_256 = arith.muli %add3A_230, %mul3A_255 : i32
          %dma_start3A_257 = tpu.memref_slice %arg6[%mul3A_256] : memref<2000xi32, #tpu.memory_space<vmem>> -> memref<80xi32, #tpu.memory_space<vmem>>
          %dma_start3A_258 = arith.constant 0 : i32
          %dma_start3A_259 = arith.constant 0 : i32
          %dma_start3A_260 = tpu.memref_slice %arg2[%dma_start3A_258, %dma_start3A_259] : memref<10000x128xf32, #tpu.memory_space<hbm>> -> memref<10000x128xf32, #tpu.memory_space<hbm>>
          tpu.enqueue_indirect_dma source(%dma_start3A_260 : memref<10000x128xf32, #tpu.memory_space<hbm>>) target(%arg11 : memref<80x128xf32, #tpu.memory_space<vmem>>) offsets(%dma_start3A_257 : memref<80xi32, #tpu.memory_space<vmem>>) semaphore(%arg16 : memref<!tpu.dma_semaphore, #tpu.memory_space<semaphore_mem>>)
        } else {
        }
        %add3A_234 = arith.constant 3 : i32
        %add3A_235 = arith.addi %mul3A_109, %add3A_234 : i32
        %dma_wait3A_236 = arith.constant 0 : i32
        %dma_wait3A_237 = tpu.memref_slice %arg8[%add3A_235, %dma_wait3A_236] : memref<25x80xi32, #tpu.memory_space<vmem>> -> memref<1x80xi32, #tpu.memory_space<vmem>>
        %dma_wait3A_238 = tpu.memref_squeeze %dma_wait3A_237 : memref<1x80xi32, #tpu.memory_space<vmem>> -> memref<80xi32, #tpu.memory_space<vmem>>
        %dma_wait3A_239 = arith.constant 0 : i32
        %dma_wait3A_240 = arith.constant 0 : i32
        %dma_wait3A_241 = tpu.memref_slice %arg13[%dma_wait3A_239, %dma_wait3A_240] : memref<10240x128xf32, #tpu.memory_space<vmem_shared>> -> memref<10240x128xf32, #tpu.memory_space<vmem_shared>>
        tpu.wait_indirect_dma semaphore(%arg21 : memref<!tpu.dma_semaphore, #tpu.memory_space<semaphore_mem>>) src(%arg12 : memref<80x128xf32, #tpu.memory_space<vmem>>) dst(%dma_wait3A_241 : memref<10240x128xf32, #tpu.memory_space<vmem_shared>>)
        %add3A_242 = arith.constant 3 : i32
        %add3A_243 = arith.addi %mul3A_109, %add3A_242 : i32
        %add3A_244 = arith.constant 4 : i32
        %add3A_245 = arith.addi %add3A_243, %add3A_244 : i32
        %lt3A_246 = arith.constant 25 : i32
        %lt3A_247 = arith.cmpi slt, %add3A_245, %lt3A_246 : i32
        %add3A_248 = arith.constant 3 : i32
        %add3A_249 = arith.addi %mul3A_109, %add3A_248 : i32
        %add3A_250 = arith.constant 4 : i32
        %add3A_251 = arith.addi %add3A_249, %add3A_250 : i32
        %convert_element_type3A_252 = arith.extui %lt3A_247 : i1 to i32
        %cond3A_253 = arith.constant 0 : i32
        %cond3A_254 = arith.cmpi ne, %convert_element_type3A_252, %cond3A_253 : i32
        scf.if %cond3A_254 {
          %mul3A_255 = arith.constant 80 : i32
          %mul3A_256 = arith.muli %add3A_251, %mul3A_255 : i32
          %dma_start3A_257 = tpu.memref_slice %arg6[%mul3A_256] : memref<2000xi32, #tpu.memory_space<vmem>> -> memref<80xi32, #tpu.memory_space<vmem>>
          %dma_start3A_258 = arith.constant 0 : i32
          %dma_start3A_259 = arith.constant 0 : i32
          %dma_start3A_260 = tpu.memref_slice %arg2[%dma_start3A_258, %dma_start3A_259] : memref<10000x128xf32, #tpu.memory_space<hbm>> -> memref<10000x128xf32, #tpu.memory_space<hbm>>
          tpu.enqueue_indirect_dma source(%dma_start3A_260 : memref<10000x128xf32, #tpu.memory_space<hbm>>) target(%arg12 : memref<80x128xf32, #tpu.memory_space<vmem>>) offsets(%dma_start3A_257 : memref<80xi32, #tpu.memory_space<vmem>>) semaphore(%arg17 : memref<!tpu.dma_semaphore, #tpu.memory_space<semaphore_mem>>)
        } else {
        }
      }
      %scan3A_88 = arith.constant 6 : i32
      %dma_wait3A = arith.constant 1920 : i32
      %dma_wait3A_89 = tpu.memref_slice %arg6[%dma_wait3A] : memref<2000xi32, #tpu.memory_space<vmem>> -> memref<80xi32, #tpu.memory_space<vmem>>
      %dma_wait3A_90 = arith.constant 0 : i32
      %dma_wait3A_91 = arith.constant 0 : i32
      %dma_wait3A_92 = tpu.memref_slice %arg2[%dma_wait3A_90, %dma_wait3A_91] : memref<10000x128xf32, #tpu.memory_space<hbm>> -> memref<10000x128xf32, #tpu.memory_space<hbm>>
      tpu.wait_indirect_dma semaphore(%arg14 : memref<!tpu.dma_semaphore, #tpu.memory_space<semaphore_mem>>) src(%dma_wait3A_92 : memref<10000x128xf32, #tpu.memory_space<hbm>>) dst(%arg9 : memref<80x128xf32, #tpu.memory_space<vmem>>)
      %dma_start3A_93 = arith.constant 24 : i32
      %dma_start3A_94 = arith.constant 0 : i32
      %dma_start3A_95 = tpu.memref_slice %arg8[%dma_start3A_93, %dma_start3A_94] : memref<25x80xi32, #tpu.memory_space<vmem>> -> memref<1x80xi32, #tpu.memory_space<vmem>>
      %dma_start3A_96 = tpu.memref_squeeze %dma_start3A_95 : memref<1x80xi32, #tpu.memory_space<vmem>> -> memref<80xi32, #tpu.memory_space<vmem>>
      %dma_start3A_97 = arith.constant 0 : i32
      %dma_start3A_98 = arith.constant 0 : i32
      %dma_start3A_99 = tpu.memref_slice %arg13[%dma_start3A_97, %dma_start3A_98] : memref<10240x128xf32, #tpu.memory_space<vmem_shared>> -> memref<10240x128xf32, #tpu.memory_space<vmem_shared>>
      tpu.enqueue_indirect_dma source(%arg9 : memref<80x128xf32, #tpu.memory_space<vmem>>) target(%dma_start3A_99 : memref<10240x128xf32, #tpu.memory_space<vmem_shared>>) offsets(%dma_start3A_96 : memref<80xi32, #tpu.memory_space<vmem>>) semaphore(%arg18 : memref<!tpu.dma_semaphore, #tpu.memory_space<semaphore_mem>>) {add = true}
      %dma_wait3A_100 = arith.constant 24 : i32
      %dma_wait3A_101 = arith.constant 0 : i32
      %dma_wait3A_102 = tpu.memref_slice %arg8[%dma_wait3A_100, %dma_wait3A_101] : memref<25x80xi32, #tpu.memory_space<vmem>> -> memref<1x80xi32, #tpu.memory_space<vmem>>
      %dma_wait3A_103 = tpu.memref_squeeze %dma_wait3A_102 : memref<1x80xi32, #tpu.memory_space<vmem>> -> memref<80xi32, #tpu.memory_space<vmem>>
      %dma_wait3A_104 = arith.constant 0 : i32
      %dma_wait3A_105 = arith.constant 0 : i32
      %dma_wait3A_106 = tpu.memref_slice %arg13[%dma_wait3A_104, %dma_wait3A_105] : memref<10240x128xf32, #tpu.memory_space<vmem_shared>> -> memref<10240x128xf32, #tpu.memory_space<vmem_shared>>
      tpu.wait_indirect_dma semaphore(%arg18 : memref<!tpu.dma_semaphore, #tpu.memory_space<semaphore_mem>>) src(%arg9 : memref<80x128xf32, #tpu.memory_space<vmem>>) dst(%dma_wait3A_106 : memref<10240x128xf32, #tpu.memory_space<vmem_shared>>)
    }
    %scan3A_45 = arith.constant 5 : i32
    %barrier3A_46 = arith.constant 0 : index
    tpu.barrier barrier_id(%barrier3A_46)
    %mul3A_47 = arith.constant 640 : i32
    %mul3A_48 = arith.muli %arg1, %mul3A_47 : i32
    %mul3A_49 = arith.constant 640 : i32
    %mul3A_50 = arith.muli %arg1, %mul3A_49 : i32
    "tpu.region"() ({
      %run_scoped3A = tpu.sem_alloc : memref<!tpu.dma_semaphore, #tpu.memory_space<semaphore_mem>>
      %dma_start3A = arith.constant 0 : i32
      %dma_start3A_51 = tpu.memref_slice %arg5[%arg0, %mul3A_50, %dma_start3A] : memref<2x10240x128xf32, #tpu.memory_space<hbm>> -> memref<1x640x128xf32, #tpu.memory_space<hbm>>
      %dma_start3A_52 = tpu.memref_squeeze %dma_start3A_51 : memref<1x640x128xf32, #tpu.memory_space<hbm>> -> memref<640x128xf32, #tpu.memory_space<hbm>>
      %dma_start3A_53 = arith.constant 0 : i32
      %dma_start3A_54 = tpu.memref_slice %arg13[%mul3A_48, %dma_start3A_53] : memref<10240x128xf32, #tpu.memory_space<vmem_shared>> -> memref<640x128xf32, #tpu.memory_space<vmem_shared>>
      tpu.enqueue_dma source(%dma_start3A_54 : memref<640x128xf32, #tpu.memory_space<vmem_shared>>) target(%dma_start3A_52 : memref<640x128xf32, #tpu.memory_space<hbm>>) target_semaphore(%run_scoped3A : memref<!tpu.dma_semaphore, #tpu.memory_space<semaphore_mem>>)
      %dma_wait3A = arith.constant 0 : i32
      %dma_wait3A_55 = tpu.memref_slice %arg5[%arg0, %mul3A_50, %dma_wait3A] : memref<2x10240x128xf32, #tpu.memory_space<hbm>> -> memref<1x640x128xf32, #tpu.memory_space<hbm>>
      %dma_wait3A_56 = tpu.memref_squeeze %dma_wait3A_55 : memref<1x640x128xf32, #tpu.memory_space<hbm>> -> memref<640x128xf32, #tpu.memory_space<hbm>>
      %dma_wait3A_57 = arith.constant 0 : i32
      %dma_wait3A_58 = tpu.memref_slice %arg13[%mul3A_48, %dma_wait3A_57] : memref<10240x128xf32, #tpu.memory_space<vmem_shared>> -> memref<640x128xf32, #tpu.memory_space<vmem_shared>>
      tpu.wait_dma2 semaphore(%run_scoped3A : memref<!tpu.dma_semaphore, #tpu.memory_space<semaphore_mem>>) src(%dma_wait3A_58 : memref<640x128xf32, #tpu.memory_space<vmem_shared>>) dst(%dma_wait3A_56 : memref<640x128xf32, #tpu.memory_space<hbm>>)
      tpu.yield
    }) : () -> ()
    return
  }
}

#map = affine_map<(d0, d1) -> (0, 0)>
#map1 = affine_map<(d0, d1) -> (0)>
#map2 = affine_map<(d0, d1) -> (0, 0, 0)>
module attributes {stable_mosaic.version = 14 : i64} {
  func.func @_sc_round(%arg0: i32, %arg1: i32, %arg2: memref<10000x128xf32, #tpu.memory_space<hbm>>, %arg3: memref<320000xi32, #tpu.memory_space<hbm>>, %arg4: memref<320000xi32, #tpu.memory_space<hbm>>, %arg5: memref<2x10240x128xf32, #tpu.memory_space<hbm>>, %arg6: memref<2000xi32, #tpu.memory_space<vmem>>, %arg7: memref<2000xi32, #tpu.memory_space<vmem>>, %arg8: memref<25x80xi32, #tpu.memory_space<vmem>>, %arg9: memref<80x128xf32, #tpu.memory_space<vmem>>, %arg10: memref<80x128xf32, #tpu.memory_space<vmem>>, %arg11: memref<80x128xf32, #tpu.memory_space<vmem>>, %arg12: memref<80x128xf32, #tpu.memory_space<vmem>>, %arg13: memref<10240x128xf32, #tpu.memory_space<vmem_shared>>, %arg14: memref<!tpu.dma_semaphore, #tpu.memory_space<semaphore_mem>>, %arg15: memref<!tpu.dma_semaphore, #tpu.memory_space<semaphore_mem>>, %arg16: memref<!tpu.dma_semaphore, #tpu.memory_space<semaphore_mem>>, %arg17: memref<!tpu.dma_semaphore, #tpu.memory_space<semaphore_mem>>, %arg18: memref<!tpu.dma_semaphore, #tpu.memory_space<semaphore_mem>>, %arg19: memref<!tpu.dma_semaphore, #tpu.memory_space<semaphore_mem>>, %arg20: memref<!tpu.dma_semaphore, #tpu.memory_space<semaphore_mem>>, %arg21: memref<!tpu.dma_semaphore, #tpu.memory_space<semaphore_mem>>) attributes {dimension_semantics = [#tpu.dimension_semantics<core_parallel>, #tpu.dimension_semantics<subcore_parallel>], iteration_bounds = array<i64: 2, 16>, scalar_prefetch = 0 : i64, scratch_operands = 16 : i64, tpu.core_type = #tpu.core_type<sc_vector_subcore>, window_params = [{transform_indices = #map}, {transform_indices = #map1}, {transform_indices = #map1}, {transform_indices = #map2}]} {
    %mul3A = arith.constant 16 : i32
    %mul3A_0 = arith.muli %arg0, %mul3A : i32
    %add3A = arith.addi %mul3A_0, %arg1 : i32
    %mul3A_1 = arith.constant 10000 : i32
    %mul3A_2 = arith.muli %add3A, %mul3A_1 : i32
    %scan3A = arith.constant 0 : i32
    %scan3A_3 = arith.constant 0 : i32
    %scan3A_4 = arith.constant 80 : i32
    %scan3A_5 = arith.addi %scan3A_3, %scan3A_4 : i32
    %scan3A_6 = arith.constant 1 : i32
    scf.for %scan3A_51 = %scan3A_3 to %scan3A_5 step %scan3A_6  : i32 {
      %broadcast_in_dim3A = arith.constant 0.000000e+00 : f32
      %broadcast_in_dim3A_52 = vector.broadcast %broadcast_in_dim3A : f32 to vector<16xf32>
      %swap3A = arith.index_cast %scan3A_51 : i32 to index
      %swap3A_53 = arith.constant 0 : index
      %swap3A_54 = tpu.vector_load %arg9[%swap3A, %swap3A_53] {strides = array<i32>} : memref<80x128xf32, #tpu.memory_space<vmem>>, vector<1x16xf32>,
      %swap3A_55 = vector.shape_cast %swap3A_54 : vector<1x16xf32> to vector<16xf32>
      %swap3A_56 = vector.shape_cast %broadcast_in_dim3A_52 : vector<16xf32> to vector<1x16xf32>
      tpu.vector_store %arg9[%swap3A, %swap3A_53], %swap3A_56 {strides = array<i32>} : memref<80x128xf32, #tpu.memory_space<vmem>>, vector<1x16xf32>,
      %broadcast_in_dim3A_57 = arith.constant 0.000000e+00 : f32
      %broadcast_in_dim3A_58 = vector.broadcast %broadcast_in_dim3A_57 : f32 to vector<16xf32>
      %swap3A_59 = arith.index_cast %scan3A_51 : i32 to index
      %swap3A_60 = arith.constant 16 : index
      %swap3A_61 = tpu.vector_load %arg9[%swap3A_59, %swap3A_60] {strides = array<i32>} : memref<80x128xf32, #tpu.memory_space<vmem>>, vector<1x16xf32>,
      %swap3A_62 = vector.shape_cast %swap3A_61 : vector<1x16xf32> to vector<16xf32>
      %swap3A_63 = vector.shape_cast %broadcast_in_dim3A_58 : vector<16xf32> to vector<1x16xf32>
      tpu.vector_store %arg9[%swap3A_59, %swap3A_60], %swap3A_63 {strides = array<i32>} : memref<80x128xf32, #tpu.memory_space<vmem>>, vector<1x16xf32>,
      %broadcast_in_dim3A_64 = arith.constant 0.000000e+00 : f32
      %broadcast_in_dim3A_65 = vector.broadcast %broadcast_in_dim3A_64 : f32 to vector<16xf32>
      %swap3A_66 = arith.index_cast %scan3A_51 : i32 to index
      %swap3A_67 = arith.constant 32 : index
      %swap3A_68 = tpu.vector_load %arg9[%swap3A_66, %swap3A_67] {strides = array<i32>} : memref<80x128xf32, #tpu.memory_space<vmem>>, vector<1x16xf32>,
      %swap3A_69 = vector.shape_cast %swap3A_68 : vector<1x16xf32> to vector<16xf32>
      %swap3A_70 = vector.shape_cast %broadcast_in_dim3A_65 : vector<16xf32> to vector<1x16xf32>
      tpu.vector_store %arg9[%swap3A_66, %swap3A_67], %swap3A_70 {strides = array<i32>} : memref<80x128xf32, #tpu.memory_space<vmem>>, vector<1x16xf32>,
      %broadcast_in_dim3A_71 = arith.constant 0.000000e+00 : f32
      %broadcast_in_dim3A_72 = vector.broadcast %broadcast_in_dim3A_71 : f32 to vector<16xf32>
      %swap3A_73 = arith.index_cast %scan3A_51 : i32 to index
      %swap3A_74 = arith.constant 48 : index
      %swap3A_75 = tpu.vector_load %arg9[%swap3A_73, %swap3A_74] {strides = array<i32>} : memref<80x128xf32, #tpu.memory_space<vmem>>, vector<1x16xf32>,
      %swap3A_76 = vector.shape_cast %swap3A_75 : vector<1x16xf32> to vector<16xf32>
      %swap3A_77 = vector.shape_cast %broadcast_in_dim3A_72 : vector<16xf32> to vector<1x16xf32>
      tpu.vector_store %arg9[%swap3A_73, %swap3A_74], %swap3A_77 {strides = array<i32>} : memref<80x128xf32, #tpu.memory_space<vmem>>, vector<1x16xf32>,
      %broadcast_in_dim3A_78 = arith.constant 0.000000e+00 : f32
      %broadcast_in_dim3A_79 = vector.broadcast %broadcast_in_dim3A_78 : f32 to vector<16xf32>
      %swap3A_80 = arith.index_cast %scan3A_51 : i32 to index
      %swap3A_81 = arith.constant 64 : index
      %swap3A_82 = tpu.vector_load %arg9[%swap3A_80, %swap3A_81] {strides = array<i32>} : memref<80x128xf32, #tpu.memory_space<vmem>>, vector<1x16xf32>,
      %swap3A_83 = vector.shape_cast %swap3A_82 : vector<1x16xf32> to vector<16xf32>
      %swap3A_84 = vector.shape_cast %broadcast_in_dim3A_79 : vector<16xf32> to vector<1x16xf32>
      tpu.vector_store %arg9[%swap3A_80, %swap3A_81], %swap3A_84 {strides = array<i32>} : memref<80x128xf32, #tpu.memory_space<vmem>>, vector<1x16xf32>,
      %broadcast_in_dim3A_85 = arith.constant 0.000000e+00 : f32
      %broadcast_in_dim3A_86 = vector.broadcast %broadcast_in_dim3A_85 : f32 to vector<16xf32>
      %swap3A_87 = arith.index_cast %scan3A_51 : i32 to index
      %swap3A_88 = arith.constant 80 : index
      %swap3A_89 = tpu.vector_load %arg9[%swap3A_87, %swap3A_88] {strides = array<i32>} : memref<80x128xf32, #tpu.memory_space<vmem>>, vector<1x16xf32>,
      %swap3A_90 = vector.shape_cast %swap3A_89 : vector<1x16xf32> to vector<16xf32>
      %swap3A_91 = vector.shape_cast %broadcast_in_dim3A_86 : vector<16xf32> to vector<1x16xf32>
      tpu.vector_store %arg9[%swap3A_87, %swap3A_88], %swap3A_91 {strides = array<i32>} : memref<80x128xf32, #tpu.memory_space<vmem>>, vector<1x16xf32>,
      %broadcast_in_dim3A_92 = arith.constant 0.000000e+00 : f32
      %broadcast_in_dim3A_93 = vector.broadcast %broadcast_in_dim3A_92 : f32 to vector<16xf32>
      %swap3A_94 = arith.index_cast %scan3A_51 : i32 to index
      %swap3A_95 = arith.constant 96 : index
      %swap3A_96 = tpu.vector_load %arg9[%swap3A_94, %swap3A_95] {strides = array<i32>} : memref<80x128xf32, #tpu.memory_space<vmem>>, vector<1x16xf32>,
      %swap3A_97 = vector.shape_cast %swap3A_96 : vector<1x16xf32> to vector<16xf32>
      %swap3A_98 = vector.shape_cast %broadcast_in_dim3A_93 : vector<16xf32> to vector<1x16xf32>
      tpu.vector_store %arg9[%swap3A_94, %swap3A_95], %swap3A_98 {strides = array<i32>} : memref<80x128xf32, #tpu.memory_space<vmem>>, vector<1x16xf32>,
      %broadcast_in_dim3A_99 = arith.constant 0.000000e+00 : f32
      %broadcast_in_dim3A_100 = vector.broadcast %broadcast_in_dim3A_99 : f32 to vector<16xf32>
      %swap3A_101 = arith.index_cast %scan3A_51 : i32 to index
      %swap3A_102 = arith.constant 112 : index
      %swap3A_103 = tpu.vector_load %arg9[%swap3A_101, %swap3A_102] {strides = array<i32>} : memref<80x128xf32, #tpu.memory_space<vmem>>, vector<1x16xf32>,
      %swap3A_104 = vector.shape_cast %swap3A_103 : vector<1x16xf32> to vector<16xf32>
      %swap3A_105 = vector.shape_cast %broadcast_in_dim3A_100 : vector<16xf32> to vector<1x16xf32>
      tpu.vector_store %arg9[%swap3A_101, %swap3A_102], %swap3A_105 {strides = array<i32>} : memref<80x128xf32, #tpu.memory_space<vmem>>, vector<1x16xf32>,
    }
    %scan3A_7 = arith.constant 80 : i32
    %mul3A_8 = arith.constant 640 : i32
    %mul3A_9 = arith.muli %arg1, %mul3A_8 : i32
    %add3A_10 = arith.constant 0 : i32
    %add3A_11 = arith.addi %mul3A_9, %add3A_10 : i32
    "tpu.region"() ({
      %run_scoped3A = tpu.sem_alloc : memref<!tpu.dma_semaphore, #tpu.memory_space<semaphore_mem>>
      %dma_start3A = arith.constant 0 : i32
      %dma_start3A_51 = tpu.memref_slice %arg13[%add3A_11, %dma_start3A] : memref<10240x128xf32, #tpu.memory_space<vmem_shared>> -> memref<80x128xf32, #tpu.memory_space<vmem_shared>>
      %dma_start3A_52 = arith.constant 0 : i32
      %dma_start3A_53 = tpu.memref_slice %arg13[%add3A_11, %dma_start3A_52] : memref<10240x128xf32, #tpu.memory_space<vmem_shared>> -> memref<80x128xf32, #tpu.memory_space<vmem_shared>>
      tpu.enqueue_dma source(%arg9 : memref<80x128xf32, #tpu.memory_space<vmem>>) target(%dma_start3A_53 : memref<80x128xf32, #tpu.memory_space<vmem_shared>>) target_semaphore(%run_scoped3A : memref<!tpu.dma_semaphore, #tpu.memory_space<semaphore_mem>>)
      %dma_wait3A = arith.constant 0 : i32
      %dma_wait3A_54 = tpu.memref_slice %arg13[%add3A_11, %dma_wait3A] : memref<10240x128xf32, #tpu.memory_space<vmem_shared>> -> memref<80x128xf32, #tpu.memory_space<vmem_shared>>
      %dma_wait3A_55 = arith.constant 0 : i32
      %dma_wait3A_56 = tpu.memref_slice %arg13[%add3A_11, %dma_wait3A_55] : memref<10240x128xf32, #tpu.memory_space<vmem_shared>> -> memref<80x128xf32, #tpu.memory_space<vmem_shared>>
      tpu.wait_dma2 semaphore(%run_scoped3A : memref<!tpu.dma_semaphore, #tpu.memory_space<semaphore_mem>>) src(%arg9 : memref<80x128xf32, #tpu.memory_space<vmem>>) dst(%dma_wait3A_56 : memref<80x128xf32, #tpu.memory_space<vmem_shared>>)
      tpu.yield
    }) : () -> ()
    %mul3A_12 = arith.constant 640 : i32
    %mul3A_13 = arith.muli %arg1, %mul3A_12 : i32
    %add3A_14 = arith.constant 80 : i32
    %add3A_15 = arith.addi %mul3A_13, %add3A_14 : i32
    "tpu.region"() ({
      %run_scoped3A = tpu.sem_alloc : memref<!tpu.dma_semaphore, #tpu.memory_space<semaphore_mem>>
      %dma_start3A = arith.constant 0 : i32
      %dma_start3A_51 = tpu.memref_slice %arg13[%add3A_15, %dma_start3A] : memref<10240x128xf32, #tpu.memory_space<vmem_shared>> -> memref<80x128xf32, #tpu.memory_space<vmem_shared>>
      %dma_start3A_52 = arith.constant 0 : i32
      %dma_start3A_53 = tpu.memref_slice %arg13[%add3A_15, %dma_start3A_52] : memref<10240x128xf32, #tpu.memory_space<vmem_shared>> -> memref<80x128xf32, #tpu.memory_space<vmem_shared>>
      tpu.enqueue_dma source(%arg9 : memref<80x128xf32, #tpu.memory_space<vmem>>) target(%dma_start3A_53 : memref<80x128xf32, #tpu.memory_space<vmem_shared>>) target_semaphore(%run_scoped3A : memref<!tpu.dma_semaphore, #tpu.memory_space<semaphore_mem>>)
      %dma_wait3A = arith.constant 0 : i32
      %dma_wait3A_54 = tpu.memref_slice %arg13[%add3A_15, %dma_wait3A] : memref<10240x128xf32, #tpu.memory_space<vmem_shared>> -> memref<80x128xf32, #tpu.memory_space<vmem_shared>>
      %dma_wait3A_55 = arith.constant 0 : i32
      %dma_wait3A_56 = tpu.memref_slice %arg13[%add3A_15, %dma_wait3A_55] : memref<10240x128xf32, #tpu.memory_space<vmem_shared>> -> memref<80x128xf32, #tpu.memory_space<vmem_shared>>
      tpu.wait_dma2 semaphore(%run_scoped3A : memref<!tpu.dma_semaphore, #tpu.memory_space<semaphore_mem>>) src(%arg9 : memref<80x128xf32, #tpu.memory_space<vmem>>) dst(%dma_wait3A_56 : memref<80x128xf32, #tpu.memory_space<vmem_shared>>)
      tpu.yield
    }) : () -> ()
    %mul3A_16 = arith.constant 640 : i32
    %mul3A_17 = arith.muli %arg1, %mul3A_16 : i32
    %add3A_18 = arith.constant 160 : i32
    %add3A_19 = arith.addi %mul3A_17, %add3A_18 : i32
    "tpu.region"() ({
      %run_scoped3A = tpu.sem_alloc : memref<!tpu.dma_semaphore, #tpu.memory_space<semaphore_mem>>
      %dma_start3A = arith.constant 0 : i32
      %dma_start3A_51 = tpu.memref_slice %arg13[%add3A_19, %dma_start3A] : memref<10240x128xf32, #tpu.memory_space<vmem_shared>> -> memref<80x128xf32, #tpu.memory_space<vmem_shared>>
      %dma_start3A_52 = arith.constant 0 : i32
      %dma_start3A_53 = tpu.memref_slice %arg13[%add3A_19, %dma_start3A_52] : memref<10240x128xf32, #tpu.memory_space<vmem_shared>> -> memref<80x128xf32, #tpu.memory_space<vmem_shared>>
      tpu.enqueue_dma source(%arg9 : memref<80x128xf32, #tpu.memory_space<vmem>>) target(%dma_start3A_53 : memref<80x128xf32, #tpu.memory_space<vmem_shared>>) target_semaphore(%run_scoped3A : memref<!tpu.dma_semaphore, #tpu.memory_space<semaphore_mem>>)
      %dma_wait3A = arith.constant 0 : i32
      %dma_wait3A_54 = tpu.memref_slice %arg13[%add3A_19, %dma_wait3A] : memref<10240x128xf32, #tpu.memory_space<vmem_shared>> -> memref<80x128xf32, #tpu.memory_space<vmem_shared>>
      %dma_wait3A_55 = arith.constant 0 : i32
      %dma_wait3A_56 = tpu.memref_slice %arg13[%add3A_19, %dma_wait3A_55] : memref<10240x128xf32, #tpu.memory_space<vmem_shared>> -> memref<80x128xf32, #tpu.memory_space<vmem_shared>>
      tpu.wait_dma2 semaphore(%run_scoped3A : memref<!tpu.dma_semaphore, #tpu.memory_space<semaphore_mem>>) src(%arg9 : memref<80x128xf32, #tpu.memory_space<vmem>>) dst(%dma_wait3A_56 : memref<80x128xf32, #tpu.memory_space<vmem_shared>>)
      tpu.yield
    }) : () -> ()
    %mul3A_20 = arith.constant 640 : i32
    %mul3A_21 = arith.muli %arg1, %mul3A_20 : i32
    %add3A_22 = arith.constant 240 : i32
    %add3A_23 = arith.addi %mul3A_21, %add3A_22 : i32
    "tpu.region"() ({
      %run_scoped3A = tpu.sem_alloc : memref<!tpu.dma_semaphore, #tpu.memory_space<semaphore_mem>>
      %dma_start3A = arith.constant 0 : i32
      %dma_start3A_51 = tpu.memref_slice %arg13[%add3A_23, %dma_start3A] : memref<10240x128xf32, #tpu.memory_space<vmem_shared>> -> memref<80x128xf32, #tpu.memory_space<vmem_shared>>
      %dma_start3A_52 = arith.constant 0 : i32
      %dma_start3A_53 = tpu.memref_slice %arg13[%add3A_23, %dma_start3A_52] : memref<10240x128xf32, #tpu.memory_space<vmem_shared>> -> memref<80x128xf32, #tpu.memory_space<vmem_shared>>
      tpu.enqueue_dma source(%arg9 : memref<80x128xf32, #tpu.memory_space<vmem>>) target(%dma_start3A_53 : memref<80x128xf32, #tpu.memory_space<vmem_shared>>) target_semaphore(%run_scoped3A : memref<!tpu.dma_semaphore, #tpu.memory_space<semaphore_mem>>)
      %dma_wait3A = arith.constant 0 : i32
      %dma_wait3A_54 = tpu.memref_slice %arg13[%add3A_23, %dma_wait3A] : memref<10240x128xf32, #tpu.memory_space<vmem_shared>> -> memref<80x128xf32, #tpu.memory_space<vmem_shared>>
      %dma_wait3A_55 = arith.constant 0 : i32
      %dma_wait3A_56 = tpu.memref_slice %arg13[%add3A_23, %dma_wait3A_55] : memref<10240x128xf32, #tpu.memory_space<vmem_shared>> -> memref<80x128xf32, #tpu.memory_space<vmem_shared>>
      tpu.wait_dma2 semaphore(%run_scoped3A : memref<!tpu.dma_semaphore, #tpu.memory_space<semaphore_mem>>) src(%arg9 : memref<80x128xf32, #tpu.memory_space<vmem>>) dst(%dma_wait3A_56 : memref<80x128xf32, #tpu.memory_space<vmem_shared>>)
      tpu.yield
    }) : () -> ()
    %mul3A_24 = arith.constant 640 : i32
    %mul3A_25 = arith.muli %arg1, %mul3A_24 : i32
    %add3A_26 = arith.constant 320 : i32
    %add3A_27 = arith.addi %mul3A_25, %add3A_26 : i32
    "tpu.region"() ({
      %run_scoped3A = tpu.sem_alloc : memref<!tpu.dma_semaphore, #tpu.memory_space<semaphore_mem>>
      %dma_start3A = arith.constant 0 : i32
      %dma_start3A_51 = tpu.memref_slice %arg13[%add3A_27, %dma_start3A] : memref<10240x128xf32, #tpu.memory_space<vmem_shared>> -> memref<80x128xf32, #tpu.memory_space<vmem_shared>>
      %dma_start3A_52 = arith.constant 0 : i32
      %dma_start3A_53 = tpu.memref_slice %arg13[%add3A_27, %dma_start3A_52] : memref<10240x128xf32, #tpu.memory_space<vmem_shared>> -> memref<80x128xf32, #tpu.memory_space<vmem_shared>>
      tpu.enqueue_dma source(%arg9 : memref<80x128xf32, #tpu.memory_space<vmem>>) target(%dma_start3A_53 : memref<80x128xf32, #tpu.memory_space<vmem_shared>>) target_semaphore(%run_scoped3A : memref<!tpu.dma_semaphore, #tpu.memory_space<semaphore_mem>>)
      %dma_wait3A = arith.constant 0 : i32
      %dma_wait3A_54 = tpu.memref_slice %arg13[%add3A_27, %dma_wait3A] : memref<10240x128xf32, #tpu.memory_space<vmem_shared>> -> memref<80x128xf32, #tpu.memory_space<vmem_shared>>
      %dma_wait3A_55 = arith.constant 0 : i32
      %dma_wait3A_56 = tpu.memref_slice %arg13[%add3A_27, %dma_wait3A_55] : memref<10240x128xf32, #tpu.memory_space<vmem_shared>> -> memref<80x128xf32, #tpu.memory_space<vmem_shared>>
      tpu.wait_dma2 semaphore(%run_scoped3A : memref<!tpu.dma_semaphore, #tpu.memory_space<semaphore_mem>>) src(%arg9 : memref<80x128xf32, #tpu.memory_space<vmem>>) dst(%dma_wait3A_56 : memref<80x128xf32, #tpu.memory_space<vmem_shared>>)
      tpu.yield
    }) : () -> ()
    %mul3A_28 = arith.constant 640 : i32
    %mul3A_29 = arith.muli %arg1, %mul3A_28 : i32
    %add3A_30 = arith.constant 400 : i32
    %add3A_31 = arith.addi %mul3A_29, %add3A_30 : i32
    "tpu.region"() ({
      %run_scoped3A = tpu.sem_alloc : memref<!tpu.dma_semaphore, #tpu.memory_space<semaphore_mem>>
      %dma_start3A = arith.constant 0 : i32
      %dma_start3A_51 = tpu.memref_slice %arg13[%add3A_31, %dma_start3A] : memref<10240x128xf32, #tpu.memory_space<vmem_shared>> -> memref<80x128xf32, #tpu.memory_space<vmem_shared>>
      %dma_start3A_52 = arith.constant 0 : i32
      %dma_start3A_53 = tpu.memref_slice %arg13[%add3A_31, %dma_start3A_52] : memref<10240x128xf32, #tpu.memory_space<vmem_shared>> -> memref<80x128xf32, #tpu.memory_space<vmem_shared>>
      tpu.enqueue_dma source(%arg9 : memref<80x128xf32, #tpu.memory_space<vmem>>) target(%dma_start3A_53 : memref<80x128xf32, #tpu.memory_space<vmem_shared>>) target_semaphore(%run_scoped3A : memref<!tpu.dma_semaphore, #tpu.memory_space<semaphore_mem>>)
      %dma_wait3A = arith.constant 0 : i32
      %dma_wait3A_54 = tpu.memref_slice %arg13[%add3A_31, %dma_wait3A] : memref<10240x128xf32, #tpu.memory_space<vmem_shared>> -> memref<80x128xf32, #tpu.memory_space<vmem_shared>>
      %dma_wait3A_55 = arith.constant 0 : i32
      %dma_wait3A_56 = tpu.memref_slice %arg13[%add3A_31, %dma_wait3A_55] : memref<10240x128xf32, #tpu.memory_space<vmem_shared>> -> memref<80x128xf32, #tpu.memory_space<vmem_shared>>
      tpu.wait_dma2 semaphore(%run_scoped3A : memref<!tpu.dma_semaphore, #tpu.memory_space<semaphore_mem>>) src(%arg9 : memref<80x128xf32, #tpu.memory_space<vmem>>) dst(%dma_wait3A_56 : memref<80x128xf32, #tpu.memory_space<vmem_shared>>)
      tpu.yield
    }) : () -> ()
    %mul3A_32 = arith.constant 640 : i32
    %mul3A_33 = arith.muli %arg1, %mul3A_32 : i32
    %add3A_34 = arith.constant 480 : i32
    %add3A_35 = arith.addi %mul3A_33, %add3A_34 : i32
    "tpu.region"() ({
      %run_scoped3A = tpu.sem_alloc : memref<!tpu.dma_semaphore, #tpu.memory_space<semaphore_mem>>
      %dma_start3A = arith.constant 0 : i32
      %dma_start3A_51 = tpu.memref_slice %arg13[%add3A_35, %dma_start3A] : memref<10240x128xf32, #tpu.memory_space<vmem_shared>> -> memref<80x128xf32, #tpu.memory_space<vmem_shared>>
      %dma_start3A_52 = arith.constant 0 : i32
      %dma_start3A_53 = tpu.memref_slice %arg13[%add3A_35, %dma_start3A_52] : memref<10240x128xf32, #tpu.memory_space<vmem_shared>> -> memref<80x128xf32, #tpu.memory_space<vmem_shared>>
      tpu.enqueue_dma source(%arg9 : memref<80x128xf32, #tpu.memory_space<vmem>>) target(%dma_start3A_53 : memref<80x128xf32, #tpu.memory_space<vmem_shared>>) target_semaphore(%run_scoped3A : memref<!tpu.dma_semaphore, #tpu.memory_space<semaphore_mem>>)
      %dma_wait3A = arith.constant 0 : i32
      %dma_wait3A_54 = tpu.memref_slice %arg13[%add3A_35, %dma_wait3A] : memref<10240x128xf32, #tpu.memory_space<vmem_shared>> -> memref<80x128xf32, #tpu.memory_space<vmem_shared>>
      %dma_wait3A_55 = arith.constant 0 : i32
      %dma_wait3A_56 = tpu.memref_slice %arg13[%add3A_35, %dma_wait3A_55] : memref<10240x128xf32, #tpu.memory_space<vmem_shared>> -> memref<80x128xf32, #tpu.memory_space<vmem_shared>>
      tpu.wait_dma2 semaphore(%run_scoped3A : memref<!tpu.dma_semaphore, #tpu.memory_space<semaphore_mem>>) src(%arg9 : memref<80x128xf32, #tpu.memory_space<vmem>>) dst(%dma_wait3A_56 : memref<80x128xf32, #tpu.memory_space<vmem_shared>>)
      tpu.yield
    }) : () -> ()
    %mul3A_36 = arith.constant 640 : i32
    %mul3A_37 = arith.muli %arg1, %mul3A_36 : i32
    %add3A_38 = arith.constant 560 : i32
    %add3A_39 = arith.addi %mul3A_37, %add3A_38 : i32
    "tpu.region"() ({
      %run_scoped3A = tpu.sem_alloc : memref<!tpu.dma_semaphore, #tpu.memory_space<semaphore_mem>>
      %dma_start3A = arith.constant 0 : i32
      %dma_start3A_51 = tpu.memref_slice %arg13[%add3A_39, %dma_start3A] : memref<10240x128xf32, #tpu.memory_space<vmem_shared>> -> memref<80x128xf32, #tpu.memory_space<vmem_shared>>
      %dma_start3A_52 = arith.constant 0 : i32
      %dma_start3A_53 = tpu.memref_slice %arg13[%add3A_39, %dma_start3A_52] : memref<10240x128xf32, #tpu.memory_space<vmem_shared>> -> memref<80x128xf32, #tpu.memory_space<vmem_shared>>
      tpu.enqueue_dma source(%arg9 : memref<80x128xf32, #tpu.memory_space<vmem>>) target(%dma_start3A_53 : memref<80x128xf32, #tpu.memory_space<vmem_shared>>) target_semaphore(%run_scoped3A : memref<!tpu.dma_semaphore, #tpu.memory_space<semaphore_mem>>)
      %dma_wait3A = arith.constant 0 : i32
      %dma_wait3A_54 = tpu.memref_slice %arg13[%add3A_39, %dma_wait3A] : memref<10240x128xf32, #tpu.memory_space<vmem_shared>> -> memref<80x128xf32, #tpu.memory_space<vmem_shared>>
      %dma_wait3A_55 = arith.constant 0 : i32
      %dma_wait3A_56 = tpu.memref_slice %arg13[%add3A_39, %dma_wait3A_55] : memref<10240x128xf32, #tpu.memory_space<vmem_shared>> -> memref<80x128xf32, #tpu.memory_space<vmem_shared>>
      tpu.wait_dma2 semaphore(%run_scoped3A : memref<!tpu.dma_semaphore, #tpu.memory_space<semaphore_mem>>) src(%arg9 : memref<80x128xf32, #tpu.memory_space<vmem>>) dst(%dma_wait3A_56 : memref<80x128xf32, #tpu.memory_space<vmem_shared>>)
      tpu.yield
    }) : () -> ()
    %barrier3A = arith.constant 0 : index
    tpu.barrier barrier_id(%barrier3A)
    %scan3A_40 = arith.constant 0 : i32
    %scan3A_41 = arith.constant 0 : i32
    %scan3A_42 = arith.constant 5 : i32
    %scan3A_43 = arith.addi %scan3A_41, %scan3A_42 : i32
    %scan3A_44 = arith.constant 1 : i32
    scf.for %scan3A_51 = %scan3A_41 to %scan3A_43 step %scan3A_44  : i32 {
      %mul3A_52 = arith.constant 2000 : i32
      %mul3A_53 = arith.muli %scan3A_51, %mul3A_52 : i32
      %add3A_54 = arith.addi %mul3A_2, %mul3A_53 : i32
      "tpu.region"() ({
        %run_scoped3A = tpu.sem_alloc : memref<!tpu.dma_semaphore, #tpu.memory_space<semaphore_mem>>
        %dma_start3A_107 = tpu.memref_slice %arg3[%add3A_54] : memref<320000xi32, #tpu.memory_space<hbm>> -> memref<2000xi32, #tpu.memory_space<hbm>>
        %dma_start3A_108 = tpu.memref_slice %arg3[%add3A_54] : memref<320000xi32, #tpu.memory_space<hbm>> -> memref<2000xi32, #tpu.memory_space<hbm>>
        tpu.enqueue_dma source(%dma_start3A_108 : memref<2000xi32, #tpu.memory_space<hbm>>) target(%arg6 : memref<2000xi32, #tpu.memory_space<vmem>>) target_semaphore(%run_scoped3A : memref<!tpu.dma_semaphore, #tpu.memory_space<semaphore_mem>>)
        %dma_wait3A_109 = tpu.memref_slice %arg3[%add3A_54] : memref<320000xi32, #tpu.memory_space<hbm>> -> memref<2000xi32, #tpu.memory_space<hbm>>
        %dma_wait3A_110 = tpu.memref_slice %arg3[%add3A_54] : memref<320000xi32, #tpu.memory_space<hbm>> -> memref<2000xi32, #tpu.memory_space<hbm>>
        tpu.wait_dma2 semaphore(%run_scoped3A : memref<!tpu.dma_semaphore, #tpu.memory_space<semaphore_mem>>) src(%dma_wait3A_110 : memref<2000xi32, #tpu.memory_space<hbm>>) dst(%arg6 : memref<2000xi32, #tpu.memory_space<vmem>>)
        tpu.yield
      }) : () -> ()
      %mul3A_55 = arith.constant 2000 : i32
      %mul3A_56 = arith.muli %scan3A_51, %mul3A_55 : i32
      %add3A_57 = arith.addi %mul3A_2, %mul3A_56 : i32
      "tpu.region"() ({
        %run_scoped3A = tpu.sem_alloc : memref<!tpu.dma_semaphore, #tpu.memory_space<semaphore_mem>>
        %dma_start3A_107 = tpu.memref_slice %arg4[%add3A_57] : memref<320000xi32, #tpu.memory_space<hbm>> -> memref<2000xi32, #tpu.memory_space<hbm>>
        %dma_start3A_108 = tpu.memref_slice %arg4[%add3A_57] : memref<320000xi32, #tpu.memory_space<hbm>> -> memref<2000xi32, #tpu.memory_space<hbm>>
        tpu.enqueue_dma source(%dma_start3A_108 : memref<2000xi32, #tpu.memory_space<hbm>>) target(%arg7 : memref<2000xi32, #tpu.memory_space<vmem>>) target_semaphore(%run_scoped3A : memref<!tpu.dma_semaphore, #tpu.memory_space<semaphore_mem>>)
        %dma_wait3A_109 = tpu.memref_slice %arg4[%add3A_57] : memref<320000xi32, #tpu.memory_space<hbm>> -> memref<2000xi32, #tpu.memory_space<hbm>>
        %dma_wait3A_110 = tpu.memref_slice %arg4[%add3A_57] : memref<320000xi32, #tpu.memory_space<hbm>> -> memref<2000xi32, #tpu.memory_space<hbm>>
        tpu.wait_dma2 semaphore(%run_scoped3A : memref<!tpu.dma_semaphore, #tpu.memory_space<semaphore_mem>>) src(%dma_wait3A_110 : memref<2000xi32, #tpu.memory_space<hbm>>) dst(%arg7 : memref<2000xi32, #tpu.memory_space<vmem>>)
        tpu.yield
      }) : () -> ()
      %scan3A_58 = arith.constant 0 : i32
      %scan3A_59 = arith.constant 0 : i32
      %scan3A_60 = arith.constant 25 : i32
      %scan3A_61 = arith.addi %scan3A_59, %scan3A_60 : i32
      %scan3A_62 = arith.constant 1 : i32
      scf.for %scan3A_107 = %scan3A_59 to %scan3A_61 step %scan3A_62  : i32 {
        %mul3A_108 = arith.constant 80 : i32
        %mul3A_109 = arith.muli %scan3A_107, %mul3A_108 : i32
        %add3A_110 = arith.constant 0 : i32
        %add3A_111 = arith.addi %mul3A_109, %add3A_110 : i32
        %get3A = arith.index_cast %add3A_111 : i32 to index
        %get3A_112 = tpu.vector_load %arg7[%get3A] {strides = array<i32>} : memref<2000xi32, #tpu.memory_space<vmem>>, vector<16xi32>,
        %get3A_113 = vector.shape_cast %get3A_112 : vector<16xi32> to vector<16xi32>
        %swap3A = arith.index_cast %scan3A_107 : i32 to index
        %swap3A_114 = arith.constant 0 : index
        %swap3A_115 = tpu.vector_load %arg8[%swap3A, %swap3A_114] {strides = array<i32>} : memref<25x80xi32, #tpu.memory_space<vmem>>, vector<1x16xi32>,
        %swap3A_116 = vector.shape_cast %swap3A_115 : vector<1x16xi32> to vector<16xi32>
        %swap3A_117 = vector.shape_cast %get3A_113 : vector<16xi32> to vector<1x16xi32>
        tpu.vector_store %arg8[%swap3A, %swap3A_114], %swap3A_117 {strides = array<i32>} : memref<25x80xi32, #tpu.memory_space<vmem>>, vector<1x16xi32>,
        %mul3A_118 = arith.constant 80 : i32
        %mul3A_119 = arith.muli %scan3A_107, %mul3A_118 : i32
        %add3A_120 = arith.constant 16 : i32
        %add3A_121 = arith.addi %mul3A_119, %add3A_120 : i32
        %get3A_122 = arith.index_cast %add3A_121 : i32 to index
        %get3A_123 = tpu.vector_load %arg7[%get3A_122] {strides = array<i32>} : memref<2000xi32, #tpu.memory_space<vmem>>, vector<16xi32>,
        %get3A_124 = vector.shape_cast %get3A_123 : vector<16xi32> to vector<16xi32>
        %swap3A_125 = arith.index_cast %scan3A_107 : i32 to index
        %swap3A_126 = arith.constant 16 : index
        %swap3A_127 = tpu.vector_load %arg8[%swap3A_125, %swap3A_126] {strides = array<i32>} : memref<25x80xi32, #tpu.memory_space<vmem>>, vector<1x16xi32>,
        %swap3A_128 = vector.shape_cast %swap3A_127 : vector<1x16xi32> to vector<16xi32>
        %swap3A_129 = vector.shape_cast %get3A_124 : vector<16xi32> to vector<1x16xi32>
        tpu.vector_store %arg8[%swap3A_125, %swap3A_126], %swap3A_129 {strides = array<i32>} : memref<25x80xi32, #tpu.memory_space<vmem>>, vector<1x16xi32>,
        %mul3A_130 = arith.constant 80 : i32
        %mul3A_131 = arith.muli %scan3A_107, %mul3A_130 : i32
        %add3A_132 = arith.constant 32 : i32
        %add3A_133 = arith.addi %mul3A_131, %add3A_132 : i32
        %get3A_134 = arith.index_cast %add3A_133 : i32 to index
        %get3A_135 = tpu.vector_load %arg7[%get3A_134] {strides = array<i32>} : memref<2000xi32, #tpu.memory_space<vmem>>, vector<16xi32>,
        %get3A_136 = vector.shape_cast %get3A_135 : vector<16xi32> to vector<16xi32>
        %swap3A_137 = arith.index_cast %scan3A_107 : i32 to index
        %swap3A_138 = arith.constant 32 : index
        %swap3A_139 = tpu.vector_load %arg8[%swap3A_137, %swap3A_138] {strides = array<i32>} : memref<25x80xi32, #tpu.memory_space<vmem>>, vector<1x16xi32>,
        %swap3A_140 = vector.shape_cast %swap3A_139 : vector<1x16xi32> to vector<16xi32>
        %swap3A_141 = vector.shape_cast %get3A_136 : vector<16xi32> to vector<1x16xi32>
        tpu.vector_store %arg8[%swap3A_137, %swap3A_138], %swap3A_141 {strides = array<i32>} : memref<25x80xi32, #tpu.memory_space<vmem>>, vector<1x16xi32>,
        %mul3A_142 = arith.constant 80 : i32
        %mul3A_143 = arith.muli %scan3A_107, %mul3A_142 : i32
        %add3A_144 = arith.constant 48 : i32
        %add3A_145 = arith.addi %mul3A_143, %add3A_144 : i32
        %get3A_146 = arith.index_cast %add3A_145 : i32 to index
        %get3A_147 = tpu.vector_load %arg7[%get3A_146] {strides = array<i32>} : memref<2000xi32, #tpu.memory_space<vmem>>, vector<16xi32>,
        %get3A_148 = vector.shape_cast %get3A_147 : vector<16xi32> to vector<16xi32>
        %swap3A_149 = arith.index_cast %scan3A_107 : i32 to index
        %swap3A_150 = arith.constant 48 : index
        %swap3A_151 = tpu.vector_load %arg8[%swap3A_149, %swap3A_150] {strides = array<i32>} : memref<25x80xi32, #tpu.memory_space<vmem>>, vector<1x16xi32>,
        %swap3A_152 = vector.shape_cast %swap3A_151 : vector<1x16xi32> to vector<16xi32>
        %swap3A_153 = vector.shape_cast %get3A_148 : vector<16xi32> to vector<1x16xi32>
        tpu.vector_store %arg8[%swap3A_149, %swap3A_150], %swap3A_153 {strides = array<i32>} : memref<25x80xi32, #tpu.memory_space<vmem>>, vector<1x16xi32>,
        %mul3A_154 = arith.constant 80 : i32
        %mul3A_155 = arith.muli %scan3A_107, %mul3A_154 : i32
        %add3A_156 = arith.constant 64 : i32
        %add3A_157 = arith.addi %mul3A_155, %add3A_156 : i32
        %get3A_158 = arith.index_cast %add3A_157 : i32 to index
        %get3A_159 = tpu.vector_load %arg7[%get3A_158] {strides = array<i32>} : memref<2000xi32, #tpu.memory_space<vmem>>, vector<16xi32>,
        %get3A_160 = vector.shape_cast %get3A_159 : vector<16xi32> to vector<16xi32>
        %swap3A_161 = arith.index_cast %scan3A_107 : i32 to index
        %swap3A_162 = arith.constant 64 : index
        %swap3A_163 = tpu.vector_load %arg8[%swap3A_161, %swap3A_162] {strides = array<i32>} : memref<25x80xi32, #tpu.memory_space<vmem>>, vector<1x16xi32>,
        %swap3A_164 = vector.shape_cast %swap3A_163 : vector<1x16xi32> to vector<16xi32>
        %swap3A_165 = vector.shape_cast %get3A_160 : vector<16xi32> to vector<1x16xi32>
        tpu.vector_store %arg8[%swap3A_161, %swap3A_162], %swap3A_165 {strides = array<i32>} : memref<25x80xi32, #tpu.memory_space<vmem>>, vector<1x16xi32>,
      }
      %scan3A_63 = arith.constant 25 : i32
      %dma_start3A = arith.constant 0 : i32
      %dma_start3A_64 = tpu.memref_slice %arg6[%dma_start3A] : memref<2000xi32, #tpu.memory_space<vmem>> -> memref<80xi32, #tpu.memory_space<vmem>>
      %dma_start3A_65 = arith.constant 0 : i32
      %dma_start3A_66 = arith.constant 0 : i32
      %dma_start3A_67 = tpu.memref_slice %arg2[%dma_start3A_65, %dma_start3A_66] : memref<10000x128xf32, #tpu.memory_space<hbm>> -> memref<10000x128xf32, #tpu.memory_space<hbm>>
      tpu.enqueue_indirect_dma source(%dma_start3A_67 : memref<10000x128xf32, #tpu.memory_space<hbm>>) target(%arg9 : memref<80x128xf32, #tpu.memory_space<vmem>>) offsets(%dma_start3A_64 : memref<80xi32, #tpu.memory_space<vmem>>) semaphore(%arg14 : memref<!tpu.dma_semaphore, #tpu.memory_space<semaphore_mem>>)
      %dma_start3A_68 = arith.constant 80 : i32
      %dma_start3A_69 = tpu.memref_slice %arg6[%dma_start3A_68] : memref<2000xi32, #tpu.memory_space<vmem>> -> memref<80xi32, #tpu.memory_space<vmem>>
      %dma_start3A_70 = arith.constant 0 : i32
      %dma_start3A_71 = arith.constant 0 : i32
      %dma_start3A_72 = tpu.memref_slice %arg2[%dma_start3A_70, %dma_start3A_71] : memref<10000x128xf32, #tpu.memory_space<hbm>> -> memref<10000x128xf32, #tpu.memory_space<hbm>>
      tpu.enqueue_indirect_dma source(%dma_start3A_72 : memref<10000x128xf32, #tpu.memory_space<hbm>>) target(%arg10 : memref<80x128xf32, #tpu.memory_space<vmem>>) offsets(%dma_start3A_69 : memref<80xi32, #tpu.memory_space<vmem>>) semaphore(%arg15 : memref<!tpu.dma_semaphore, #tpu.memory_space<semaphore_mem>>)
      %dma_start3A_73 = arith.constant 160 : i32
      %dma_start3A_74 = tpu.memref_slice %arg6[%dma_start3A_73] : memref<2000xi32, #tpu.memory_space<vmem>> -> memref<80xi32, #tpu.memory_space<vmem>>
      %dma_start3A_75 = arith.constant 0 : i32
      %dma_start3A_76 = arith.constant 0 : i32
      %dma_start3A_77 = tpu.memref_slice %arg2[%dma_start3A_75, %dma_start3A_76] : memref<10000x128xf32, #tpu.memory_space<hbm>> -> memref<10000x128xf32, #tpu.memory_space<hbm>>
      tpu.enqueue_indirect_dma source(%dma_start3A_77 : memref<10000x128xf32, #tpu.memory_space<hbm>>) target(%arg11 : memref<80x128xf32, #tpu.memory_space<vmem>>) offsets(%dma_start3A_74 : memref<80xi32, #tpu.memory_space<vmem>>) semaphore(%arg16 : memref<!tpu.dma_semaphore, #tpu.memory_space<semaphore_mem>>)
      %dma_start3A_78 = arith.constant 240 : i32
      %dma_start3A_79 = tpu.memref_slice %arg6[%dma_start3A_78] : memref<2000xi32, #tpu.memory_space<vmem>> -> memref<80xi32, #tpu.memory_space<vmem>>
      %dma_start3A_80 = arith.constant 0 : i32
      %dma_start3A_81 = arith.constant 0 : i32
      %dma_start3A_82 = tpu.memref_slice %arg2[%dma_start3A_80, %dma_start3A_81] : memref<10000x128xf32, #tpu.memory_space<hbm>> -> memref<10000x128xf32, #tpu.memory_space<hbm>>
      tpu.enqueue_indirect_dma source(%dma_start3A_82 : memref<10000x128xf32, #tpu.memory_space<hbm>>) target(%arg12 : memref<80x128xf32, #tpu.memory_space<vmem>>) offsets(%dma_start3A_79 : memref<80xi32, #tpu.memory_space<vmem>>) semaphore(%arg17 : memref<!tpu.dma_semaphore, #tpu.memory_space<semaphore_mem>>)
      %scan3A_83 = arith.constant 0 : i32
      %scan3A_84 = arith.constant 0 : i32
      %scan3A_85 = arith.constant 6 : i32
      %scan3A_86 = arith.addi %scan3A_84, %scan3A_85 : i32
      %scan3A_87 = arith.constant 1 : i32
      scf.for %scan3A_107 = %scan3A_84 to %scan3A_86 step %scan3A_87  : i32 {
        %mul3A_108 = arith.constant 4 : i32
        %mul3A_109 = arith.muli %mul3A_108, %scan3A_107 : i32
        %add3A_110 = arith.constant 0 : i32
        %add3A_111 = arith.addi %mul3A_109, %add3A_110 : i32
        %mul3A_112 = arith.constant 80 : i32
        %mul3A_113 = arith.muli %add3A_111, %mul3A_112 : i32
        %dma_wait3A_114 = tpu.memref_slice %arg6[%mul3A_113] : memref<2000xi32, #tpu.memory_space<vmem>> -> memref<80xi32, #tpu.memory_space<vmem>>
        %dma_wait3A_115 = arith.constant 0 : i32
        %dma_wait3A_116 = arith.constant 0 : i32
        %dma_wait3A_117 = tpu.memref_slice %arg2[%dma_wait3A_115, %dma_wait3A_116] : memref<10000x128xf32, #tpu.memory_space<hbm>> -> memref<10000x128xf32, #tpu.memory_space<hbm>>
        tpu.wait_indirect_dma semaphore(%arg14 : memref<!tpu.dma_semaphore, #tpu.memory_space<semaphore_mem>>) src(%dma_wait3A_117 : memref<10000x128xf32, #tpu.memory_space<hbm>>) dst(%arg9 : memref<80x128xf32, #tpu.memory_space<vmem>>)
        %add3A_118 = arith.constant 0 : i32
        %add3A_119 = arith.addi %mul3A_109, %add3A_118 : i32
        %dma_start3A_120 = arith.constant 0 : i32
        %dma_start3A_121 = tpu.memref_slice %arg8[%add3A_119, %dma_start3A_120] : memref<25x80xi32, #tpu.memory_space<vmem>> -> memref<1x80xi32, #tpu.memory_space<vmem>>
        %dma_start3A_122 = tpu.memref_squeeze %dma_start3A_121 : memref<1x80xi32, #tpu.memory_space<vmem>> -> memref<80xi32, #tpu.memory_space<vmem>>
        %dma_start3A_123 = arith.constant 0 : i32
        %dma_start3A_124 = arith.constant 0 : i32
        %dma_start3A_125 = tpu.memref_slice %arg13[%dma_start3A_123, %dma_start3A_124] : memref<10240x128xf32, #tpu.memory_space<vmem_shared>> -> memref<10240x128xf32, #tpu.memory_space<vmem_shared>>
        tpu.enqueue_indirect_dma source(%arg9 : memref<80x128xf32, #tpu.memory_space<vmem>>) target(%dma_start3A_125 : memref<10240x128xf32, #tpu.memory_space<vmem_shared>>) offsets(%dma_start3A_122 : memref<80xi32, #tpu.memory_space<vmem>>) semaphore(%arg18 : memref<!tpu.dma_semaphore, #tpu.memory_space<semaphore_mem>>) {add = true}
        %add3A_126 = arith.constant 1 : i32
        %add3A_127 = arith.addi %mul3A_109, %add3A_126 : i32
        %mul3A_128 = arith.constant 80 : i32
        %mul3A_129 = arith.muli %add3A_127, %mul3A_128 : i32
        %dma_wait3A_130 = tpu.memref_slice %arg6[%mul3A_129] : memref<2000xi32, #tpu.memory_space<vmem>> -> memref<80xi32, #tpu.memory_space<vmem>>
        %dma_wait3A_131 = arith.constant 0 : i32
        %dma_wait3A_132 = arith.constant 0 : i32
        %dma_wait3A_133 = tpu.memref_slice %arg2[%dma_wait3A_131, %dma_wait3A_132] : memref<10000x128xf32, #tpu.memory_space<hbm>> -> memref<10000x128xf32, #tpu.memory_space<hbm>>
        tpu.wait_indirect_dma semaphore(%arg15 : memref<!tpu.dma_semaphore, #tpu.memory_space<semaphore_mem>>) src(%dma_wait3A_133 : memref<10000x128xf32, #tpu.memory_space<hbm>>) dst(%arg10 : memref<80x128xf32, #tpu.memory_space<vmem>>)
        %add3A_134 = arith.constant 1 : i32
        %add3A_135 = arith.addi %mul3A_109, %add3A_134 : i32
        %dma_start3A_136 = arith.constant 0 : i32
        %dma_start3A_137 = tpu.memref_slice %arg8[%add3A_135, %dma_start3A_136] : memref<25x80xi32, #tpu.memory_space<vmem>> -> memref<1x80xi32, #tpu.memory_space<vmem>>
        %dma_start3A_138 = tpu.memref_squeeze %dma_start3A_137 : memref<1x80xi32, #tpu.memory_space<vmem>> -> memref<80xi32, #tpu.memory_space<vmem>>
        %dma_start3A_139 = arith.constant 0 : i32
        %dma_start3A_140 = arith.constant 0 : i32
        %dma_start3A_141 = tpu.memref_slice %arg13[%dma_start3A_139, %dma_start3A_140] : memref<10240x128xf32, #tpu.memory_space<vmem_shared>> -> memref<10240x128xf32, #tpu.memory_space<vmem_shared>>
        tpu.enqueue_indirect_dma source(%arg10 : memref<80x128xf32, #tpu.memory_space<vmem>>) target(%dma_start3A_141 : memref<10240x128xf32, #tpu.memory_space<vmem_shared>>) offsets(%dma_start3A_138 : memref<80xi32, #tpu.memory_space<vmem>>) semaphore(%arg19 : memref<!tpu.dma_semaphore, #tpu.memory_space<semaphore_mem>>) {add = true}
        %add3A_142 = arith.constant 2 : i32
        %add3A_143 = arith.addi %mul3A_109, %add3A_142 : i32
        %mul3A_144 = arith.constant 80 : i32
        %mul3A_145 = arith.muli %add3A_143, %mul3A_144 : i32
        %dma_wait3A_146 = tpu.memref_slice %arg6[%mul3A_145] : memref<2000xi32, #tpu.memory_space<vmem>> -> memref<80xi32, #tpu.memory_space<vmem>>
        %dma_wait3A_147 = arith.constant 0 : i32
        %dma_wait3A_148 = arith.constant 0 : i32
        %dma_wait3A_149 = tpu.memref_slice %arg2[%dma_wait3A_147, %dma_wait3A_148] : memref<10000x128xf32, #tpu.memory_space<hbm>> -> memref<10000x128xf32, #tpu.memory_space<hbm>>
        tpu.wait_indirect_dma semaphore(%arg16 : memref<!tpu.dma_semaphore, #tpu.memory_space<semaphore_mem>>) src(%dma_wait3A_149 : memref<10000x128xf32, #tpu.memory_space<hbm>>) dst(%arg11 : memref<80x128xf32, #tpu.memory_space<vmem>>)
        %add3A_150 = arith.constant 2 : i32
        %add3A_151 = arith.addi %mul3A_109, %add3A_150 : i32
        %dma_start3A_152 = arith.constant 0 : i32
        %dma_start3A_153 = tpu.memref_slice %arg8[%add3A_151, %dma_start3A_152] : memref<25x80xi32, #tpu.memory_space<vmem>> -> memref<1x80xi32, #tpu.memory_space<vmem>>
        %dma_start3A_154 = tpu.memref_squeeze %dma_start3A_153 : memref<1x80xi32, #tpu.memory_space<vmem>> -> memref<80xi32, #tpu.memory_space<vmem>>
        %dma_start3A_155 = arith.constant 0 : i32
        %dma_start3A_156 = arith.constant 0 : i32
        %dma_start3A_157 = tpu.memref_slice %arg13[%dma_start3A_155, %dma_start3A_156] : memref<10240x128xf32, #tpu.memory_space<vmem_shared>> -> memref<10240x128xf32, #tpu.memory_space<vmem_shared>>
        tpu.enqueue_indirect_dma source(%arg11 : memref<80x128xf32, #tpu.memory_space<vmem>>) target(%dma_start3A_157 : memref<10240x128xf32, #tpu.memory_space<vmem_shared>>) offsets(%dma_start3A_154 : memref<80xi32, #tpu.memory_space<vmem>>) semaphore(%arg20 : memref<!tpu.dma_semaphore, #tpu.memory_space<semaphore_mem>>) {add = true}
        %add3A_158 = arith.constant 3 : i32
        %add3A_159 = arith.addi %mul3A_109, %add3A_158 : i32
        %mul3A_160 = arith.constant 80 : i32
        %mul3A_161 = arith.muli %add3A_159, %mul3A_160 : i32
        %dma_wait3A_162 = tpu.memref_slice %arg6[%mul3A_161] : memref<2000xi32, #tpu.memory_space<vmem>> -> memref<80xi32, #tpu.memory_space<vmem>>
        %dma_wait3A_163 = arith.constant 0 : i32
        %dma_wait3A_164 = arith.constant 0 : i32
        %dma_wait3A_165 = tpu.memref_slice %arg2[%dma_wait3A_163, %dma_wait3A_164] : memref<10000x128xf32, #tpu.memory_space<hbm>> -> memref<10000x128xf32, #tpu.memory_space<hbm>>
        tpu.wait_indirect_dma semaphore(%arg17 : memref<!tpu.dma_semaphore, #tpu.memory_space<semaphore_mem>>) src(%dma_wait3A_165 : memref<10000x128xf32, #tpu.memory_space<hbm>>) dst(%arg12 : memref<80x128xf32, #tpu.memory_space<vmem>>)
        %add3A_166 = arith.constant 3 : i32
        %add3A_167 = arith.addi %mul3A_109, %add3A_166 : i32
        %dma_start3A_168 = arith.constant 0 : i32
        %dma_start3A_169 = tpu.memref_slice %arg8[%add3A_167, %dma_start3A_168] : memref<25x80xi32, #tpu.memory_space<vmem>> -> memref<1x80xi32, #tpu.memory_space<vmem>>
        %dma_start3A_170 = tpu.memref_squeeze %dma_start3A_169 : memref<1x80xi32, #tpu.memory_space<vmem>> -> memref<80xi32, #tpu.memory_space<vmem>>
        %dma_start3A_171 = arith.constant 0 : i32
        %dma_start3A_172 = arith.constant 0 : i32
        %dma_start3A_173 = tpu.memref_slice %arg13[%dma_start3A_171, %dma_start3A_172] : memref<10240x128xf32, #tpu.memory_space<vmem_shared>> -> memref<10240x128xf32, #tpu.memory_space<vmem_shared>>
        tpu.enqueue_indirect_dma source(%arg12 : memref<80x128xf32, #tpu.memory_space<vmem>>) target(%dma_start3A_173 : memref<10240x128xf32, #tpu.memory_space<vmem_shared>>) offsets(%dma_start3A_170 : memref<80xi32, #tpu.memory_space<vmem>>) semaphore(%arg21 : memref<!tpu.dma_semaphore, #tpu.memory_space<semaphore_mem>>) {add = true}
        %add3A_174 = arith.constant 0 : i32
        %add3A_175 = arith.addi %mul3A_109, %add3A_174 : i32
        %dma_wait3A_176 = arith.constant 0 : i32
        %dma_wait3A_177 = tpu.memref_slice %arg8[%add3A_175, %dma_wait3A_176] : memref<25x80xi32, #tpu.memory_space<vmem>> -> memref<1x80xi32, #tpu.memory_space<vmem>>
        %dma_wait3A_178 = tpu.memref_squeeze %dma_wait3A_177 : memref<1x80xi32, #tpu.memory_space<vmem>> -> memref<80xi32, #tpu.memory_space<vmem>>
        %dma_wait3A_179 = arith.constant 0 : i32
        %dma_wait3A_180 = arith.constant 0 : i32
        %dma_wait3A_181 = tpu.memref_slice %arg13[%dma_wait3A_179, %dma_wait3A_180] : memref<10240x128xf32, #tpu.memory_space<vmem_shared>> -> memref<10240x128xf32, #tpu.memory_space<vmem_shared>>
        tpu.wait_indirect_dma semaphore(%arg18 : memref<!tpu.dma_semaphore, #tpu.memory_space<semaphore_mem>>) src(%arg9 : memref<80x128xf32, #tpu.memory_space<vmem>>) dst(%dma_wait3A_181 : memref<10240x128xf32, #tpu.memory_space<vmem_shared>>)
        %add3A_182 = arith.constant 0 : i32
        %add3A_183 = arith.addi %mul3A_109, %add3A_182 : i32
        %add3A_184 = arith.constant 4 : i32
        %add3A_185 = arith.addi %add3A_183, %add3A_184 : i32
        %lt3A = arith.constant 25 : i32
        %lt3A_186 = arith.cmpi slt, %add3A_185, %lt3A : i32
        %add3A_187 = arith.constant 0 : i32
        %add3A_188 = arith.addi %mul3A_109, %add3A_187 : i32
        %add3A_189 = arith.constant 4 : i32
        %add3A_190 = arith.addi %add3A_188, %add3A_189 : i32
        %convert_element_type3A = arith.extui %lt3A_186 : i1 to i32
        %cond3A = arith.constant 0 : i32
        %cond3A_191 = arith.cmpi ne, %convert_element_type3A, %cond3A : i32
        scf.if %cond3A_191 {
          %mul3A_255 = arith.constant 80 : i32
          %mul3A_256 = arith.muli %add3A_190, %mul3A_255 : i32
          %dma_start3A_257 = tpu.memref_slice %arg6[%mul3A_256] : memref<2000xi32, #tpu.memory_space<vmem>> -> memref<80xi32, #tpu.memory_space<vmem>>
          %dma_start3A_258 = arith.constant 0 : i32
          %dma_start3A_259 = arith.constant 0 : i32
          %dma_start3A_260 = tpu.memref_slice %arg2[%dma_start3A_258, %dma_start3A_259] : memref<10000x128xf32, #tpu.memory_space<hbm>> -> memref<10000x128xf32, #tpu.memory_space<hbm>>
          tpu.enqueue_indirect_dma source(%dma_start3A_260 : memref<10000x128xf32, #tpu.memory_space<hbm>>) target(%arg9 : memref<80x128xf32, #tpu.memory_space<vmem>>) offsets(%dma_start3A_257 : memref<80xi32, #tpu.memory_space<vmem>>) semaphore(%arg14 : memref<!tpu.dma_semaphore, #tpu.memory_space<semaphore_mem>>)
        } else {
        }
        %add3A_192 = arith.constant 1 : i32
        %add3A_193 = arith.addi %mul3A_109, %add3A_192 : i32
        %dma_wait3A_194 = arith.constant 0 : i32
        %dma_wait3A_195 = tpu.memref_slice %arg8[%add3A_193, %dma_wait3A_194] : memref<25x80xi32, #tpu.memory_space<vmem>> -> memref<1x80xi32, #tpu.memory_space<vmem>>
        %dma_wait3A_196 = tpu.memref_squeeze %dma_wait3A_195 : memref<1x80xi32, #tpu.memory_space<vmem>> -> memref<80xi32, #tpu.memory_space<vmem>>
        %dma_wait3A_197 = arith.constant 0 : i32
        %dma_wait3A_198 = arith.constant 0 : i32
        %dma_wait3A_199 = tpu.memref_slice %arg13[%dma_wait3A_197, %dma_wait3A_198] : memref<10240x128xf32, #tpu.memory_space<vmem_shared>> -> memref<10240x128xf32, #tpu.memory_space<vmem_shared>>
        tpu.wait_indirect_dma semaphore(%arg19 : memref<!tpu.dma_semaphore, #tpu.memory_space<semaphore_mem>>) src(%arg10 : memref<80x128xf32, #tpu.memory_space<vmem>>) dst(%dma_wait3A_199 : memref<10240x128xf32, #tpu.memory_space<vmem_shared>>)
        %add3A_200 = arith.constant 1 : i32
        %add3A_201 = arith.addi %mul3A_109, %add3A_200 : i32
        %add3A_202 = arith.constant 4 : i32
        %add3A_203 = arith.addi %add3A_201, %add3A_202 : i32
        %lt3A_204 = arith.constant 25 : i32
        %lt3A_205 = arith.cmpi slt, %add3A_203, %lt3A_204 : i32
        %add3A_206 = arith.constant 1 : i32
        %add3A_207 = arith.addi %mul3A_109, %add3A_206 : i32
        %add3A_208 = arith.constant 4 : i32
        %add3A_209 = arith.addi %add3A_207, %add3A_208 : i32
        %convert_element_type3A_210 = arith.extui %lt3A_205 : i1 to i32
        %cond3A_211 = arith.constant 0 : i32
        %cond3A_212 = arith.cmpi ne, %convert_element_type3A_210, %cond3A_211 : i32
        scf.if %cond3A_212 {
          %mul3A_255 = arith.constant 80 : i32
          %mul3A_256 = arith.muli %add3A_209, %mul3A_255 : i32
          %dma_start3A_257 = tpu.memref_slice %arg6[%mul3A_256] : memref<2000xi32, #tpu.memory_space<vmem>> -> memref<80xi32, #tpu.memory_space<vmem>>
          %dma_start3A_258 = arith.constant 0 : i32
          %dma_start3A_259 = arith.constant 0 : i32
          %dma_start3A_260 = tpu.memref_slice %arg2[%dma_start3A_258, %dma_start3A_259] : memref<10000x128xf32, #tpu.memory_space<hbm>> -> memref<10000x128xf32, #tpu.memory_space<hbm>>
          tpu.enqueue_indirect_dma source(%dma_start3A_260 : memref<10000x128xf32, #tpu.memory_space<hbm>>) target(%arg10 : memref<80x128xf32, #tpu.memory_space<vmem>>) offsets(%dma_start3A_257 : memref<80xi32, #tpu.memory_space<vmem>>) semaphore(%arg15 : memref<!tpu.dma_semaphore, #tpu.memory_space<semaphore_mem>>)
        } else {
        }
        %add3A_213 = arith.constant 2 : i32
        %add3A_214 = arith.addi %mul3A_109, %add3A_213 : i32
        %dma_wait3A_215 = arith.constant 0 : i32
        %dma_wait3A_216 = tpu.memref_slice %arg8[%add3A_214, %dma_wait3A_215] : memref<25x80xi32, #tpu.memory_space<vmem>> -> memref<1x80xi32, #tpu.memory_space<vmem>>
        %dma_wait3A_217 = tpu.memref_squeeze %dma_wait3A_216 : memref<1x80xi32, #tpu.memory_space<vmem>> -> memref<80xi32, #tpu.memory_space<vmem>>
        %dma_wait3A_218 = arith.constant 0 : i32
        %dma_wait3A_219 = arith.constant 0 : i32
        %dma_wait3A_220 = tpu.memref_slice %arg13[%dma_wait3A_218, %dma_wait3A_219] : memref<10240x128xf32, #tpu.memory_space<vmem_shared>> -> memref<10240x128xf32, #tpu.memory_space<vmem_shared>>
        tpu.wait_indirect_dma semaphore(%arg20 : memref<!tpu.dma_semaphore, #tpu.memory_space<semaphore_mem>>) src(%arg11 : memref<80x128xf32, #tpu.memory_space<vmem>>) dst(%dma_wait3A_220 : memref<10240x128xf32, #tpu.memory_space<vmem_shared>>)
        %add3A_221 = arith.constant 2 : i32
        %add3A_222 = arith.addi %mul3A_109, %add3A_221 : i32
        %add3A_223 = arith.constant 4 : i32
        %add3A_224 = arith.addi %add3A_222, %add3A_223 : i32
        %lt3A_225 = arith.constant 25 : i32
        %lt3A_226 = arith.cmpi slt, %add3A_224, %lt3A_225 : i32
        %add3A_227 = arith.constant 2 : i32
        %add3A_228 = arith.addi %mul3A_109, %add3A_227 : i32
        %add3A_229 = arith.constant 4 : i32
        %add3A_230 = arith.addi %add3A_228, %add3A_229 : i32
        %convert_element_type3A_231 = arith.extui %lt3A_226 : i1 to i32
        %cond3A_232 = arith.constant 0 : i32
        %cond3A_233 = arith.cmpi ne, %convert_element_type3A_231, %cond3A_232 : i32
        scf.if %cond3A_233 {
          %mul3A_255 = arith.constant 80 : i32
          %mul3A_256 = arith.muli %add3A_230, %mul3A_255 : i32
          %dma_start3A_257 = tpu.memref_slice %arg6[%mul3A_256] : memref<2000xi32, #tpu.memory_space<vmem>> -> memref<80xi32, #tpu.memory_space<vmem>>
          %dma_start3A_258 = arith.constant 0 : i32
          %dma_start3A_259 = arith.constant 0 : i32
          %dma_start3A_260 = tpu.memref_slice %arg2[%dma_start3A_258, %dma_start3A_259] : memref<10000x128xf32, #tpu.memory_space<hbm>> -> memref<10000x128xf32, #tpu.memory_space<hbm>>
          tpu.enqueue_indirect_dma source(%dma_start3A_260 : memref<10000x128xf32, #tpu.memory_space<hbm>>) target(%arg11 : memref<80x128xf32, #tpu.memory_space<vmem>>) offsets(%dma_start3A_257 : memref<80xi32, #tpu.memory_space<vmem>>) semaphore(%arg16 : memref<!tpu.dma_semaphore, #tpu.memory_space<semaphore_mem>>)
        } else {
        }
        %add3A_234 = arith.constant 3 : i32
        %add3A_235 = arith.addi %mul3A_109, %add3A_234 : i32
        %dma_wait3A_236 = arith.constant 0 : i32
        %dma_wait3A_237 = tpu.memref_slice %arg8[%add3A_235, %dma_wait3A_236] : memref<25x80xi32, #tpu.memory_space<vmem>> -> memref<1x80xi32, #tpu.memory_space<vmem>>
        %dma_wait3A_238 = tpu.memref_squeeze %dma_wait3A_237 : memref<1x80xi32, #tpu.memory_space<vmem>> -> memref<80xi32, #tpu.memory_space<vmem>>
        %dma_wait3A_239 = arith.constant 0 : i32
        %dma_wait3A_240 = arith.constant 0 : i32
        %dma_wait3A_241 = tpu.memref_slice %arg13[%dma_wait3A_239, %dma_wait3A_240] : memref<10240x128xf32, #tpu.memory_space<vmem_shared>> -> memref<10240x128xf32, #tpu.memory_space<vmem_shared>>
        tpu.wait_indirect_dma semaphore(%arg21 : memref<!tpu.dma_semaphore, #tpu.memory_space<semaphore_mem>>) src(%arg12 : memref<80x128xf32, #tpu.memory_space<vmem>>) dst(%dma_wait3A_241 : memref<10240x128xf32, #tpu.memory_space<vmem_shared>>)
        %add3A_242 = arith.constant 3 : i32
        %add3A_243 = arith.addi %mul3A_109, %add3A_242 : i32
        %add3A_244 = arith.constant 4 : i32
        %add3A_245 = arith.addi %add3A_243, %add3A_244 : i32
        %lt3A_246 = arith.constant 25 : i32
        %lt3A_247 = arith.cmpi slt, %add3A_245, %lt3A_246 : i32
        %add3A_248 = arith.constant 3 : i32
        %add3A_249 = arith.addi %mul3A_109, %add3A_248 : i32
        %add3A_250 = arith.constant 4 : i32
        %add3A_251 = arith.addi %add3A_249, %add3A_250 : i32
        %convert_element_type3A_252 = arith.extui %lt3A_247 : i1 to i32
        %cond3A_253 = arith.constant 0 : i32
        %cond3A_254 = arith.cmpi ne, %convert_element_type3A_252, %cond3A_253 : i32
        scf.if %cond3A_254 {
          %mul3A_255 = arith.constant 80 : i32
          %mul3A_256 = arith.muli %add3A_251, %mul3A_255 : i32
          %dma_start3A_257 = tpu.memref_slice %arg6[%mul3A_256] : memref<2000xi32, #tpu.memory_space<vmem>> -> memref<80xi32, #tpu.memory_space<vmem>>
          %dma_start3A_258 = arith.constant 0 : i32
          %dma_start3A_259 = arith.constant 0 : i32
          %dma_start3A_260 = tpu.memref_slice %arg2[%dma_start3A_258, %dma_start3A_259] : memref<10000x128xf32, #tpu.memory_space<hbm>> -> memref<10000x128xf32, #tpu.memory_space<hbm>>
          tpu.enqueue_indirect_dma source(%dma_start3A_260 : memref<10000x128xf32, #tpu.memory_space<hbm>>) target(%arg12 : memref<80x128xf32, #tpu.memory_space<vmem>>) offsets(%dma_start3A_257 : memref<80xi32, #tpu.memory_space<vmem>>) semaphore(%arg17 : memref<!tpu.dma_semaphore, #tpu.memory_space<semaphore_mem>>)
        } else {
        }
      }
      %scan3A_88 = arith.constant 6 : i32
      %dma_wait3A = arith.constant 1920 : i32
      %dma_wait3A_89 = tpu.memref_slice %arg6[%dma_wait3A] : memref<2000xi32, #tpu.memory_space<vmem>> -> memref<80xi32, #tpu.memory_space<vmem>>
      %dma_wait3A_90 = arith.constant 0 : i32
      %dma_wait3A_91 = arith.constant 0 : i32
      %dma_wait3A_92 = tpu.memref_slice %arg2[%dma_wait3A_90, %dma_wait3A_91] : memref<10000x128xf32, #tpu.memory_space<hbm>> -> memref<10000x128xf32, #tpu.memory_space<hbm>>
      tpu.wait_indirect_dma semaphore(%arg14 : memref<!tpu.dma_semaphore, #tpu.memory_space<semaphore_mem>>) src(%dma_wait3A_92 : memref<10000x128xf32, #tpu.memory_space<hbm>>) dst(%arg9 : memref<80x128xf32, #tpu.memory_space<vmem>>)
      %dma_start3A_93 = arith.constant 24 : i32
      %dma_start3A_94 = arith.constant 0 : i32
      %dma_start3A_95 = tpu.memref_slice %arg8[%dma_start3A_93, %dma_start3A_94] : memref<25x80xi32, #tpu.memory_space<vmem>> -> memref<1x80xi32, #tpu.memory_space<vmem>>
      %dma_start3A_96 = tpu.memref_squeeze %dma_start3A_95 : memref<1x80xi32, #tpu.memory_space<vmem>> -> memref<80xi32, #tpu.memory_space<vmem>>
      %dma_start3A_97 = arith.constant 0 : i32
      %dma_start3A_98 = arith.constant 0 : i32
      %dma_start3A_99 = tpu.memref_slice %arg13[%dma_start3A_97, %dma_start3A_98] : memref<10240x128xf32, #tpu.memory_space<vmem_shared>> -> memref<10240x128xf32, #tpu.memory_space<vmem_shared>>
      tpu.enqueue_indirect_dma source(%arg9 : memref<80x128xf32, #tpu.memory_space<vmem>>) target(%dma_start3A_99 : memref<10240x128xf32, #tpu.memory_space<vmem_shared>>) offsets(%dma_start3A_96 : memref<80xi32, #tpu.memory_space<vmem>>) semaphore(%arg18 : memref<!tpu.dma_semaphore, #tpu.memory_space<semaphore_mem>>) {add = true}
      %dma_wait3A_100 = arith.constant 24 : i32
      %dma_wait3A_101 = arith.constant 0 : i32
      %dma_wait3A_102 = tpu.memref_slice %arg8[%dma_wait3A_100, %dma_wait3A_101] : memref<25x80xi32, #tpu.memory_space<vmem>> -> memref<1x80xi32, #tpu.memory_space<vmem>>
      %dma_wait3A_103 = tpu.memref_squeeze %dma_wait3A_102 : memref<1x80xi32, #tpu.memory_space<vmem>> -> memref<80xi32, #tpu.memory_space<vmem>>
      %dma_wait3A_104 = arith.constant 0 : i32
      %dma_wait3A_105 = arith.constant 0 : i32
      %dma_wait3A_106 = tpu.memref_slice %arg13[%dma_wait3A_104, %dma_wait3A_105] : memref<10240x128xf32, #tpu.memory_space<vmem_shared>> -> memref<10240x128xf32, #tpu.memory_space<vmem_shared>>
      tpu.wait_indirect_dma semaphore(%arg18 : memref<!tpu.dma_semaphore, #tpu.memory_space<semaphore_mem>>) src(%arg9 : memref<80x128xf32, #tpu.memory_space<vmem>>) dst(%dma_wait3A_106 : memref<10240x128xf32, #tpu.memory_space<vmem_shared>>)
    }
    %scan3A_45 = arith.constant 5 : i32
    %barrier3A_46 = arith.constant 0 : index
    tpu.barrier barrier_id(%barrier3A_46)
    %mul3A_47 = arith.constant 640 : i32
    %mul3A_48 = arith.muli %arg1, %mul3A_47 : i32
    %mul3A_49 = arith.constant 640 : i32
    %mul3A_50 = arith.muli %arg1, %mul3A_49 : i32
    "tpu.region"() ({
      %run_scoped3A = tpu.sem_alloc : memref<!tpu.dma_semaphore, #tpu.memory_space<semaphore_mem>>
      %dma_start3A = arith.constant 0 : i32
      %dma_start3A_51 = tpu.memref_slice %arg5[%arg0, %mul3A_50, %dma_start3A] : memref<2x10240x128xf32, #tpu.memory_space<hbm>> -> memref<1x640x128xf32, #tpu.memory_space<hbm>>
      %dma_start3A_52 = tpu.memref_squeeze %dma_start3A_51 : memref<1x640x128xf32, #tpu.memory_space<hbm>> -> memref<640x128xf32, #tpu.memory_space<hbm>>
      %dma_start3A_53 = arith.constant 0 : i32
      %dma_start3A_54 = tpu.memref_slice %arg13[%mul3A_48, %dma_start3A_53] : memref<10240x128xf32, #tpu.memory_space<vmem_shared>> -> memref<640x128xf32, #tpu.memory_space<vmem_shared>>
      tpu.enqueue_dma source(%dma_start3A_54 : memref<640x128xf32, #tpu.memory_space<vmem_shared>>) target(%dma_start3A_52 : memref<640x128xf32, #tpu.memory_space<hbm>>) target_semaphore(%run_scoped3A : memref<!tpu.dma_semaphore, #tpu.memory_space<semaphore_mem>>)
      %dma_wait3A = arith.constant 0 : i32
      %dma_wait3A_55 = tpu.memref_slice %arg5[%arg0, %mul3A_50, %dma_wait3A] : memref<2x10240x128xf32, #tpu.memory_space<hbm>> -> memref<1x640x128xf32, #tpu.memory_space<hbm>>
      %dma_wait3A_56 = tpu.memref_squeeze %dma_wait3A_55 : memref<1x640x128xf32, #tpu.memory_space<hbm>> -> memref<640x128xf32, #tpu.memory_space<hbm>>
      %dma_wait3A_57 = arith.constant 0 : i32
      %dma_wait3A_58 = tpu.memref_slice %arg13[%mul3A_48, %dma_wait3A_57] : memref<10240x128xf32, #tpu.memory_space<vmem_shared>> -> memref<640x128xf32, #tpu.memory_space<vmem_shared>>
      tpu.wait_dma2 semaphore(%run_scoped3A : memref<!tpu.dma_semaphore, #tpu.memory_space<semaphore_mem>>) src(%dma_wait3A_58 : memref<640x128xf32, #tpu.memory_space<vmem_shared>>) dst(%dma_wait3A_56 : memref<640x128xf32, #tpu.memory_space<hbm>>)
      tpu.yield
    }) : () -> ()
    return
  }
}

#map = affine_map<(d0, d1) -> (0)>
#map1 = affine_map<(d0, d1) -> (0, 0, 0)>
module attributes {stable_mosaic.version = 14 : i64} {
  func.func @_sc_degree(%arg0: i32, %arg1: i32, %arg2: memref<320000xi32, #tpu.memory_space<hbm>>, %arg3: memref<2x10240x128xf32, #tpu.memory_space<hbm>>, %arg4: memref<2000xi32, #tpu.memory_space<vmem>>, %arg5: memref<25x80xi32, #tpu.memory_space<vmem>>, %arg6: memref<80x128xf32, #tpu.memory_space<vmem>>, %arg7: memref<10240x128xf32, #tpu.memory_space<vmem_shared>>, %arg8: memref<!tpu.dma_semaphore, #tpu.memory_space<semaphore_mem>>) attributes {dimension_semantics = [#tpu.dimension_semantics<core_parallel>, #tpu.dimension_semantics<subcore_parallel>], iteration_bounds = array<i64: 2, 16>, scalar_prefetch = 0 : i64, scratch_operands = 5 : i64, tpu.core_type = #tpu.core_type<sc_vector_subcore>, window_params = [{transform_indices = #map}, {transform_indices = #map1}]} {
    %mul3A = arith.constant 16 : i32
    %mul3A_0 = arith.muli %arg0, %mul3A : i32
    %add3A = arith.addi %mul3A_0, %arg1 : i32
    %mul3A_1 = arith.constant 10000 : i32
    %mul3A_2 = arith.muli %add3A, %mul3A_1 : i32
    %scan3A = arith.constant 0 : i32
    %scan3A_3 = arith.constant 0 : i32
    %scan3A_4 = arith.constant 80 : i32
    %scan3A_5 = arith.addi %scan3A_3, %scan3A_4 : i32
    %scan3A_6 = arith.constant 1 : i32
    scf.for %scan3A_57 = %scan3A_3 to %scan3A_5 step %scan3A_6  : i32 {
      %broadcast_in_dim3A = arith.constant 0.000000e+00 : f32
      %broadcast_in_dim3A_58 = vector.broadcast %broadcast_in_dim3A : f32 to vector<16xf32>
      %swap3A = arith.index_cast %scan3A_57 : i32 to index
      %swap3A_59 = arith.constant 0 : index
      %swap3A_60 = tpu.vector_load %arg6[%swap3A, %swap3A_59] {strides = array<i32>} : memref<80x128xf32, #tpu.memory_space<vmem>>, vector<1x16xf32>,
      %swap3A_61 = vector.shape_cast %swap3A_60 : vector<1x16xf32> to vector<16xf32>
      %swap3A_62 = vector.shape_cast %broadcast_in_dim3A_58 : vector<16xf32> to vector<1x16xf32>
      tpu.vector_store %arg6[%swap3A, %swap3A_59], %swap3A_62 {strides = array<i32>} : memref<80x128xf32, #tpu.memory_space<vmem>>, vector<1x16xf32>,
      %broadcast_in_dim3A_63 = arith.constant 0.000000e+00 : f32
      %broadcast_in_dim3A_64 = vector.broadcast %broadcast_in_dim3A_63 : f32 to vector<16xf32>
      %swap3A_65 = arith.index_cast %scan3A_57 : i32 to index
      %swap3A_66 = arith.constant 16 : index
      %swap3A_67 = tpu.vector_load %arg6[%swap3A_65, %swap3A_66] {strides = array<i32>} : memref<80x128xf32, #tpu.memory_space<vmem>>, vector<1x16xf32>,
      %swap3A_68 = vector.shape_cast %swap3A_67 : vector<1x16xf32> to vector<16xf32>
      %swap3A_69 = vector.shape_cast %broadcast_in_dim3A_64 : vector<16xf32> to vector<1x16xf32>
      tpu.vector_store %arg6[%swap3A_65, %swap3A_66], %swap3A_69 {strides = array<i32>} : memref<80x128xf32, #tpu.memory_space<vmem>>, vector<1x16xf32>,
      %broadcast_in_dim3A_70 = arith.constant 0.000000e+00 : f32
      %broadcast_in_dim3A_71 = vector.broadcast %broadcast_in_dim3A_70 : f32 to vector<16xf32>
      %swap3A_72 = arith.index_cast %scan3A_57 : i32 to index
      %swap3A_73 = arith.constant 32 : index
      %swap3A_74 = tpu.vector_load %arg6[%swap3A_72, %swap3A_73] {strides = array<i32>} : memref<80x128xf32, #tpu.memory_space<vmem>>, vector<1x16xf32>,
      %swap3A_75 = vector.shape_cast %swap3A_74 : vector<1x16xf32> to vector<16xf32>
      %swap3A_76 = vector.shape_cast %broadcast_in_dim3A_71 : vector<16xf32> to vector<1x16xf32>
      tpu.vector_store %arg6[%swap3A_72, %swap3A_73], %swap3A_76 {strides = array<i32>} : memref<80x128xf32, #tpu.memory_space<vmem>>, vector<1x16xf32>,
      %broadcast_in_dim3A_77 = arith.constant 0.000000e+00 : f32
      %broadcast_in_dim3A_78 = vector.broadcast %broadcast_in_dim3A_77 : f32 to vector<16xf32>
      %swap3A_79 = arith.index_cast %scan3A_57 : i32 to index
      %swap3A_80 = arith.constant 48 : index
      %swap3A_81 = tpu.vector_load %arg6[%swap3A_79, %swap3A_80] {strides = array<i32>} : memref<80x128xf32, #tpu.memory_space<vmem>>, vector<1x16xf32>,
      %swap3A_82 = vector.shape_cast %swap3A_81 : vector<1x16xf32> to vector<16xf32>
      %swap3A_83 = vector.shape_cast %broadcast_in_dim3A_78 : vector<16xf32> to vector<1x16xf32>
      tpu.vector_store %arg6[%swap3A_79, %swap3A_80], %swap3A_83 {strides = array<i32>} : memref<80x128xf32, #tpu.memory_space<vmem>>, vector<1x16xf32>,
      %broadcast_in_dim3A_84 = arith.constant 0.000000e+00 : f32
      %broadcast_in_dim3A_85 = vector.broadcast %broadcast_in_dim3A_84 : f32 to vector<16xf32>
      %swap3A_86 = arith.index_cast %scan3A_57 : i32 to index
      %swap3A_87 = arith.constant 64 : index
      %swap3A_88 = tpu.vector_load %arg6[%swap3A_86, %swap3A_87] {strides = array<i32>} : memref<80x128xf32, #tpu.memory_space<vmem>>, vector<1x16xf32>,
      %swap3A_89 = vector.shape_cast %swap3A_88 : vector<1x16xf32> to vector<16xf32>
      %swap3A_90 = vector.shape_cast %broadcast_in_dim3A_85 : vector<16xf32> to vector<1x16xf32>
      tpu.vector_store %arg6[%swap3A_86, %swap3A_87], %swap3A_90 {strides = array<i32>} : memref<80x128xf32, #tpu.memory_space<vmem>>, vector<1x16xf32>,
      %broadcast_in_dim3A_91 = arith.constant 0.000000e+00 : f32
      %broadcast_in_dim3A_92 = vector.broadcast %broadcast_in_dim3A_91 : f32 to vector<16xf32>
      %swap3A_93 = arith.index_cast %scan3A_57 : i32 to index
      %swap3A_94 = arith.constant 80 : index
      %swap3A_95 = tpu.vector_load %arg6[%swap3A_93, %swap3A_94] {strides = array<i32>} : memref<80x128xf32, #tpu.memory_space<vmem>>, vector<1x16xf32>,
      %swap3A_96 = vector.shape_cast %swap3A_95 : vector<1x16xf32> to vector<16xf32>
      %swap3A_97 = vector.shape_cast %broadcast_in_dim3A_92 : vector<16xf32> to vector<1x16xf32>
      tpu.vector_store %arg6[%swap3A_93, %swap3A_94], %swap3A_97 {strides = array<i32>} : memref<80x128xf32, #tpu.memory_space<vmem>>, vector<1x16xf32>,
      %broadcast_in_dim3A_98 = arith.constant 0.000000e+00 : f32
      %broadcast_in_dim3A_99 = vector.broadcast %broadcast_in_dim3A_98 : f32 to vector<16xf32>
      %swap3A_100 = arith.index_cast %scan3A_57 : i32 to index
      %swap3A_101 = arith.constant 96 : index
      %swap3A_102 = tpu.vector_load %arg6[%swap3A_100, %swap3A_101] {strides = array<i32>} : memref<80x128xf32, #tpu.memory_space<vmem>>, vector<1x16xf32>,
      %swap3A_103 = vector.shape_cast %swap3A_102 : vector<1x16xf32> to vector<16xf32>
      %swap3A_104 = vector.shape_cast %broadcast_in_dim3A_99 : vector<16xf32> to vector<1x16xf32>
      tpu.vector_store %arg6[%swap3A_100, %swap3A_101], %swap3A_104 {strides = array<i32>} : memref<80x128xf32, #tpu.memory_space<vmem>>, vector<1x16xf32>,
      %broadcast_in_dim3A_105 = arith.constant 0.000000e+00 : f32
      %broadcast_in_dim3A_106 = vector.broadcast %broadcast_in_dim3A_105 : f32 to vector<16xf32>
      %swap3A_107 = arith.index_cast %scan3A_57 : i32 to index
      %swap3A_108 = arith.constant 112 : index
      %swap3A_109 = tpu.vector_load %arg6[%swap3A_107, %swap3A_108] {strides = array<i32>} : memref<80x128xf32, #tpu.memory_space<vmem>>, vector<1x16xf32>,
      %swap3A_110 = vector.shape_cast %swap3A_109 : vector<1x16xf32> to vector<16xf32>
      %swap3A_111 = vector.shape_cast %broadcast_in_dim3A_106 : vector<16xf32> to vector<1x16xf32>
      tpu.vector_store %arg6[%swap3A_107, %swap3A_108], %swap3A_111 {strides = array<i32>} : memref<80x128xf32, #tpu.memory_space<vmem>>, vector<1x16xf32>,
    }
    %scan3A_7 = arith.constant 80 : i32
    %mul3A_8 = arith.constant 640 : i32
    %mul3A_9 = arith.muli %arg1, %mul3A_8 : i32
    %add3A_10 = arith.constant 0 : i32
    %add3A_11 = arith.addi %mul3A_9, %add3A_10 : i32
    "tpu.region"() ({
      %run_scoped3A = tpu.sem_alloc : memref<!tpu.dma_semaphore, #tpu.memory_space<semaphore_mem>>
      %dma_start3A = arith.constant 0 : i32
      %dma_start3A_57 = tpu.memref_slice %arg7[%add3A_11, %dma_start3A] : memref<10240x128xf32, #tpu.memory_space<vmem_shared>> -> memref<80x128xf32, #tpu.memory_space<vmem_shared>>
      %dma_start3A_58 = arith.constant 0 : i32
      %dma_start3A_59 = tpu.memref_slice %arg7[%add3A_11, %dma_start3A_58] : memref<10240x128xf32, #tpu.memory_space<vmem_shared>> -> memref<80x128xf32, #tpu.memory_space<vmem_shared>>
      tpu.enqueue_dma source(%arg6 : memref<80x128xf32, #tpu.memory_space<vmem>>) target(%dma_start3A_59 : memref<80x128xf32, #tpu.memory_space<vmem_shared>>) target_semaphore(%run_scoped3A : memref<!tpu.dma_semaphore, #tpu.memory_space<semaphore_mem>>)
      %dma_wait3A = arith.constant 0 : i32
      %dma_wait3A_60 = tpu.memref_slice %arg7[%add3A_11, %dma_wait3A] : memref<10240x128xf32, #tpu.memory_space<vmem_shared>> -> memref<80x128xf32, #tpu.memory_space<vmem_shared>>
      %dma_wait3A_61 = arith.constant 0 : i32
      %dma_wait3A_62 = tpu.memref_slice %arg7[%add3A_11, %dma_wait3A_61] : memref<10240x128xf32, #tpu.memory_space<vmem_shared>> -> memref<80x128xf32, #tpu.memory_space<vmem_shared>>
      tpu.wait_dma2 semaphore(%run_scoped3A : memref<!tpu.dma_semaphore, #tpu.memory_space<semaphore_mem>>) src(%arg6 : memref<80x128xf32, #tpu.memory_space<vmem>>) dst(%dma_wait3A_62 : memref<80x128xf32, #tpu.memory_space<vmem_shared>>)
      tpu.yield
    }) : () -> ()
    %mul3A_12 = arith.constant 640 : i32
    %mul3A_13 = arith.muli %arg1, %mul3A_12 : i32
    %add3A_14 = arith.constant 80 : i32
    %add3A_15 = arith.addi %mul3A_13, %add3A_14 : i32
    "tpu.region"() ({
      %run_scoped3A = tpu.sem_alloc : memref<!tpu.dma_semaphore, #tpu.memory_space<semaphore_mem>>
      %dma_start3A = arith.constant 0 : i32
      %dma_start3A_57 = tpu.memref_slice %arg7[%add3A_15, %dma_start3A] : memref<10240x128xf32, #tpu.memory_space<vmem_shared>> -> memref<80x128xf32, #tpu.memory_space<vmem_shared>>
      %dma_start3A_58 = arith.constant 0 : i32
      %dma_start3A_59 = tpu.memref_slice %arg7[%add3A_15, %dma_start3A_58] : memref<10240x128xf32, #tpu.memory_space<vmem_shared>> -> memref<80x128xf32, #tpu.memory_space<vmem_shared>>
      tpu.enqueue_dma source(%arg6 : memref<80x128xf32, #tpu.memory_space<vmem>>) target(%dma_start3A_59 : memref<80x128xf32, #tpu.memory_space<vmem_shared>>) target_semaphore(%run_scoped3A : memref<!tpu.dma_semaphore, #tpu.memory_space<semaphore_mem>>)
      %dma_wait3A = arith.constant 0 : i32
      %dma_wait3A_60 = tpu.memref_slice %arg7[%add3A_15, %dma_wait3A] : memref<10240x128xf32, #tpu.memory_space<vmem_shared>> -> memref<80x128xf32, #tpu.memory_space<vmem_shared>>
      %dma_wait3A_61 = arith.constant 0 : i32
      %dma_wait3A_62 = tpu.memref_slice %arg7[%add3A_15, %dma_wait3A_61] : memref<10240x128xf32, #tpu.memory_space<vmem_shared>> -> memref<80x128xf32, #tpu.memory_space<vmem_shared>>
      tpu.wait_dma2 semaphore(%run_scoped3A : memref<!tpu.dma_semaphore, #tpu.memory_space<semaphore_mem>>) src(%arg6 : memref<80x128xf32, #tpu.memory_space<vmem>>) dst(%dma_wait3A_62 : memref<80x128xf32, #tpu.memory_space<vmem_shared>>)
      tpu.yield
    }) : () -> ()
    %mul3A_16 = arith.constant 640 : i32
    %mul3A_17 = arith.muli %arg1, %mul3A_16 : i32
    %add3A_18 = arith.constant 160 : i32
    %add3A_19 = arith.addi %mul3A_17, %add3A_18 : i32
    "tpu.region"() ({
      %run_scoped3A = tpu.sem_alloc : memref<!tpu.dma_semaphore, #tpu.memory_space<semaphore_mem>>
      %dma_start3A = arith.constant 0 : i32
      %dma_start3A_57 = tpu.memref_slice %arg7[%add3A_19, %dma_start3A] : memref<10240x128xf32, #tpu.memory_space<vmem_shared>> -> memref<80x128xf32, #tpu.memory_space<vmem_shared>>
      %dma_start3A_58 = arith.constant 0 : i32
      %dma_start3A_59 = tpu.memref_slice %arg7[%add3A_19, %dma_start3A_58] : memref<10240x128xf32, #tpu.memory_space<vmem_shared>> -> memref<80x128xf32, #tpu.memory_space<vmem_shared>>
      tpu.enqueue_dma source(%arg6 : memref<80x128xf32, #tpu.memory_space<vmem>>) target(%dma_start3A_59 : memref<80x128xf32, #tpu.memory_space<vmem_shared>>) target_semaphore(%run_scoped3A : memref<!tpu.dma_semaphore, #tpu.memory_space<semaphore_mem>>)
      %dma_wait3A = arith.constant 0 : i32
      %dma_wait3A_60 = tpu.memref_slice %arg7[%add3A_19, %dma_wait3A] : memref<10240x128xf32, #tpu.memory_space<vmem_shared>> -> memref<80x128xf32, #tpu.memory_space<vmem_shared>>
      %dma_wait3A_61 = arith.constant 0 : i32
      %dma_wait3A_62 = tpu.memref_slice %arg7[%add3A_19, %dma_wait3A_61] : memref<10240x128xf32, #tpu.memory_space<vmem_shared>> -> memref<80x128xf32, #tpu.memory_space<vmem_shared>>
      tpu.wait_dma2 semaphore(%run_scoped3A : memref<!tpu.dma_semaphore, #tpu.memory_space<semaphore_mem>>) src(%arg6 : memref<80x128xf32, #tpu.memory_space<vmem>>) dst(%dma_wait3A_62 : memref<80x128xf32, #tpu.memory_space<vmem_shared>>)
      tpu.yield
    }) : () -> ()
    %mul3A_20 = arith.constant 640 : i32
    %mul3A_21 = arith.muli %arg1, %mul3A_20 : i32
    %add3A_22 = arith.constant 240 : i32
    %add3A_23 = arith.addi %mul3A_21, %add3A_22 : i32
    "tpu.region"() ({
      %run_scoped3A = tpu.sem_alloc : memref<!tpu.dma_semaphore, #tpu.memory_space<semaphore_mem>>
      %dma_start3A = arith.constant 0 : i32
      %dma_start3A_57 = tpu.memref_slice %arg7[%add3A_23, %dma_start3A] : memref<10240x128xf32, #tpu.memory_space<vmem_shared>> -> memref<80x128xf32, #tpu.memory_space<vmem_shared>>
      %dma_start3A_58 = arith.constant 0 : i32
      %dma_start3A_59 = tpu.memref_slice %arg7[%add3A_23, %dma_start3A_58] : memref<10240x128xf32, #tpu.memory_space<vmem_shared>> -> memref<80x128xf32, #tpu.memory_space<vmem_shared>>
      tpu.enqueue_dma source(%arg6 : memref<80x128xf32, #tpu.memory_space<vmem>>) target(%dma_start3A_59 : memref<80x128xf32, #tpu.memory_space<vmem_shared>>) target_semaphore(%run_scoped3A : memref<!tpu.dma_semaphore, #tpu.memory_space<semaphore_mem>>)
      %dma_wait3A = arith.constant 0 : i32
      %dma_wait3A_60 = tpu.memref_slice %arg7[%add3A_23, %dma_wait3A] : memref<10240x128xf32, #tpu.memory_space<vmem_shared>> -> memref<80x128xf32, #tpu.memory_space<vmem_shared>>
      %dma_wait3A_61 = arith.constant 0 : i32
      %dma_wait3A_62 = tpu.memref_slice %arg7[%add3A_23, %dma_wait3A_61] : memref<10240x128xf32, #tpu.memory_space<vmem_shared>> -> memref<80x128xf32, #tpu.memory_space<vmem_shared>>
      tpu.wait_dma2 semaphore(%run_scoped3A : memref<!tpu.dma_semaphore, #tpu.memory_space<semaphore_mem>>) src(%arg6 : memref<80x128xf32, #tpu.memory_space<vmem>>) dst(%dma_wait3A_62 : memref<80x128xf32, #tpu.memory_space<vmem_shared>>)
      tpu.yield
    }) : () -> ()
    %mul3A_24 = arith.constant 640 : i32
    %mul3A_25 = arith.muli %arg1, %mul3A_24 : i32
    %add3A_26 = arith.constant 320 : i32
    %add3A_27 = arith.addi %mul3A_25, %add3A_26 : i32
    "tpu.region"() ({
      %run_scoped3A = tpu.sem_alloc : memref<!tpu.dma_semaphore, #tpu.memory_space<semaphore_mem>>
      %dma_start3A = arith.constant 0 : i32
      %dma_start3A_57 = tpu.memref_slice %arg7[%add3A_27, %dma_start3A] : memref<10240x128xf32, #tpu.memory_space<vmem_shared>> -> memref<80x128xf32, #tpu.memory_space<vmem_shared>>
      %dma_start3A_58 = arith.constant 0 : i32
      %dma_start3A_59 = tpu.memref_slice %arg7[%add3A_27, %dma_start3A_58] : memref<10240x128xf32, #tpu.memory_space<vmem_shared>> -> memref<80x128xf32, #tpu.memory_space<vmem_shared>>
      tpu.enqueue_dma source(%arg6 : memref<80x128xf32, #tpu.memory_space<vmem>>) target(%dma_start3A_59 : memref<80x128xf32, #tpu.memory_space<vmem_shared>>) target_semaphore(%run_scoped3A : memref<!tpu.dma_semaphore, #tpu.memory_space<semaphore_mem>>)
      %dma_wait3A = arith.constant 0 : i32
      %dma_wait3A_60 = tpu.memref_slice %arg7[%add3A_27, %dma_wait3A] : memref<10240x128xf32, #tpu.memory_space<vmem_shared>> -> memref<80x128xf32, #tpu.memory_space<vmem_shared>>
      %dma_wait3A_61 = arith.constant 0 : i32
      %dma_wait3A_62 = tpu.memref_slice %arg7[%add3A_27, %dma_wait3A_61] : memref<10240x128xf32, #tpu.memory_space<vmem_shared>> -> memref<80x128xf32, #tpu.memory_space<vmem_shared>>
      tpu.wait_dma2 semaphore(%run_scoped3A : memref<!tpu.dma_semaphore, #tpu.memory_space<semaphore_mem>>) src(%arg6 : memref<80x128xf32, #tpu.memory_space<vmem>>) dst(%dma_wait3A_62 : memref<80x128xf32, #tpu.memory_space<vmem_shared>>)
      tpu.yield
    }) : () -> ()
    %mul3A_28 = arith.constant 640 : i32
    %mul3A_29 = arith.muli %arg1, %mul3A_28 : i32
    %add3A_30 = arith.constant 400 : i32
    %add3A_31 = arith.addi %mul3A_29, %add3A_30 : i32
    "tpu.region"() ({
      %run_scoped3A = tpu.sem_alloc : memref<!tpu.dma_semaphore, #tpu.memory_space<semaphore_mem>>
      %dma_start3A = arith.constant 0 : i32
      %dma_start3A_57 = tpu.memref_slice %arg7[%add3A_31, %dma_start3A] : memref<10240x128xf32, #tpu.memory_space<vmem_shared>> -> memref<80x128xf32, #tpu.memory_space<vmem_shared>>
      %dma_start3A_58 = arith.constant 0 : i32
      %dma_start3A_59 = tpu.memref_slice %arg7[%add3A_31, %dma_start3A_58] : memref<10240x128xf32, #tpu.memory_space<vmem_shared>> -> memref<80x128xf32, #tpu.memory_space<vmem_shared>>
      tpu.enqueue_dma source(%arg6 : memref<80x128xf32, #tpu.memory_space<vmem>>) target(%dma_start3A_59 : memref<80x128xf32, #tpu.memory_space<vmem_shared>>) target_semaphore(%run_scoped3A : memref<!tpu.dma_semaphore, #tpu.memory_space<semaphore_mem>>)
      %dma_wait3A = arith.constant 0 : i32
      %dma_wait3A_60 = tpu.memref_slice %arg7[%add3A_31, %dma_wait3A] : memref<10240x128xf32, #tpu.memory_space<vmem_shared>> -> memref<80x128xf32, #tpu.memory_space<vmem_shared>>
      %dma_wait3A_61 = arith.constant 0 : i32
      %dma_wait3A_62 = tpu.memref_slice %arg7[%add3A_31, %dma_wait3A_61] : memref<10240x128xf32, #tpu.memory_space<vmem_shared>> -> memref<80x128xf32, #tpu.memory_space<vmem_shared>>
      tpu.wait_dma2 semaphore(%run_scoped3A : memref<!tpu.dma_semaphore, #tpu.memory_space<semaphore_mem>>) src(%arg6 : memref<80x128xf32, #tpu.memory_space<vmem>>) dst(%dma_wait3A_62 : memref<80x128xf32, #tpu.memory_space<vmem_shared>>)
      tpu.yield
    }) : () -> ()
    %mul3A_32 = arith.constant 640 : i32
    %mul3A_33 = arith.muli %arg1, %mul3A_32 : i32
    %add3A_34 = arith.constant 480 : i32
    %add3A_35 = arith.addi %mul3A_33, %add3A_34 : i32
    "tpu.region"() ({
      %run_scoped3A = tpu.sem_alloc : memref<!tpu.dma_semaphore, #tpu.memory_space<semaphore_mem>>
      %dma_start3A = arith.constant 0 : i32
      %dma_start3A_57 = tpu.memref_slice %arg7[%add3A_35, %dma_start3A] : memref<10240x128xf32, #tpu.memory_space<vmem_shared>> -> memref<80x128xf32, #tpu.memory_space<vmem_shared>>
      %dma_start3A_58 = arith.constant 0 : i32
      %dma_start3A_59 = tpu.memref_slice %arg7[%add3A_35, %dma_start3A_58] : memref<10240x128xf32, #tpu.memory_space<vmem_shared>> -> memref<80x128xf32, #tpu.memory_space<vmem_shared>>
      tpu.enqueue_dma source(%arg6 : memref<80x128xf32, #tpu.memory_space<vmem>>) target(%dma_start3A_59 : memref<80x128xf32, #tpu.memory_space<vmem_shared>>) target_semaphore(%run_scoped3A : memref<!tpu.dma_semaphore, #tpu.memory_space<semaphore_mem>>)
      %dma_wait3A = arith.constant 0 : i32
      %dma_wait3A_60 = tpu.memref_slice %arg7[%add3A_35, %dma_wait3A] : memref<10240x128xf32, #tpu.memory_space<vmem_shared>> -> memref<80x128xf32, #tpu.memory_space<vmem_shared>>
      %dma_wait3A_61 = arith.constant 0 : i32
      %dma_wait3A_62 = tpu.memref_slice %arg7[%add3A_35, %dma_wait3A_61] : memref<10240x128xf32, #tpu.memory_space<vmem_shared>> -> memref<80x128xf32, #tpu.memory_space<vmem_shared>>
      tpu.wait_dma2 semaphore(%run_scoped3A : memref<!tpu.dma_semaphore, #tpu.memory_space<semaphore_mem>>) src(%arg6 : memref<80x128xf32, #tpu.memory_space<vmem>>) dst(%dma_wait3A_62 : memref<80x128xf32, #tpu.memory_space<vmem_shared>>)
      tpu.yield
    }) : () -> ()
    %mul3A_36 = arith.constant 640 : i32
    %mul3A_37 = arith.muli %arg1, %mul3A_36 : i32
    %add3A_38 = arith.constant 560 : i32
    %add3A_39 = arith.addi %mul3A_37, %add3A_38 : i32
    "tpu.region"() ({
      %run_scoped3A = tpu.sem_alloc : memref<!tpu.dma_semaphore, #tpu.memory_space<semaphore_mem>>
      %dma_start3A = arith.constant 0 : i32
      %dma_start3A_57 = tpu.memref_slice %arg7[%add3A_39, %dma_start3A] : memref<10240x128xf32, #tpu.memory_space<vmem_shared>> -> memref<80x128xf32, #tpu.memory_space<vmem_shared>>
      %dma_start3A_58 = arith.constant 0 : i32
      %dma_start3A_59 = tpu.memref_slice %arg7[%add3A_39, %dma_start3A_58] : memref<10240x128xf32, #tpu.memory_space<vmem_shared>> -> memref<80x128xf32, #tpu.memory_space<vmem_shared>>
      tpu.enqueue_dma source(%arg6 : memref<80x128xf32, #tpu.memory_space<vmem>>) target(%dma_start3A_59 : memref<80x128xf32, #tpu.memory_space<vmem_shared>>) target_semaphore(%run_scoped3A : memref<!tpu.dma_semaphore, #tpu.memory_space<semaphore_mem>>)
      %dma_wait3A = arith.constant 0 : i32
      %dma_wait3A_60 = tpu.memref_slice %arg7[%add3A_39, %dma_wait3A] : memref<10240x128xf32, #tpu.memory_space<vmem_shared>> -> memref<80x128xf32, #tpu.memory_space<vmem_shared>>
      %dma_wait3A_61 = arith.constant 0 : i32
      %dma_wait3A_62 = tpu.memref_slice %arg7[%add3A_39, %dma_wait3A_61] : memref<10240x128xf32, #tpu.memory_space<vmem_shared>> -> memref<80x128xf32, #tpu.memory_space<vmem_shared>>
      tpu.wait_dma2 semaphore(%run_scoped3A : memref<!tpu.dma_semaphore, #tpu.memory_space<semaphore_mem>>) src(%arg6 : memref<80x128xf32, #tpu.memory_space<vmem>>) dst(%dma_wait3A_62 : memref<80x128xf32, #tpu.memory_space<vmem_shared>>)
      tpu.yield
    }) : () -> ()
    %scan3A_40 = arith.constant 0 : i32
    %scan3A_41 = arith.constant 0 : i32
    %scan3A_42 = arith.constant 80 : i32
    %scan3A_43 = arith.addi %scan3A_41, %scan3A_42 : i32
    %scan3A_44 = arith.constant 1 : i32
    scf.for %scan3A_57 = %scan3A_41 to %scan3A_43 step %scan3A_44  : i32 {
      %broadcast_in_dim3A = arith.constant 1.000000e+00 : f32
      %broadcast_in_dim3A_58 = vector.broadcast %broadcast_in_dim3A : f32 to vector<16xf32>
      %swap3A = arith.index_cast %scan3A_57 : i32 to index
      %swap3A_59 = arith.constant 0 : index
      %swap3A_60 = tpu.vector_load %arg6[%swap3A, %swap3A_59] {strides = array<i32>} : memref<80x128xf32, #tpu.memory_space<vmem>>, vector<1x16xf32>,
      %swap3A_61 = vector.shape_cast %swap3A_60 : vector<1x16xf32> to vector<16xf32>
      %swap3A_62 = vector.shape_cast %broadcast_in_dim3A_58 : vector<16xf32> to vector<1x16xf32>
      tpu.vector_store %arg6[%swap3A, %swap3A_59], %swap3A_62 {strides = array<i32>} : memref<80x128xf32, #tpu.memory_space<vmem>>, vector<1x16xf32>,
      %broadcast_in_dim3A_63 = arith.constant 1.000000e+00 : f32
      %broadcast_in_dim3A_64 = vector.broadcast %broadcast_in_dim3A_63 : f32 to vector<16xf32>
      %swap3A_65 = arith.index_cast %scan3A_57 : i32 to index
      %swap3A_66 = arith.constant 16 : index
      %swap3A_67 = tpu.vector_load %arg6[%swap3A_65, %swap3A_66] {strides = array<i32>} : memref<80x128xf32, #tpu.memory_space<vmem>>, vector<1x16xf32>,
      %swap3A_68 = vector.shape_cast %swap3A_67 : vector<1x16xf32> to vector<16xf32>
      %swap3A_69 = vector.shape_cast %broadcast_in_dim3A_64 : vector<16xf32> to vector<1x16xf32>
      tpu.vector_store %arg6[%swap3A_65, %swap3A_66], %swap3A_69 {strides = array<i32>} : memref<80x128xf32, #tpu.memory_space<vmem>>, vector<1x16xf32>,
      %broadcast_in_dim3A_70 = arith.constant 1.000000e+00 : f32
      %broadcast_in_dim3A_71 = vector.broadcast %broadcast_in_dim3A_70 : f32 to vector<16xf32>
      %swap3A_72 = arith.index_cast %scan3A_57 : i32 to index
      %swap3A_73 = arith.constant 32 : index
      %swap3A_74 = tpu.vector_load %arg6[%swap3A_72, %swap3A_73] {strides = array<i32>} : memref<80x128xf32, #tpu.memory_space<vmem>>, vector<1x16xf32>,
      %swap3A_75 = vector.shape_cast %swap3A_74 : vector<1x16xf32> to vector<16xf32>
      %swap3A_76 = vector.shape_cast %broadcast_in_dim3A_71 : vector<16xf32> to vector<1x16xf32>
      tpu.vector_store %arg6[%swap3A_72, %swap3A_73], %swap3A_76 {strides = array<i32>} : memref<80x128xf32, #tpu.memory_space<vmem>>, vector<1x16xf32>,
      %broadcast_in_dim3A_77 = arith.constant 1.000000e+00 : f32
      %broadcast_in_dim3A_78 = vector.broadcast %broadcast_in_dim3A_77 : f32 to vector<16xf32>
      %swap3A_79 = arith.index_cast %scan3A_57 : i32 to index
      %swap3A_80 = arith.constant 48 : index
      %swap3A_81 = tpu.vector_load %arg6[%swap3A_79, %swap3A_80] {strides = array<i32>} : memref<80x128xf32, #tpu.memory_space<vmem>>, vector<1x16xf32>,
      %swap3A_82 = vector.shape_cast %swap3A_81 : vector<1x16xf32> to vector<16xf32>
      %swap3A_83 = vector.shape_cast %broadcast_in_dim3A_78 : vector<16xf32> to vector<1x16xf32>
      tpu.vector_store %arg6[%swap3A_79, %swap3A_80], %swap3A_83 {strides = array<i32>} : memref<80x128xf32, #tpu.memory_space<vmem>>, vector<1x16xf32>,
      %broadcast_in_dim3A_84 = arith.constant 1.000000e+00 : f32
      %broadcast_in_dim3A_85 = vector.broadcast %broadcast_in_dim3A_84 : f32 to vector<16xf32>
      %swap3A_86 = arith.index_cast %scan3A_57 : i32 to index
      %swap3A_87 = arith.constant 64 : index
      %swap3A_88 = tpu.vector_load %arg6[%swap3A_86, %swap3A_87] {strides = array<i32>} : memref<80x128xf32, #tpu.memory_space<vmem>>, vector<1x16xf32>,
      %swap3A_89 = vector.shape_cast %swap3A_88 : vector<1x16xf32> to vector<16xf32>
      %swap3A_90 = vector.shape_cast %broadcast_in_dim3A_85 : vector<16xf32> to vector<1x16xf32>
      tpu.vector_store %arg6[%swap3A_86, %swap3A_87], %swap3A_90 {strides = array<i32>} : memref<80x128xf32, #tpu.memory_space<vmem>>, vector<1x16xf32>,
      %broadcast_in_dim3A_91 = arith.constant 1.000000e+00 : f32
      %broadcast_in_dim3A_92 = vector.broadcast %broadcast_in_dim3A_91 : f32 to vector<16xf32>
      %swap3A_93 = arith.index_cast %scan3A_57 : i32 to index
      %swap3A_94 = arith.constant 80 : index
      %swap3A_95 = tpu.vector_load %arg6[%swap3A_93, %swap3A_94] {strides = array<i32>} : memref<80x128xf32, #tpu.memory_space<vmem>>, vector<1x16xf32>,
      %swap3A_96 = vector.shape_cast %swap3A_95 : vector<1x16xf32> to vector<16xf32>
      %swap3A_97 = vector.shape_cast %broadcast_in_dim3A_92 : vector<16xf32> to vector<1x16xf32>
      tpu.vector_store %arg6[%swap3A_93, %swap3A_94], %swap3A_97 {strides = array<i32>} : memref<80x128xf32, #tpu.memory_space<vmem>>, vector<1x16xf32>,
      %broadcast_in_dim3A_98 = arith.constant 1.000000e+00 : f32
      %broadcast_in_dim3A_99 = vector.broadcast %broadcast_in_dim3A_98 : f32 to vector<16xf32>
      %swap3A_100 = arith.index_cast %scan3A_57 : i32 to index
      %swap3A_101 = arith.constant 96 : index
      %swap3A_102 = tpu.vector_load %arg6[%swap3A_100, %swap3A_101] {strides = array<i32>} : memref<80x128xf32, #tpu.memory_space<vmem>>, vector<1x16xf32>,
      %swap3A_103 = vector.shape_cast %swap3A_102 : vector<1x16xf32> to vector<16xf32>
      %swap3A_104 = vector.shape_cast %broadcast_in_dim3A_99 : vector<16xf32> to vector<1x16xf32>
      tpu.vector_store %arg6[%swap3A_100, %swap3A_101], %swap3A_104 {strides = array<i32>} : memref<80x128xf32, #tpu.memory_space<vmem>>, vector<1x16xf32>,
      %broadcast_in_dim3A_105 = arith.constant 1.000000e+00 : f32
      %broadcast_in_dim3A_106 = vector.broadcast %broadcast_in_dim3A_105 : f32 to vector<16xf32>
      %swap3A_107 = arith.index_cast %scan3A_57 : i32 to index
      %swap3A_108 = arith.constant 112 : index
      %swap3A_109 = tpu.vector_load %arg6[%swap3A_107, %swap3A_108] {strides = array<i32>} : memref<80x128xf32, #tpu.memory_space<vmem>>, vector<1x16xf32>,
      %swap3A_110 = vector.shape_cast %swap3A_109 : vector<1x16xf32> to vector<16xf32>
      %swap3A_111 = vector.shape_cast %broadcast_in_dim3A_106 : vector<16xf32> to vector<1x16xf32>
      tpu.vector_store %arg6[%swap3A_107, %swap3A_108], %swap3A_111 {strides = array<i32>} : memref<80x128xf32, #tpu.memory_space<vmem>>, vector<1x16xf32>,
    }
    %scan3A_45 = arith.constant 80 : i32
    %barrier3A = arith.constant 0 : index
    tpu.barrier barrier_id(%barrier3A)
    %scan3A_46 = arith.constant 0 : i32
    %scan3A_47 = arith.constant 0 : i32
    %scan3A_48 = arith.constant 5 : i32
    %scan3A_49 = arith.addi %scan3A_47, %scan3A_48 : i32
    %scan3A_50 = arith.constant 1 : i32
    scf.for %scan3A_57 = %scan3A_47 to %scan3A_49 step %scan3A_50  : i32 {
      %mul3A_58 = arith.constant 2000 : i32
      %mul3A_59 = arith.muli %scan3A_57, %mul3A_58 : i32
      %add3A_60 = arith.addi %mul3A_2, %mul3A_59 : i32
      "tpu.region"() ({
        %run_scoped3A = tpu.sem_alloc : memref<!tpu.dma_semaphore, #tpu.memory_space<semaphore_mem>>
        %dma_start3A = tpu.memref_slice %arg2[%add3A_60] : memref<320000xi32, #tpu.memory_space<hbm>> -> memref<2000xi32, #tpu.memory_space<hbm>>
        %dma_start3A_79 = tpu.memref_slice %arg2[%add3A_60] : memref<320000xi32, #tpu.memory_space<hbm>> -> memref<2000xi32, #tpu.memory_space<hbm>>
        tpu.enqueue_dma source(%dma_start3A_79 : memref<2000xi32, #tpu.memory_space<hbm>>) target(%arg4 : memref<2000xi32, #tpu.memory_space<vmem>>) target_semaphore(%run_scoped3A : memref<!tpu.dma_semaphore, #tpu.memory_space<semaphore_mem>>)
        %dma_wait3A = tpu.memref_slice %arg2[%add3A_60] : memref<320000xi32, #tpu.memory_space<hbm>> -> memref<2000xi32, #tpu.memory_space<hbm>>
        %dma_wait3A_80 = tpu.memref_slice %arg2[%add3A_60] : memref<320000xi32, #tpu.memory_space<hbm>> -> memref<2000xi32, #tpu.memory_space<hbm>>
        tpu.wait_dma2 semaphore(%run_scoped3A : memref<!tpu.dma_semaphore, #tpu.memory_space<semaphore_mem>>) src(%dma_wait3A_80 : memref<2000xi32, #tpu.memory_space<hbm>>) dst(%arg4 : memref<2000xi32, #tpu.memory_space<vmem>>)
        tpu.yield
      }) : () -> ()
      %scan3A_61 = arith.constant 0 : i32
      %scan3A_62 = arith.constant 0 : i32
      %scan3A_63 = arith.constant 25 : i32
      %scan3A_64 = arith.addi %scan3A_62, %scan3A_63 : i32
      %scan3A_65 = arith.constant 1 : i32
      scf.for %scan3A_79 = %scan3A_62 to %scan3A_64 step %scan3A_65  : i32 {
        %mul3A_80 = arith.constant 80 : i32
        %mul3A_81 = arith.muli %scan3A_79, %mul3A_80 : i32
        %add3A_82 = arith.constant 0 : i32
        %add3A_83 = arith.addi %mul3A_81, %add3A_82 : i32
        %get3A = arith.index_cast %add3A_83 : i32 to index
        %get3A_84 = tpu.vector_load %arg4[%get3A] {strides = array<i32>} : memref<2000xi32, #tpu.memory_space<vmem>>, vector<16xi32>,
        %get3A_85 = vector.shape_cast %get3A_84 : vector<16xi32> to vector<16xi32>
        %swap3A = arith.index_cast %scan3A_79 : i32 to index
        %swap3A_86 = arith.constant 0 : index
        %swap3A_87 = tpu.vector_load %arg5[%swap3A, %swap3A_86] {strides = array<i32>} : memref<25x80xi32, #tpu.memory_space<vmem>>, vector<1x16xi32>,
        %swap3A_88 = vector.shape_cast %swap3A_87 : vector<1x16xi32> to vector<16xi32>
        %swap3A_89 = vector.shape_cast %get3A_85 : vector<16xi32> to vector<1x16xi32>
        tpu.vector_store %arg5[%swap3A, %swap3A_86], %swap3A_89 {strides = array<i32>} : memref<25x80xi32, #tpu.memory_space<vmem>>, vector<1x16xi32>,
        %mul3A_90 = arith.constant 80 : i32
        %mul3A_91 = arith.muli %scan3A_79, %mul3A_90 : i32
        %add3A_92 = arith.constant 16 : i32
        %add3A_93 = arith.addi %mul3A_91, %add3A_92 : i32
        %get3A_94 = arith.index_cast %add3A_93 : i32 to index
        %get3A_95 = tpu.vector_load %arg4[%get3A_94] {strides = array<i32>} : memref<2000xi32, #tpu.memory_space<vmem>>, vector<16xi32>,
        %get3A_96 = vector.shape_cast %get3A_95 : vector<16xi32> to vector<16xi32>
        %swap3A_97 = arith.index_cast %scan3A_79 : i32 to index
        %swap3A_98 = arith.constant 16 : index
        %swap3A_99 = tpu.vector_load %arg5[%swap3A_97, %swap3A_98] {strides = array<i32>} : memref<25x80xi32, #tpu.memory_space<vmem>>, vector<1x16xi32>,
        %swap3A_100 = vector.shape_cast %swap3A_99 : vector<1x16xi32> to vector<16xi32>
        %swap3A_101 = vector.shape_cast %get3A_96 : vector<16xi32> to vector<1x16xi32>
        tpu.vector_store %arg5[%swap3A_97, %swap3A_98], %swap3A_101 {strides = array<i32>} : memref<25x80xi32, #tpu.memory_space<vmem>>, vector<1x16xi32>,
        %mul3A_102 = arith.constant 80 : i32
        %mul3A_103 = arith.muli %scan3A_79, %mul3A_102 : i32
        %add3A_104 = arith.constant 32 : i32
        %add3A_105 = arith.addi %mul3A_103, %add3A_104 : i32
        %get3A_106 = arith.index_cast %add3A_105 : i32 to index
        %get3A_107 = tpu.vector_load %arg4[%get3A_106] {strides = array<i32>} : memref<2000xi32, #tpu.memory_space<vmem>>, vector<16xi32>,
        %get3A_108 = vector.shape_cast %get3A_107 : vector<16xi32> to vector<16xi32>
        %swap3A_109 = arith.index_cast %scan3A_79 : i32 to index
        %swap3A_110 = arith.constant 32 : index
        %swap3A_111 = tpu.vector_load %arg5[%swap3A_109, %swap3A_110] {strides = array<i32>} : memref<25x80xi32, #tpu.memory_space<vmem>>, vector<1x16xi32>,
        %swap3A_112 = vector.shape_cast %swap3A_111 : vector<1x16xi32> to vector<16xi32>
        %swap3A_113 = vector.shape_cast %get3A_108 : vector<16xi32> to vector<1x16xi32>
        tpu.vector_store %arg5[%swap3A_109, %swap3A_110], %swap3A_113 {strides = array<i32>} : memref<25x80xi32, #tpu.memory_space<vmem>>, vector<1x16xi32>,
        %mul3A_114 = arith.constant 80 : i32
        %mul3A_115 = arith.muli %scan3A_79, %mul3A_114 : i32
        %add3A_116 = arith.constant 48 : i32
        %add3A_117 = arith.addi %mul3A_115, %add3A_116 : i32
        %get3A_118 = arith.index_cast %add3A_117 : i32 to index
        %get3A_119 = tpu.vector_load %arg4[%get3A_118] {strides = array<i32>} : memref<2000xi32, #tpu.memory_space<vmem>>, vector<16xi32>,
        %get3A_120 = vector.shape_cast %get3A_119 : vector<16xi32> to vector<16xi32>
        %swap3A_121 = arith.index_cast %scan3A_79 : i32 to index
        %swap3A_122 = arith.constant 48 : index
        %swap3A_123 = tpu.vector_load %arg5[%swap3A_121, %swap3A_122] {strides = array<i32>} : memref<25x80xi32, #tpu.memory_space<vmem>>, vector<1x16xi32>,
        %swap3A_124 = vector.shape_cast %swap3A_123 : vector<1x16xi32> to vector<16xi32>
        %swap3A_125 = vector.shape_cast %get3A_120 : vector<16xi32> to vector<1x16xi32>
        tpu.vector_store %arg5[%swap3A_121, %swap3A_122], %swap3A_125 {strides = array<i32>} : memref<25x80xi32, #tpu.memory_space<vmem>>, vector<1x16xi32>,
        %mul3A_126 = arith.constant 80 : i32
        %mul3A_127 = arith.muli %scan3A_79, %mul3A_126 : i32
        %add3A_128 = arith.constant 64 : i32
        %add3A_129 = arith.addi %mul3A_127, %add3A_128 : i32
        %get3A_130 = arith.index_cast %add3A_129 : i32 to index
        %get3A_131 = tpu.vector_load %arg4[%get3A_130] {strides = array<i32>} : memref<2000xi32, #tpu.memory_space<vmem>>, vector<16xi32>,
        %get3A_132 = vector.shape_cast %get3A_131 : vector<16xi32> to vector<16xi32>
        %swap3A_133 = arith.index_cast %scan3A_79 : i32 to index
        %swap3A_134 = arith.constant 64 : index
        %swap3A_135 = tpu.vector_load %arg5[%swap3A_133, %swap3A_134] {strides = array<i32>} : memref<25x80xi32, #tpu.memory_space<vmem>>, vector<1x16xi32>,
        %swap3A_136 = vector.shape_cast %swap3A_135 : vector<1x16xi32> to vector<16xi32>
        %swap3A_137 = vector.shape_cast %get3A_132 : vector<16xi32> to vector<1x16xi32>
        tpu.vector_store %arg5[%swap3A_133, %swap3A_134], %swap3A_137 {strides = array<i32>} : memref<25x80xi32, #tpu.memory_space<vmem>>, vector<1x16xi32>,
      }
      %scan3A_66 = arith.constant 25 : i32
      %scan3A_67 = arith.constant 0 : i32
      %scan3A_68 = arith.constant 0 : i32
      %scan3A_69 = arith.constant 25 : i32
      %scan3A_70 = arith.addi %scan3A_68, %scan3A_69 : i32
      %scan3A_71 = arith.constant 1 : i32
      scf.for %scan3A_79 = %scan3A_68 to %scan3A_70 step %scan3A_71  : i32 {
        %dma_start3A = arith.constant 0 : i32
        %dma_start3A_80 = tpu.memref_slice %arg5[%scan3A_79, %dma_start3A] : memref<25x80xi32, #tpu.memory_space<vmem>> -> memref<1x80xi32, #tpu.memory_space<vmem>>
        %dma_start3A_81 = tpu.memref_squeeze %dma_start3A_80 : memref<1x80xi32, #tpu.memory_space<vmem>> -> memref<80xi32, #tpu.memory_space<vmem>>
        %dma_start3A_82 = arith.constant 0 : i32
        %dma_start3A_83 = arith.constant 0 : i32
        %dma_start3A_84 = tpu.memref_slice %arg7[%dma_start3A_82, %dma_start3A_83] : memref<10240x128xf32, #tpu.memory_space<vmem_shared>> -> memref<10240x128xf32, #tpu.memory_space<vmem_shared>>
        tpu.enqueue_indirect_dma source(%arg6 : memref<80x128xf32, #tpu.memory_space<vmem>>) target(%dma_start3A_84 : memref<10240x128xf32, #tpu.memory_space<vmem_shared>>) offsets(%dma_start3A_81 : memref<80xi32, #tpu.memory_space<vmem>>) semaphore(%arg8 : memref<!tpu.dma_semaphore, #tpu.memory_space<semaphore_mem>>) {add = true}
      }
      %scan3A_72 = arith.constant 25 : i32
      %scan3A_73 = arith.constant 0 : i32
      %scan3A_74 = arith.constant 0 : i32
      %scan3A_75 = arith.constant 25 : i32
      %scan3A_76 = arith.addi %scan3A_74, %scan3A_75 : i32
      %scan3A_77 = arith.constant 1 : i32
      scf.for %scan3A_79 = %scan3A_74 to %scan3A_76 step %scan3A_77  : i32 {
        %dma_wait3A = arith.constant 0 : i32
        %dma_wait3A_80 = tpu.memref_slice %arg5[%scan3A_79, %dma_wait3A] : memref<25x80xi32, #tpu.memory_space<vmem>> -> memref<1x80xi32, #tpu.memory_space<vmem>>
        %dma_wait3A_81 = tpu.memref_squeeze %dma_wait3A_80 : memref<1x80xi32, #tpu.memory_space<vmem>> -> memref<80xi32, #tpu.memory_space<vmem>>
        %dma_wait3A_82 = arith.constant 0 : i32
        %dma_wait3A_83 = arith.constant 0 : i32
        %dma_wait3A_84 = tpu.memref_slice %arg7[%dma_wait3A_82, %dma_wait3A_83] : memref<10240x128xf32, #tpu.memory_space<vmem_shared>> -> memref<10240x128xf32, #tpu.memory_space<vmem_shared>>
        tpu.wait_indirect_dma semaphore(%arg8 : memref<!tpu.dma_semaphore, #tpu.memory_space<semaphore_mem>>) src(%arg6 : memref<80x128xf32, #tpu.memory_space<vmem>>) dst(%dma_wait3A_84 : memref<10240x128xf32, #tpu.memory_space<vmem_shared>>)
      }
      %scan3A_78 = arith.constant 25 : i32
    }
    %scan3A_51 = arith.constant 5 : i32
    %barrier3A_52 = arith.constant 0 : index
    tpu.barrier barrier_id(%barrier3A_52)
    %mul3A_53 = arith.constant 640 : i32
    %mul3A_54 = arith.muli %arg1, %mul3A_53 : i32
    %mul3A_55 = arith.constant 640 : i32
    %mul3A_56 = arith.muli %arg1, %mul3A_55 : i32
    "tpu.region"() ({
      %run_scoped3A = tpu.sem_alloc : memref<!tpu.dma_semaphore, #tpu.memory_space<semaphore_mem>>
      %dma_start3A = arith.constant 0 : i32
      %dma_start3A_57 = tpu.memref_slice %arg3[%arg0, %mul3A_56, %dma_start3A] : memref<2x10240x128xf32, #tpu.memory_space<hbm>> -> memref<1x640x128xf32, #tpu.memory_space<hbm>>
      %dma_start3A_58 = tpu.memref_squeeze %dma_start3A_57 : memref<1x640x128xf32, #tpu.memory_space<hbm>> -> memref<640x128xf32, #tpu.memory_space<hbm>>
      %dma_start3A_59 = arith.constant 0 : i32
      %dma_start3A_60 = tpu.memref_slice %arg7[%mul3A_54, %dma_start3A_59] : memref<10240x128xf32, #tpu.memory_space<vmem_shared>> -> memref<640x128xf32, #tpu.memory_space<vmem_shared>>
      tpu.enqueue_dma source(%dma_start3A_60 : memref<640x128xf32, #tpu.memory_space<vmem_shared>>) target(%dma_start3A_58 : memref<640x128xf32, #tpu.memory_space<hbm>>) target_semaphore(%run_scoped3A : memref<!tpu.dma_semaphore, #tpu.memory_space<semaphore_mem>>)
      %dma_wait3A = arith.constant 0 : i32
      %dma_wait3A_61 = tpu.memref_slice %arg3[%arg0, %mul3A_56, %dma_wait3A] : memref<2x10240x128xf32, #tpu.memory_space<hbm>> -> memref<1x640x128xf32, #tpu.memory_space<hbm>>
      %dma_wait3A_62 = tpu.memref_squeeze %dma_wait3A_61 : memref<1x640x128xf32, #tpu.memory_space<hbm>> -> memref<640x128xf32, #tpu.memory_space<hbm>>
      %dma_wait3A_63 = arith.constant 0 : i32
      %dma_wait3A_64 = tpu.memref_slice %arg7[%mul3A_54, %dma_wait3A_63] : memref<10240x128xf32, #tpu.memory_space<vmem_shared>> -> memref<640x128xf32, #tpu.memory_space<vmem_shared>>
      tpu.wait_dma2 semaphore(%run_scoped3A : memref<!tpu.dma_semaphore, #tpu.memory_space<semaphore_mem>>) src(%dma_wait3A_64 : memref<640x128xf32, #tpu.memory_space<vmem_shared>>) dst(%dma_wait3A_62 : memref<640x128xf32, #tpu.memory_space<hbm>>)
      tpu.yield
    }) : () -> ()
    return
  }
}

module attributes {stable_mosaic.version = 14 : i64} {
  func.func @_tc_in_body(%arg0: i32, %arg1: memref<2000x128xf32, #tpu.memory_space<vmem>>, %arg2: memref<2x2000x128xf32, #tpu.memory_space<vmem>>, %arg3: memref<2000x128xf32, #tpu.memory_space<vmem>>) attributes {dimension_semantics = [#tpu.dimension_semantics<arbitrary>], iteration_bounds = array<i64: 5>, scalar_prefetch = 0 : i64, scratch_operands = 0 : i64, tpu.core_type = #tpu.core_type<tc>, window_params = [{transform_indices = @transform_0, window_bounds = array<i64: 2000, 128>}, {transform_indices = @transform_1, window_bounds = array<i64: 2, 2000, 128>}, {transform_indices = @transform_2, window_bounds = array<i64: 2000, 128>}]} {
    %get3A = arith.constant 0 : index
    %get3A_0 = arith.constant 0 : index
    %get3A_1 = vector.load %arg1[%get3A, %get3A_0] : memref<2000x128xf32, #tpu.memory_space<vmem>>, vector<2000x128xf32>
    %get3A_2 = arith.constant 0 : index
    %get3A_3 = arith.constant 0 : index
    %get3A_4 = arith.constant 0 : index
    %get3A_5 = vector.load %arg2[%get3A_2, %get3A_3, %get3A_4] : memref<2x2000x128xf32, #tpu.memory_space<vmem>>, vector<2x2000x128xf32>
    %slice3A = vector.extract_strided_slice %get3A_5 {offsets = [0, 0, 0], sizes = [1, 2000, 1], strides = [1, 1, 1]} : vector<2x2000x128xf32> to vector<1x2000x1xf32>
    %squeeze3A = vector.shape_cast %slice3A : vector<1x2000x1xf32> to vector<2000x1xf32>
    %slice3A_6 = vector.extract_strided_slice %get3A_5 {offsets = [1, 0, 0], sizes = [1, 2000, 1], strides = [1, 1, 1]} : vector<2x2000x128xf32> to vector<1x2000x1xf32>
    %squeeze3A_7 = vector.shape_cast %slice3A_6 : vector<1x2000x1xf32> to vector<2000x1xf32>
    %add3A = arith.addf %squeeze3A, %squeeze3A_7 : vector<2000x1xf32>
    %max3A = arith.constant 1.000000e+00 : f32
    %max3A_8 = vector.broadcast %max3A : f32 to vector<2000x1xf32>
    %max3A_9 = arith.maximumf %add3A, %max3A_8 : vector<2000x1xf32>
    %rsqrt3A = math.rsqrt %max3A_9 : vector<2000x1xf32>
    %mul3A = vector.broadcast %rsqrt3A : vector<2000x1xf32> to vector<2000x128xf32>
    %mul3A_10 = arith.mulf %get3A_1, %mul3A : vector<2000x128xf32>
    %swap3A = arith.constant 0 : index
    %swap3A_11 = arith.constant 0 : index
    %swap3A_12 = vector.load %arg3[%swap3A, %swap3A_11] : memref<2000x128xf32, #tpu.memory_space<vmem>>, vector<2000x128xf32>
    tpu.vector_store %arg3[%swap3A, %swap3A_11], %mul3A_10 {strides = array<i32>} : memref<2000x128xf32, #tpu.memory_space<vmem>>, vector<2000x128xf32>,
    return
  }
  func.func @transform_0(%arg0: i32) -> (i32, i32) {
    %c0_i32 = arith.constant 0 : i32
    %c0_i32_0 = arith.constant 0 : i32
    return %arg0, %c0_i32 : i32, i32
  }
  func.func @transform_1(%arg0: i32) -> (i32, i32, i32) {
    %c0_i32 = arith.constant 0 : i32
    %c0_i32_0 = arith.constant 0 : i32
    %c0_i32_1 = arith.constant 0 : i32
    return %c0_i32, %arg0, %c0_i32_0 : i32, i32, i32
  }
  func.func @transform_2(%arg0: i32) -> (i32, i32) {
    %c0_i32 = arith.constant 0 : i32
    %c0_i32_0 = arith.constant 0 : i32
    return %arg0, %c0_i32 : i32, i32
  }
}

module attributes {stable_mosaic.version = 14 : i64} {
  func.func @_tc_mid_body(%arg0: i32, %arg1: memref<2x2000x128xf32, #tpu.memory_space<vmem>>, %arg2: memref<2x2000x128xf32, #tpu.memory_space<vmem>>, %arg3: memref<2000x128xf32, #tpu.memory_space<vmem>>) attributes {dimension_semantics = [#tpu.dimension_semantics<arbitrary>], iteration_bounds = array<i64: 5>, scalar_prefetch = 0 : i64, scratch_operands = 0 : i64, tpu.core_type = #tpu.core_type<tc>, window_params = [{transform_indices = @transform_0, window_bounds = array<i64: 2, 2000, 128>}, {transform_indices = @transform_1, window_bounds = array<i64: 2, 2000, 128>}, {transform_indices = @transform_2, window_bounds = array<i64: 2000, 128>}]} {
    %get3A = arith.constant 0 : index
    %get3A_0 = arith.constant 0 : index
    %get3A_1 = arith.constant 0 : index
    %get3A_2 = vector.load %arg1[%get3A, %get3A_0, %get3A_1] : memref<2x2000x128xf32, #tpu.memory_space<vmem>>, vector<1x2000x128xf32>
    %get3A_3 = vector.shape_cast %get3A_2 : vector<1x2000x128xf32> to vector<2000x128xf32>
    %get3A_4 = arith.constant 1 : index
    %get3A_5 = arith.constant 0 : index
    %get3A_6 = arith.constant 0 : index
    %get3A_7 = vector.load %arg1[%get3A_4, %get3A_5, %get3A_6] : memref<2x2000x128xf32, #tpu.memory_space<vmem>>, vector<1x2000x128xf32>
    %get3A_8 = vector.shape_cast %get3A_7 : vector<1x2000x128xf32> to vector<2000x128xf32>
    %add3A = arith.addf %get3A_3, %get3A_8 : vector<2000x128xf32>
    %get3A_9 = arith.constant 0 : index
    %get3A_10 = arith.constant 0 : index
    %get3A_11 = arith.constant 0 : index
    %get3A_12 = vector.load %arg2[%get3A_9, %get3A_10, %get3A_11] : memref<2x2000x128xf32, #tpu.memory_space<vmem>>, vector<2x2000x128xf32>
    %slice3A = vector.extract_strided_slice %get3A_12 {offsets = [0, 0, 0], sizes = [1, 2000, 1], strides = [1, 1, 1]} : vector<2x2000x128xf32> to vector<1x2000x1xf32>
    %squeeze3A = vector.shape_cast %slice3A : vector<1x2000x1xf32> to vector<2000x1xf32>
    %slice3A_13 = vector.extract_strided_slice %get3A_12 {offsets = [1, 0, 0], sizes = [1, 2000, 1], strides = [1, 1, 1]} : vector<2x2000x128xf32> to vector<1x2000x1xf32>
    %squeeze3A_14 = vector.shape_cast %slice3A_13 : vector<1x2000x1xf32> to vector<2000x1xf32>
    %add3A_15 = arith.addf %squeeze3A, %squeeze3A_14 : vector<2000x1xf32>
    %max3A = arith.constant 1.000000e+00 : f32
    %max3A_16 = vector.broadcast %max3A : f32 to vector<2000x1xf32>
    %max3A_17 = arith.maximumf %add3A_15, %max3A_16 : vector<2000x1xf32>
    %div3A = vector.broadcast %max3A_17 : vector<2000x1xf32> to vector<2000x128xf32>
    %div3A_18 = arith.divf %add3A, %div3A : vector<2000x128xf32>
    %swap3A = arith.constant 0 : index
    %swap3A_19 = arith.constant 0 : index
    %swap3A_20 = vector.load %arg3[%swap3A, %swap3A_19] : memref<2000x128xf32, #tpu.memory_space<vmem>>, vector<2000x128xf32>
    tpu.vector_store %arg3[%swap3A, %swap3A_19], %div3A_18 {strides = array<i32>} : memref<2000x128xf32, #tpu.memory_space<vmem>>, vector<2000x128xf32>,
    return
  }
  func.func @transform_0(%arg0: i32) -> (i32, i32, i32) {
    %c0_i32 = arith.constant 0 : i32
    %c0_i32_0 = arith.constant 0 : i32
    %c0_i32_1 = arith.constant 0 : i32
    return %c0_i32, %arg0, %c0_i32_0 : i32, i32, i32
  }
  func.func @transform_1(%arg0: i32) -> (i32, i32, i32) {
    %c0_i32 = arith.constant 0 : i32
    %c0_i32_0 = arith.constant 0 : i32
    %c0_i32_1 = arith.constant 0 : i32
    return %c0_i32, %arg0, %c0_i32_0 : i32, i32, i32
  }
  func.func @transform_2(%arg0: i32) -> (i32, i32) {
    %c0_i32 = arith.constant 0 : i32
    %c0_i32_0 = arith.constant 0 : i32
    return %arg0, %c0_i32 : i32, i32
  }
}

module attributes {stable_mosaic.version = 14 : i64} {
  func.func @_tc_mm_body(%arg0: i32, %arg1: memref<2000x128xf32, #tpu.memory_space<vmem>>, %arg2: memref<128x128xf32, #tpu.memory_space<vmem>>, %arg3: memref<2000x128xf32, #tpu.memory_space<vmem>>) attributes {dimension_semantics = [#tpu.dimension_semantics<arbitrary>], iteration_bounds = array<i64: 5>, scalar_prefetch = 0 : i64, scratch_operands = 0 : i64, tpu.core_type = #tpu.core_type<tc>, window_params = [{transform_indices = @transform_0, window_bounds = array<i64: 2000, 128>}, {pipeline_mode = #tpu.pipeline_mode<synchronous>, transform_indices = @transform_1, window_bounds = array<i64: 128, 128>}, {transform_indices = @transform_2, window_bounds = array<i64: 2000, 128>}]} {
    %get3A = arith.constant 0 : index
    %get3A_0 = arith.constant 0 : index
    %get3A_1 = vector.load %arg1[%get3A, %get3A_0] : memref<2000x128xf32, #tpu.memory_space<vmem>>, vector<2000x128xf32>
    %get3A_2 = arith.constant 0 : index
    %get3A_3 = arith.constant 0 : index
    %get3A_4 = vector.load %arg2[%get3A_2, %get3A_3] : memref<128x128xf32, #tpu.memory_space<vmem>>, vector<128x128xf32>
    %dot_general3A = arith.constant dense<0.000000e+00> : vector<2000x128xf32>
    %dot_general3A_5 = tpu.matmul %get3A_1, %get3A_4, %dot_general3A {dimension_numbers = #tpu.dot_dimension_numbers<[1], [1], [0], [0], [0, 0, 1, 0], [], []>, transpose_lhs_hint = false} : vector<2000x128xf32>, vector<128x128xf32>, vector<2000x128xf32> -> vector<2000x128xf32>
    %swap3A = arith.constant 0 : index
    %swap3A_6 = arith.constant 0 : index
    %swap3A_7 = vector.load %arg3[%swap3A, %swap3A_6] : memref<2000x128xf32, #tpu.memory_space<vmem>>, vector<2000x128xf32>
    tpu.vector_store %arg3[%swap3A, %swap3A_6], %dot_general3A_5 {strides = array<i32>} : memref<2000x128xf32, #tpu.memory_space<vmem>>, vector<2000x128xf32>,
    return
  }
  func.func @transform_0(%arg0: i32) -> (i32, i32) {
    %c0_i32 = arith.constant 0 : i32
    %c0_i32_0 = arith.constant 0 : i32
    return %arg0, %c0_i32 : i32, i32
  }
  func.func @transform_1(%arg0: i32) -> (i32, i32) {
    %c0_i32 = arith.constant 0 : i32
    %c0_i32_0 = arith.constant 0 : i32
    %c0_i32_1 = arith.constant 0 : i32
    return %c0_i32, %c0_i32_0 : i32, i32
  }
  func.func @transform_2(%arg0: i32) -> (i32, i32) {
    %c0_i32 = arith.constant 0 : i32
    %c0_i32_0 = arith.constant 0 : i32
    return %arg0, %c0_i32 : i32, i32
  }
}

module attributes {stable_mosaic.version = 14 : i64} {
  func.func @_tc_fin_body(%arg0: i32, %arg1: memref<2x2000x128xf32, #tpu.memory_space<vmem>>, %arg2: memref<2x2000x128xf32, #tpu.memory_space<vmem>>, %arg3: memref<2000x128xf32, #tpu.memory_space<vmem>>) attributes {dimension_semantics = [#tpu.dimension_semantics<arbitrary>], iteration_bounds = array<i64: 5>, scalar_prefetch = 0 : i64, scratch_operands = 0 : i64, tpu.core_type = #tpu.core_type<tc>, window_params = [{transform_indices = @transform_0, window_bounds = array<i64: 2, 2000, 128>}, {transform_indices = @transform_1, window_bounds = array<i64: 2, 2000, 128>}, {transform_indices = @transform_2, window_bounds = array<i64: 2000, 128>}]} {
    %get3A = arith.constant 0 : index
    %get3A_0 = arith.constant 0 : index
    %get3A_1 = arith.constant 0 : index
    %get3A_2 = vector.load %arg1[%get3A, %get3A_0, %get3A_1] : memref<2x2000x128xf32, #tpu.memory_space<vmem>>, vector<1x2000x128xf32>
    %get3A_3 = vector.shape_cast %get3A_2 : vector<1x2000x128xf32> to vector<2000x128xf32>
    %get3A_4 = arith.constant 1 : index
    %get3A_5 = arith.constant 0 : index
    %get3A_6 = arith.constant 0 : index
    %get3A_7 = vector.load %arg1[%get3A_4, %get3A_5, %get3A_6] : memref<2x2000x128xf32, #tpu.memory_space<vmem>>, vector<1x2000x128xf32>
    %get3A_8 = vector.shape_cast %get3A_7 : vector<1x2000x128xf32> to vector<2000x128xf32>
    %add3A = arith.addf %get3A_3, %get3A_8 : vector<2000x128xf32>
    %get3A_9 = arith.constant 0 : index
    %get3A_10 = arith.constant 0 : index
    %get3A_11 = arith.constant 0 : index
    %get3A_12 = vector.load %arg2[%get3A_9, %get3A_10, %get3A_11] : memref<2x2000x128xf32, #tpu.memory_space<vmem>>, vector<2x2000x128xf32>
    %slice3A = vector.extract_strided_slice %get3A_12 {offsets = [0, 0, 0], sizes = [1, 2000, 1], strides = [1, 1, 1]} : vector<2x2000x128xf32> to vector<1x2000x1xf32>
    %squeeze3A = vector.shape_cast %slice3A : vector<1x2000x1xf32> to vector<2000x1xf32>
    %slice3A_13 = vector.extract_strided_slice %get3A_12 {offsets = [1, 0, 0], sizes = [1, 2000, 1], strides = [1, 1, 1]} : vector<2x2000x128xf32> to vector<1x2000x1xf32>
    %squeeze3A_14 = vector.shape_cast %slice3A_13 : vector<1x2000x1xf32> to vector<2000x1xf32>
    %add3A_15 = arith.addf %squeeze3A, %squeeze3A_14 : vector<2000x1xf32>
    %max3A = arith.constant 1.000000e+00 : f32
    %max3A_16 = vector.broadcast %max3A : f32 to vector<2000x1xf32>
    %max3A_17 = arith.maximumf %add3A_15, %max3A_16 : vector<2000x1xf32>
    %rsqrt3A = math.rsqrt %max3A_17 : vector<2000x1xf32>
    %mul3A = vector.broadcast %rsqrt3A : vector<2000x1xf32> to vector<2000x128xf32>
    %mul3A_18 = arith.mulf %add3A, %mul3A : vector<2000x128xf32>
    %swap3A = arith.constant 0 : index
    %swap3A_19 = arith.constant 0 : index
    %swap3A_20 = vector.load %arg3[%swap3A, %swap3A_19] : memref<2000x128xf32, #tpu.memory_space<vmem>>, vector<2000x128xf32>
    tpu.vector_store %arg3[%swap3A, %swap3A_19], %mul3A_18 {strides = array<i32>} : memref<2000x128xf32, #tpu.memory_space<vmem>>, vector<2000x128xf32>,
    return
  }
  func.func @transform_0(%arg0: i32) -> (i32, i32, i32) {
    %c0_i32 = arith.constant 0 : i32
    %c0_i32_0 = arith.constant 0 : i32
    %c0_i32_1 = arith.constant 0 : i32
    return %c0_i32, %arg0, %c0_i32_0 : i32, i32, i32
  }
  func.func @transform_1(%arg0: i32) -> (i32, i32, i32) {
    %c0_i32 = arith.constant 0 : i32
    %c0_i32_0 = arith.constant 0 : i32
    %c0_i32_1 = arith.constant 0 : i32
    return %c0_i32, %arg0, %c0_i32_0 : i32, i32, i32
  }
  func.func @transform_2(%arg0: i32) -> (i32, i32) {
    %c0_i32 = arith.constant 0 : i32
    %c0_i32_0 = arith.constant 0 : i32
    return %arg0, %c0_i32 : i32, i32
  }
}

</mosaic_0001>

<sc_bundles>
// kernel: kernel.12.cloned.1.call-start
scs
__scs_entry_jumppad:
0x0: {  	(pc) =	sbr.rel $0x88, $3  }
0x1: {  	(tag) =	ssettag $0x0;
	lr =	simm.s32 $0x1  }
0x2: {  	[smem:$0x3F9E] =	sst lr;
	_ =	strace $0xD0000000  }
0x3: {  	_ = 	snop  }
0x4: {  	_ = 	snop  }
0x5: {  	_ = 	snop  }
0x6: {  	_ = 	snop  }
0x7: {  	_ = 	snop  }
__scs_overlays_trampoline_lowered:
0x8: {  	[smem:$0x3FAD] =	sst s0  }
0x9: {  	[smem:$0x3FAE] =	sst s1  }
0xa: {  	[smem:$0x3FAF] =	sst s2  }
0xb: {  	[smem:$0x3FB0] =	sst s3  }
0xc: {  	[smem:$0x3FB1] =	sst s4  }
0xd: {  	[smem:$0x3FB2] =	sst s5  }
0xe: {  	[smem:$0x3FB3] =	sst s6  }
0xf: {  	[smem:$0x3FB4] =	sst s7  }
0x10: {  	[smem:$0x3FB5] =	sst s8  }
0x11: {  	[smem:$0x3FB6] =	sst s9;
	s0 =	simm.s32 @!p0 $0x0  }
0x12: {  	s1 =	sld [smem:$0x3F9C];
	s0 =	simm.s32 @p0 $0x1  }
0x13: {  	[smem:$0x3FB7] =	sst s0;
	s0 =	simm.s32 @!p1 $0x0  }
0x14: {  	s2 =	sld [smem:$0x3F9B];
	s0 =	simm.s32 @p1 $0x1  }
0x15: {  	[smem:$0x3FB8] =	sst s0;
	s0 =	simm.s32 @!p2 $0x0  }
0x16: {  	s3 =	sld [smem:$0x3FDB];
	s0 =	simm.s32 @p2 $0x1  }
0x17: {  	s4 =	simm.s32 $0x1BF5;
	[smem:$0x3FBA] =	sst s0  }
0x18: {  	s0 =	sld [smem:$0x3F9D];
	_ =	swait.ge [sflag:s4], $0x0  }
0x19: {  	s7 =	sld [smem:$0x3F9E]  }
0x1a: {  	s8 =	sadd.s32 $0xFFFFE003, lr  }
0x1b: {  	s9 =	sadd.s32 $0xFFFFFEF7, lr;
	s5 =	simm.s32 $0xFFFFFFFF;
	p2 =	slt.u32 s8, $0xFFFFF086  }
0x1c: {  	p1 =	slt.u32 s9, $0xF7A;
	s5 =	simm.s32 @!p2 $0x0  }
0x1d: {  	s5 =	simm.s32 @p1 $0x1;
	p0 =	seq.s32 s7, s2  }
0x1e: {  	s7 =	smul.u32 @!p0 $0xF7A, s2;
	p2 =	seq.s32 @!p0 s5, $0x0  }
0x1f: {  	s9 =	smul.u32 $0xF7A, s1;
	s8 =	simm.s32 @!p0 $0x1BF5;
	p2 =	por !p2, p0  }
0x20: {  	[sflag:s8] =	ssyncset.s32 @!p0 $0xFFFFF086;
	s6 =	sadd.s32 @!p0 s3, s7;
	s7 =	simm.s32 @!p0 $0x108  }
0x21: {  	s3 =	sadd.s32 s3, s9;
	s6 =	sadd.s32 @!p0 $0x88, s6;
	s7 =	simm.s32 @p2 $0x1082  }
0x22: {  	[simem:s7], [sflag:s8] =	dma.local @!p0 [hbm:s6], $0xF7A  }
0x23: {  	s9 =	sor.u32 $0xD0000000, s2;
	s6 =	simm.s32 $0x108;
	_ =	swait.ge @!p0 [sflag:s8], $0x0  }
0x24: {  	s3 =	sadd.s32 $0x88, s3;
	s6 =	simm.s32 @!p1 $0x1082;
	[sflag:s4] =	ssyncset.s32 $0xFFFFF086  }
0x25: {  	[simem:s6], [sflag:s4] =	dma.local [hbm:s3], $0xF7A  }
0x26: {  	[smem:$0x3F9E] =	sst s1;
	(tag) =	ssettag s2;
	_ =	strace s9  }
0x27: {  	s1 =	sld [smem:$0x3FAE]  }
0x28: {  	s2 =	sld [smem:$0x3FAF]  }
0x29: {  	s4 =	sld [smem:$0x3FB1]  }
0x2a: {  	p0 =	seq.s32 s5, $0x0;
	s5 =	sld [smem:$0x3FB2]  }
0x2b: {  	s6 =	sld [smem:$0x3FB3]  }
0x2c: {  	s7 =	sld [smem:$0x3FB4]  }
0x2d: {  	s3 =	simm.s32 $0x108;
	s8 =	sld [smem:$0x3FB5]  }
0x2e: {  	s3 =	simm.s32 @!p0 $0x1082;
	s9 =	sld [smem:$0x3FB6]  }
0x2f: {  	lr =	sadd.s32 s0, s3;
	s0 =	sld [smem:$0x3FAD]  }
0x30: {  	s3 =	sld [smem:$0x3FB0]  }
0x31: {  	[smem:$0x3FB9] =	sst s10  }
0x32: {  	s10 =	sld [smem:$0x3FB7];
	_ =	sdelay $0x3  }
0x33: {  	p0 =	seq.s32 s10, $0x1;
	s10 =	sld [smem:$0x3FB9];
	_ =	sdelay $0x3  }
0x34: {  	[smem:$0x3FB9] =	sst s10  }
0x35: {  	s10 =	sld [smem:$0x3FB8];
	_ =	sdelay $0x3  }
0x36: {  	p1 =	seq.s32 s10, $0x1;
	s10 =	sld [smem:$0x3FB9];
	_ =	sdelay $0x3  }
0x37: {  	[smem:$0x3FB9] =	sst s10  }
0x38: {  	s10 =	sld [smem:$0x3FBA]  }
0x39: {  	_ = 	snop;
	(pc) =	sbr.ind lr, $3  }
0x3a: {  	_ = 	snop  }
0x3b: {  	_ = 	snop  }
0x3c: {  	p2 =	seq.s32 s10, $0x1;
	s10 =	sld [smem:$0x3FB9]  }
0x3d: {  	_ =	shalt  }
0x3e: {  	_ =	shalt  }
0x3f: {  	_ =	shalt  }
0x40: {  	_ =	shalt  }
0x41: {  	_ =	shalt  }
0x42: {  	_ =	shalt  }
0x43: {  	_ =	shalt  }
0x44: {  	_ =	shalt  }
0x45: {  	_ =	shalt  }
0x46: {  	_ =	shalt  }
0x47: {  	_ =	shalt  }
0x48: {  	_ =	shalt  }
0x49: {  	_ =	shalt  }
0x4a: {  	_ =	shalt  }
0x4b: {  	_ =	shalt  }
0x4c: {  	_ =	shalt  }
0x4d: {  	_ =	shalt  }
0x4e: {  	_ =	shalt  }
0x4f: {  	_ =	shalt  }
0x50: {  	_ =	shalt  }
0x51: {  	_ =	shalt  }
0x52: {  	_ =	shalt  }
0x53: {  	_ =	shalt  }
0x54: {  	_ =	shalt  }
0x55: {  	_ =	shalt  }
0x56: {  	_ =	shalt  }
0x57: {  	_ =	shalt  }
0x58: {  	_ =	shalt  }
0x59: {  	_ =	shalt  }
0x5a: {  	_ =	shalt  }
0x5b: {  	_ =	shalt  }
0x5c: {  	_ =	shalt  }
0x5d: {  	_ =	shalt  }
0x5e: {  	_ =	shalt  }
0x5f: {  	_ =	shalt  }
0x60: {  	_ =	shalt  }
0x61: {  	_ =	shalt  }
0x62: {  	_ =	shalt  }
0x63: {  	_ =	shalt  }
0x64: {  	_ =	shalt  }
0x65: {  	_ =	shalt  }
0x66: {  	_ =	shalt  }
0x67: {  	_ =	shalt  }
0x68: {  	_ =	shalt  }
0x69: {  	_ =	shalt  }
0x6a: {  	_ =	shalt  }
0x6b: {  	_ =	shalt  }
0x6c: {  	_ =	shalt  }
0x6d: {  	_ =	shalt  }
0x6e: {  	_ =	shalt  }
0x6f: {  	_ =	shalt  }
0x70: {  	_ =	shalt  }
0x71: {  	_ =	shalt  }
0x72: {  	_ =	shalt  }
0x73: {  	_ =	shalt  }
0x74: {  	_ =	shalt  }
0x75: {  	_ =	shalt  }
0x76: {  	_ =	shalt  }
0x77: {  	_ =	shalt  }
0x78: {  	_ =	shalt  }
0x79: {  	_ =	shalt  }
0x7a: {  	_ =	shalt  }
0x7b: {  	_ =	shalt  }
0x7c: {  	_ =	shalt  }
0x7d: {  	_ =	shalt  }
0x7e: {  	_ =	shalt  }
0x7f: {  	_ =	shalt  }
0x80: {  	_ =	shalt  }
0x81: {  	_ =	shalt  }
0x82: {  	_ =	shalt  }
0x83: {  	_ =	shalt  }
0x84: {  	_ =	shalt  }
0x85: {  	_ =	shalt  }
0x86: {  	_ =	shalt  }
0x87: {  	_ =	shalt  }
.Lfunc_end0:
.L_simem_size_0:
called_computation.1_lowered:
.L_overlay_start_0:
0x88: {  	s2 =	sld [smem:$0x3FD9]  }
0x89: {  	s3 =	sld [smem:$0x3FFE];
	_ =	sdelay $0x1  }
0x8a: {  	s1 =	srdreg.scid  }
0x8b: {  	s0 =	sand.u32 $0x1, s1  }
0x8c: {  	s17 =	sshll.u32 s0, $0xA;
	s2 =	sadd.s32 s3, s2  }
0x8d: {  	s2 =	sadd.s32 s2, s17  }
0x8e: {  	[smem:$0x3FC5] =	sst s2  }
0x8f: {  	_ = 	snop  }
0x90: {  	s2 =	sld [smem:$0x3FD0];
	(tm) =	ssettm $0x1  }
0x91: {  	s18 =	sld [smem:$0x3FFB];
	_ =	sdelay $0x3  }
0x92: {  	_ =	strace s18  }
0x93: {  	s3 =	sld [smem:$0x3FFC];
	_ =	sdelay $0x3  }
0x94: {  	_ =	strace s3  }
0x95: {  	s3 =	sld [smem:$0x3FFD];
	_ =	sdelay $0x3  }
0x96: {  	_ =	strace s3  }
0x97: {  	_ =	strace $0x8FFFFFFF  }
0x98: {  	s19 =	sld [smem:$0x3FDB];
	_ =	sdelay $0x1  }
0x99: {  	s4 =	simm.s32 $_scs_section_size  }
0x9a: {  	s5 =	simm.s32 $_size__tile_overlayer_lowered;
	s6 =	simm.s32 $_tile_overlayer_lowered  }
0x9b: {  	s22 =	simm.s32 $0x1BFF;
	s21 =	sshll.u32 s6, $0x1;
	s3 =	sadd.s32 s4, s19  }
0x9c: {  	s7 =	simm.s32 $0x0;
	s20 =	sshll.u32 s5, $0x1;
	s5 =	sadd.s32 s21, s3  }
0x9d: {  	[timem:s7], [sflag:s22] =	dma.local [hbm:s5], s20  }
0x9e: {  	_ =	swait.ge [sflag:s22], s20  }
0x9f: {  	s4 =	ssub.s32 $0x0, s20;
	[sflag:s22] =	ssyncset.done $0x0  }
0xa0: {  	[sflag:s22] =	ssyncadd.s32 s4;
	_ =	sdelay $0x1  }
0xa1: {  	s23 =	simm.s32 $0x1B8B  }
0xa2: {  	_ =	swait.ge [sflag:s23], $0x1  }
0xa3: {  	[sflag:s23] =	ssyncset.done $0x0  }
0xa4: {  	s25 =	simm.s32 $0x1B8E;
	s24 =	sld [smem:$0x3FFE];
	[sflag:s23] =	ssyncadd.s32 $0xFFFFFFFF  }
0xa5: {  	s26 =	simm.s32 $execute0_lowered;
	[smem:$0x3FD2] =	sst s25  }
0xa6: {  	s5 =	sshll.u32 s26, $0x1;
	_ =	strace $0x80000049;
	[dreg:$0x1] =	wrdreg $0xFFFFFFFF  }
0xa7: {  	s28 =	simm.s32 $_size_execute0_lowered;
	s3 =	sadd.s32 s3, s5;
	[dreg:$0x0] =	wrdreg $0x0  }
0xa8: {  	s5 =	sshll.u32 s28, $0x1;
	[dreg:$0x2] =	wrdreg s3  }
0xa9: {  	[dreg:$0x3] =	wrdreg s5  }
0xaa: {  	[dreg:$0x4] =	wrdreg $0xC0  }
0xab: {  	_ =	task [dreg:s7], $0x5FFFF  }
0xac: {  	[dreg:$0x1] =	wrdreg $0xFFFFFFFF  }
0xad: {  	[dreg:$0x0] =	wrdreg $0x60  }
0xae: {  	[dreg:$0x2] =	wrdreg s2  }
0xaf: {  	[dreg:$0x3] =	wrdreg s24  }
0xb0: {  	[dreg:$0x4] =	wrdreg $0xC0000  }
0xb1: {  	[dreg:$0x5] =	wrdreg $0x9  }
0xb2: {  	_ =	task.clear_ibuf [dreg:s7], $0x6FFFF;
	_ =	strace $0x90000049  }
0xb3: {  	s29 =	simm.s32 $0x9;
	_ =	strace $0x8000004B  }
0xb4: {  	_ =	swait.ge [sflag:s29], $0x1  }
0xb5: {  	[sflag:s29] =	ssyncadd.s32 $0xFFFFFFFF  }
0xb6: {  	_ =	strace $0x9000004B  }
0xb7: {  	_ =	sfence  }
0xb8: {  	s30 =	sld [smem:$0x0];
	_ =	sdelay $0x2  }
0xb9: {  	s31 =	sshll.u32 s1, $0xD;
	s1 =	sshrl.u32 s1, $0x2  }
0xba: {  	s3 =	sand.u32 $0x4000, s31;
	s1 =	sadd.s32 s1, s30  }
0xbb: {  	s0 =	sor.u32 s3, s0;
	s1 =	sshll.u32 s1, $0x11  }
0xbc: {  	s0 =	sor.u32 s1, s0  }
0xbd: {  	s0 =	sadd.s32 $0x8F2B, s0  }
0xbe: {  	[sflag:s0] =	ssyncadd.remote.s32 $0x1  }
0xbf: {  	_ =	sfence.sel $0xFFFF  }
0xc0: {  	[dreg:$0x0] =	wrdreg $0xFFFFFFFF;
	(pc) =	sbr.abs _section_cstart, $3  }
0xc1: {  	[dreg:$0x1] =	wrdreg $0xFFFFFFFF  }
0xc2: {  	_ =	task.clear_ibuf [dreg:s7], $0x2FFFF;
	_ =	strace $0x9FFFFFFF  }
0xc3: {  	(tm) =	ssettm $0x7FFFFFFF  }
tec
execute0_lowered:
.L_overlay_start_1:
0x0: {  	(tag) =	ssettag $0x1  }
0x1: {  	s1 =	rddreg [dreg:$0x0]  }
0x2: {  	s0 =	srdreg.scid;
	s2 =	rddreg [dreg:$0x1]  }
0x3: {  	s9 =	stileid.u32;
	s3 =	rddreg [dreg:$0x2];
	s6 =	simm.s32 $0x0  }
0x4: {  	s28 =	simm.s32 $0x1;
	s30 =	simm.s32 $0x2;
	s11 =	simm.s32 $0x5  }
0x5: {  	s13 =	simm.s32 $0x6;
	s15 =	simm.s32 $0x7;
	s17 =	simm.s32 $0x8  }
0x6: {  	s10 =	simm.s32 $0x730;
	s12 =	simm.s32 $0x1A00;
	s14 =	simm.s32 $0x1A80  }
0x7: {  	s16 =	simm.s32 $0x1B00;
	s0 =	sand.u32 $0x1, s0;
	s5 =	smul.u32 $0x14000, s9  }
0x8: {  	[smem:$0x7FF] =	sst s6;
	s7 =	smul.u32 $0x50000, s9;
	s6 =	sadd.s32 $0xC200, s2  }
0x9: {  	s4 =	smul.u32 $0x140000, s0;
	_ =	strace $0x8000004A;
	s18 =	ssub.s32 $0x2, s0  }
0xa: {  	s0 =	sshll.u32 s0, $0x4;
	s7 =	sshrl.u32 s7, $0x2;
	s8 =	sshrl.u32 s18, $0x1  }
0xb: {  	s0 =	sor.u32 s9, s0;
	s9 =	simm.s32 $0x4;
	s25 =	sadd.s32 s7, s3  }
0xc: {  	s4 =	sadd.s32 s5, s4;
	s19 =	sadd.s32 $0x2800, s25;
	[dreg:$0x4] =	wrdreg s25  }
0xd: {  	s5 =	sadd.s32 $0x2400, s2;
	s20 =	sadd.s32 $0x5000, s25;
	[dreg:$0x5] =	wrdreg s19  }
0xe: {  	s7 =	simm.s32 $0x1B80;
	s21 =	sadd.s32 $0x7800, s25;
	[dreg:$0x6] =	wrdreg s20  }
0xf: {  	s4 =	sshrl.u32 s4, $0x3;
	s22 =	sadd.s32 $0xA000, s25;
	[dreg:$0x7] =	wrdreg s21  }
0x10: {  	s23 =	sadd.s32 $0xC800, s25;
	s24 =	sadd.s32 $0xF000, s25;
	[dreg:$0x8] =	wrdreg s22  }
0x11: {  	s26 =	sadd.s32 $0x11800, s25;
	s2 =	sadd.s32 s4, s2;
	[dreg:$0x9] =	wrdreg s23  }
0x12: {  	s4 =	ssub.s32 s18, s8;
	s8 =	smul.u32 $0x2710, s0;
	[dreg:$0xa] =	wrdreg s24  }
0x13: {  	[dreg:$0xb] =	wrdreg s26;
	s18 =	simm.s32 $0x2000;
	s19 =	simm.s32 $0x9  }
0x14: {  	s21 =	simm.s32 $0x50;
	s22 =	simm.s32 $0x4800;
	s24 =	simm.s32 $0x7000  }
0x15: {  	s26 =	simm.s32 $0x9800;
	s20 =	simm.s32 $0x1C00;
	s29 =	sadd.s32 $0x66000, s2  }
0x16: {  	s23 =	simm.s32 $0x0;
	s31 =	smax.u32 s4, $0x1;
	[dreg:$0xc] =	wrdreg s29  }
0x17: {  	v0 =	vimm.f32 $0.0e+00;
	s2 =	simm.s32 $0x3;
	s4 =	simm.s32 $0x780;
	[dreg:$0xd] =	wrdreg s31  }
.LBB2_1:
0x18: {  	[dreg:$0xe] =	wrdreg s23;
	s0 =	simm.s32 $0x0;
	s23 =	simm.s32 $0x200  }
.LBB2_2:
0x19: {  	p0 =	sne.s32 s23, $0x9E00;
	[tilespmem:s0+$0x2070] =	vst v0  }
0x1a: {  	[tilespmem:s0+$0x2000] =	vst v0  }
0x1b: {  	[tilespmem:s0+$0x2010] =	vst v0  }
.Ltmp0:
0x1c: {  	[tilespmem:s0+$0x2020] =	vst v0;
	(pc) =	sbr.rel @p0 .LBB2_2-.Ltmp0, $4  }
0x1d: {  	[tilespmem:s0+$0x2030] =	vst v0  }
0x1e: {  	[tilespmem:s0+$0x2040] =	vst v0  }
0x1f: {  	[tilespmem:s0+$0x2050] =	vst v0  }
0x20: {  	[tilespmem:s0+$0x2060] =	vst v0;
	s0 =	sshra.s32 s23, $0x2;
	s23 =	sadd.s32 $0x200, s23  }
0x21: {  	[tilespmem:s0+$0x2070] =	vst v0  }
0x22: {  	[tilespmem:s0+$0x2000] =	vst v0  }
0x23: {  	[tilespmem:s0+$0x2010] =	vst v0  }
0x24: {  	[tilespmem:s0+$0x2020] =	vst v0  }
0x25: {  	[tilespmem:s0+$0x2030] =	vst v0  }
0x26: {  	[tilespmem:s0+$0x2040] =	vst v0  }
0x27: {  	[tilespmem:s0+$0x2050] =	vst v0  }
0x28: {  	[tilespmem:s0+$0x2060] =	vst v0  }
0x29: {  	[spmem:s25] =	stream.linear.scatter [tilespmem:s18], [sflag:$0x9], $0x2800, $0x38;
	v63 =	vld [tilespmem:$0x0]  }
0x2a: {  	_ =	swait.ge [sflag:s19], $0x2800  }
0x2b: {  	[sflag:s19] =	ssyncset.done $0x0  }
0x2c: {  	s25 =	rddreg [dreg:$0x5];
	[sflag:s19] =	ssyncadd.s32 $0xFFFFD800  }
0x2d: {  	[spmem:s25] =	stream.linear.scatter [tilespmem:s18], [sflag:$0x9], $0x2800, $0x38;
	v63 =	vld [tilespmem:$0x0]  }
0x2e: {  	_ =	swait.ge [sflag:s19], $0x2800  }
0x2f: {  	[sflag:s19] =	ssyncset.done $0x0  }
0x30: {  	s29 =	rddreg [dreg:$0x6];
	[sflag:s19] =	ssyncadd.s32 $0xFFFFD800  }
0x31: {  	[spmem:s29] =	stream.linear.scatter [tilespmem:s18], [sflag:$0x9], $0x2800, $0x38;
	v63 =	vld [tilespmem:$0x0]  }
0x32: {  	_ =	swait.ge [sflag:s19], $0x2800  }
0x33: {  	[sflag:s19] =	ssyncset.done $0x0  }
0x34: {  	s31 =	rddreg [dreg:$0x7];
	[sflag:s19] =	ssyncadd.s32 $0xFFFFD800  }
0x35: {  	[spmem:s31] =	stream.linear.scatter [tilespmem:s18], [sflag:$0x9], $0x2800, $0x38;
	v63 =	vld [tilespmem:$0x0]  }
0x36: {  	_ =	swait.ge [sflag:s19], $0x2800  }
0x37: {  	[sflag:s19] =	ssyncset.done $0x0  }
0x38: {  	s23 =	rddreg [dreg:$0x8];
	[sflag:s19] =	ssyncadd.s32 $0xFFFFD800  }
0x39: {  	[spmem:s23] =	stream.linear.scatter [tilespmem:s18], [sflag:$0x9], $0x2800, $0x38;
	v63 =	vld [tilespmem:$0x0]  }
0x3a: {  	_ =	swait.ge [sflag:s19], $0x2800  }
0x3b: {  	[sflag:s19] =	ssyncset.done $0x0  }
0x3c: {  	s25 =	rddreg [dreg:$0x9];
	[sflag:s19] =	ssyncadd.s32 $0xFFFFD800  }
0x3d: {  	[spmem:s25] =	stream.linear.scatter [tilespmem:s18], [sflag:$0x9], $0x2800, $0x38;
	v63 =	vld [tilespmem:$0x0]  }
0x3e: {  	_ =	swait.ge [sflag:s19], $0x2800  }
0x3f: {  	[sflag:s19] =	ssyncset.done $0x0  }
0x40: {  	s29 =	rddreg [dreg:$0xa];
	[sflag:s19] =	ssyncadd.s32 $0xFFFFD800  }
0x41: {  	[spmem:s29] =	stream.linear.scatter [tilespmem:s18], [sflag:$0x9], $0x2800, $0x38;
	v63 =	vld [tilespmem:$0x0]  }
0x42: {  	_ =	swait.ge [sflag:s19], $0x2800  }
0x43: {  	[sflag:s19] =	ssyncset.done $0x0  }
0x44: {  	s31 =	rddreg [dreg:$0xb];
	[sflag:s19] =	ssyncadd.s32 $0xFFFFD800  }
0x45: {  	[spmem:s31] =	stream.linear.scatter [tilespmem:s18], [sflag:$0x9], $0x2800, $0x38;
	v63 =	vld [tilespmem:$0x0]  }
0x46: {  	_ =	swait.ge [sflag:s19], $0x2800  }
0x47: {  	[sflag:s19] =	ssyncset.done $0x0  }
0x48: {  	[sflag:s19] =	ssyncadd.s32 $0xFFFFD800  }
0x49: {  	s23 =	simm.s32 $0x0;
	s25 =	simm.s32 $0x0;
	[bflag:$0x0] =	sbarrier.arrive $0xFFFF  }
.LBB2_4:
0x4a: {  	s0 =	smul.u32 $0x7D0, s25;
	_ =	sdelay $0x1  }
0x4b: {  	s0 =	sadd.s32 s8, s0  }
0x4c: {  	s0 =	sshrl.u32 s0, $0x3  }
0x4d: {  	s29 =	sadd.s32 s5, s0  }
0x4e: {  	[tilespmem:s23], [sflag:$0x9] =	stream.linear.gather [hbm4b:s29+s23], $0x7D0, $0x38;
	v63 =	vld [tilespmem:$0x0]  }
0x4f: {  	_ =	swait.ge [sflag:s19], $0x7D0  }
0x50: {  	[sflag:s19] =	ssyncset.done $0x0  }
0x51: {  	s0 =	sadd.s32 s6, s0;
	s29 =	simm.s32 $0x800;
	[sflag:s19] =	ssyncadd.s32 $0xFFFFF830  }
0x52: {  	[tilespmem:s29], [sflag:$0x9] =	stream.linear.gather [hbm4b:s0+s23], $0x7D0, $0x38;
	v63 =	vld [tilespmem:$0x0]  }
0x53: {  	_ =	swait.ge [sflag:s19], $0x7D0  }
0x54: {  	[sflag:s19] =	ssyncset.done $0x0  }
0x55: {  	s0 =	simm.s32 $0x0;
	[sflag:s19] =	ssyncadd.s32 $0xFFFFF830  }
0x56: {  	v1 =	vld [tilespmem:s0+$0x800];
	_ =	sdelay $0x3  }
0x57: {  	s29 =	simm.s32 $0x1020  }
0x58: {  	[tilespmem:s29+$0xFFFFFFE0] =	vst v1  }
0x59: {  	v1 =	vld [tilespmem:s0+$0x810];
	_ =	sdelay $0x4  }
0x5a: {  	[tilespmem:s29+$0xFFFFFFF0] =	vst v1  }
0x5b: {  	v1 =	vld [tilespmem:s0+$0x820];
	_ =	sdelay $0x4  }
0x5c: {  	[tilespmem:s29+$0x0] =	vst v1  }
0x5d: {  	v1 =	vld [tilespmem:s0+$0x830];
	_ =	sdelay $0x4  }
0x5e: {  	[tilespmem:s29+$0x10] =	vst v1  }
0x5f: {  	v1 =	vld [tilespmem:s0+$0x840];
	_ =	sdelay $0x4  }
0x60: {  	s31 =	simm.s32 $0x50;
	s0 =	simm.s32 $0x280;
	[tilespmem:s29+$0x20] =	vst v1  }
.LBB2_5:
0x61: {  	p0 =	sne.s32 s0, $0x1E00;
	v1 =	vld [tilespmem:s31+$0x800];
	_ =	sdelay $0x3  }
0x62: {  	s29 =	sadd.s32 $0x80, s29  }
0x63: {  	[tilespmem:s29+$0xFFFFFFE0] =	vst v1  }
0x64: {  	v1 =	vld [tilespmem:s31+$0x810];
	_ =	sdelay $0x4  }
0x65: {  	[tilespmem:s29+$0xFFFFFFF0] =	vst v1  }
0x66: {  	v1 =	vld [tilespmem:s31+$0x820];
	_ =	sdelay $0x4  }
0x67: {  	[tilespmem:s29+$0x0] =	vst v1  }
0x68: {  	v1 =	vld [tilespmem:s31+$0x830];
	_ =	sdelay $0x4  }
0x69: {  	[tilespmem:s29+$0x10] =	vst v1  }
0x6a: {  	v1 =	vld [tilespmem:s31+$0x840]  }
.Ltmp1:
0x6b: {  	(pc) =	sbr.rel @p0 .LBB2_5-.Ltmp1, $2  }
0x6c: {  	_ =	sdelay $0x2  }
0x6d: {  	s31 =	sshra.s32 s0, $0x2;
	s0 =	sadd.s32 $0x140, s0;
	[tilespmem:s29+$0x20] =	vst v1  }
0x6e: {  	v1 =	vld [tilespmem:s31+$0x800];
	_ =	sdelay $0x3  }
0x6f: {  	s0 =	sadd.s32 $0x80, s29  }
0x70: {  	[tilespmem:s0+$0xFFFFFFE0] =	vst v1  }
0x71: {  	v1 =	vld [tilespmem:s31+$0x810];
	_ =	sdelay $0x4  }
0x72: {  	[tilespmem:s0+$0xFFFFFFF0] =	vst v1  }
0x73: {  	v1 =	vld [tilespmem:s31+$0x820];
	_ =	sdelay $0x4  }
0x74: {  	[tilespmem:s0+$0x0] =	vst v1  }
0x75: {  	v1 =	vld [tilespmem:s31+$0x830];
	_ =	sdelay $0x4  }
0x76: {  	[tilespmem:s0+$0x10] =	vst v1  }
0x77: {  	v1 =	vld [tilespmem:s31+$0x840];
	_ =	sdelay $0x4  }
0x78: {  	s29 =	simm.s32 $0x0;
	[tilespmem:s0+$0x20] =	vst v1  }
0x79: {  	[tilespmem:s18], [sflag:$0x1] =	stream.indirect.gather [hbm4b:s1+s21], $0x80, s29, s21, $0xb8;
	v63 =	vld [tilespmem:$0x0]  }
0x7a: {  	_ = 	snop  }
0x7b: {  	[tilespmem:s22], [sflag:$0x2] =	stream.indirect.gather [hbm4b:s1+s21], $0x80, s21, s21, $0xb8;
	v63 =	vld [tilespmem:$0x0]  }
0x7c: {  	s31 =	simm.s32 $0xA0  }
0x7d: {  	[tilespmem:s24], [sflag:$0x3] =	stream.indirect.gather [hbm4b:s1+s21], $0x80, s31, s21, $0xb8;
	v63 =	vld [tilespmem:$0x0]  }
0x7e: {  	s29 =	simm.s32 $0xF0  }
0x7f: {  	[tilespmem:s26], [sflag:$0x4] =	stream.indirect.gather [hbm4b:s1+s21], $0x80, s29, s21, $0xb8;
	v63 =	vld [tilespmem:$0x0]  }
0x80: {  	_ =	swait.ge [sflag:s28], $0x2800  }
0x81: {  	[sflag:s28] =	ssyncset.done $0x0  }
0x82: {  	s31 =	simm.s32 $0x1000;
	[sflag:s28] =	ssyncadd.s32 $0xFFFFD800  }
0x83: {  	[spmem:s3] =	stream.indirect.scatter.add.f32 [tilespmem:s18], [sflag:$0x5], $0x80, s31, s21, $0xb8;
	v63 =	vld [tilespmem:$0x0]  }
0x84: {  	_ =	swait.ge [sflag:s30], $0x2800  }
0x85: {  	[sflag:s30] =	ssyncset.done $0x0  }
0x86: {  	s29 =	simm.s32 $0x1080;
	[sflag:s30] =	ssyncadd.s32 $0xFFFFD800  }
0x87: {  	[spmem:s3] =	stream.indirect.scatter.add.f32 [tilespmem:s22], [sflag:$0x6], $0x80, s29, s21, $0xb8;
	v63 =	vld [tilespmem:$0x0]  }
0x88: {  	_ =	swait.ge [sflag:s2], $0x2800  }
0x89: {  	[sflag:s2] =	ssyncset.done $0x0  }
0x8a: {  	s31 =	simm.s32 $0x1100;
	[sflag:s2] =	ssyncadd.s32 $0xFFFFD800  }
0x8b: {  	[spmem:s3] =	stream.indirect.scatter.add.f32 [tilespmem:s24], [sflag:$0x7], $0x80, s31, s21, $0xb8;
	v63 =	vld [tilespmem:$0x0]  }
0x8c: {  	_ =	swait.ge [sflag:s9], $0x2800  }
0x8d: {  	[sflag:s9] =	ssyncset.done $0x0  }
0x8e: {  	s29 =	simm.s32 $0x1180;
	[sflag:s9] =	ssyncadd.s32 $0xFFFFD800  }
0x8f: {  	[spmem:s3] =	stream.indirect.scatter.add.f32 [tilespmem:s26], [sflag:$0x8], $0x80, s29, s21, $0xb8;
	v63 =	vld [tilespmem:$0x0]  }
0x90: {  	_ =	swait.ge [sflag:s11], $0x2800  }
0x91: {  	[sflag:s11] =	ssyncset.done $0x0  }
0x92: {  	s31 =	simm.s32 $0x140;
	[sflag:s11] =	ssyncadd.s32 $0xFFFFD800  }
0x93: {  	[tilespmem:s18], [sflag:$0x1] =	stream.indirect.gather [hbm4b:s1+s21], $0x80, s31, s21, $0xb8;
	v63 =	vld [tilespmem:$0x0]  }
0x94: {  	_ =	swait.ge [sflag:s13], $0x2800  }
0x95: {  	[sflag:s13] =	ssyncset.done $0x0  }
0x96: {  	s29 =	simm.s32 $0x190;
	[sflag:s13] =	ssyncadd.s32 $0xFFFFD800  }
0x97: {  	[tilespmem:s22], [sflag:$0x2] =	stream.indirect.gather [hbm4b:s1+s21], $0x80, s29, s21, $0xb8;
	v63 =	vld [tilespmem:$0x0]  }
0x98: {  	_ =	swait.ge [sflag:s15], $0x2800  }
0x99: {  	[sflag:s15] =	ssyncset.done $0x0  }
0x9a: {  	s31 =	simm.s32 $0x1E0;
	[sflag:s15] =	ssyncadd.s32 $0xFFFFD800  }
0x9b: {  	[tilespmem:s24], [sflag:$0x3] =	stream.indirect.gather [hbm4b:s1+s21], $0x80, s31, s21, $0xb8;
	v63 =	vld [tilespmem:$0x0]  }
0x9c: {  	_ =	swait.ge [sflag:s17], $0x2800  }
0x9d: {  	[sflag:s17] =	ssyncset.done $0x0  }
0x9e: {  	s29 =	simm.s32 $0x230;
	[sflag:s17] =	ssyncadd.s32 $0xFFFFD800  }
0x9f: {  	[tilespmem:s26], [sflag:$0x4] =	stream.indirect.gather [hbm4b:s1+s21], $0x80, s29, s21, $0xb8;
	v63 =	vld [tilespmem:$0x0]  }
0xa0: {  	_ =	swait.ge [sflag:s28], $0x2800  }
0xa1: {  	[sflag:s28] =	ssyncset.done $0x0  }
0xa2: {  	s31 =	simm.s32 $0x1200;
	[sflag:s28] =	ssyncadd.s32 $0xFFFFD800  }
0xa3: {  	[spmem:s3] =	stream.indirect.scatter.add.f32 [tilespmem:s18], [sflag:$0x5], $0x80, s31, s21, $0xb8;
	v63 =	vld [tilespmem:$0x0]  }
0xa4: {  	_ =	swait.ge [sflag:s30], $0x2800  }
0xa5: {  	[sflag:s30] =	ssyncset.done $0x0  }
0xa6: {  	s29 =	simm.s32 $0x1280;
	[sflag:s30] =	ssyncadd.s32 $0xFFFFD800  }
0xa7: {  	[spmem:s3] =	stream.indirect.scatter.add.f32 [tilespmem:s22], [sflag:$0x6], $0x80, s29, s21, $0xb8;
	v63 =	vld [tilespmem:$0x0]  }
0xa8: {  	_ =	swait.ge [sflag:s2], $0x2800  }
0xa9: {  	[sflag:s2] =	ssyncset.done $0x0  }
0xaa: {  	s31 =	simm.s32 $0x1300;
	[sflag:s2] =	ssyncadd.s32 $0xFFFFD800  }
0xab: {  	[spmem:s3] =	stream.indirect.scatter.add.f32 [tilespmem:s24], [sflag:$0x7], $0x80, s31, s21, $0xb8;
	v63 =	vld [tilespmem:$0x0]  }
0xac: {  	_ =	swait.ge [sflag:s9], $0x2800  }
0xad: {  	[sflag:s9] =	ssyncset.done $0x0  }
0xae: {  	s29 =	simm.s32 $0x1380;
	[sflag:s9] =	ssyncadd.s32 $0xFFFFD800  }
0xaf: {  	[spmem:s3] =	stream.indirect.scatter.add.f32 [tilespmem:s26], [sflag:$0x8], $0x80, s29, s21, $0xb8;
	v63 =	vld [tilespmem:$0x0]  }
0xb0: {  	_ =	swait.ge [sflag:s11], $0x2800  }
0xb1: {  	[sflag:s11] =	ssyncset.done $0x0  }
0xb2: {  	s31 =	simm.s32 $0x280;
	[sflag:s11] =	ssyncadd.s32 $0xFFFFD800  }
0xb3: {  	[tilespmem:s18], [sflag:$0x1] =	stream.indirect.gather [hbm4b:s1+s21], $0x80, s31, s21, $0xb8;
	v63 =	vld [tilespmem:$0x0]  }
0xb4: {  	_ =	swait.ge [sflag:s13], $0x2800  }
0xb5: {  	[sflag:s13] =	ssyncset.done $0x0  }
0xb6: {  	s29 =	simm.s32 $0x2D0;
	[sflag:s13] =	ssyncadd.s32 $0xFFFFD800  }
0xb7: {  	[tilespmem:s22], [sflag:$0x2] =	stream.indirect.gather [hbm4b:s1+s21], $0x80, s29, s21, $0xb8;
	v63 =	vld [tilespmem:$0x0]  }
0xb8: {  	_ =	swait.ge [sflag:s15], $0x2800  }
0xb9: {  	[sflag:s15] =	ssyncset.done $0x0  }
0xba: {  	s31 =	simm.s32 $0x320;
	[sflag:s15] =	ssyncadd.s32 $0xFFFFD800  }
0xbb: {  	[tilespmem:s24], [sflag:$0x3] =	stream.indirect.gather [hbm4b:s1+s21], $0x80, s31, s21, $0xb8;
	v63 =	vld [tilespmem:$0x0]  }
0xbc: {  	_ =	swait.ge [sflag:s17], $0x2800  }
0xbd: {  	[sflag:s17] =	ssyncset.done $0x0  }
0xbe: {  	s29 =	simm.s32 $0x370;
	[sflag:s17] =	ssyncadd.s32 $0xFFFFD800  }
0xbf: {  	[tilespmem:s26], [sflag:$0x4] =	stream.indirect.gather [hbm4b:s1+s21], $0x80, s29, s21, $0xb8;
	v63 =	vld [tilespmem:$0x0]  }
0xc0: {  	_ =	swait.ge [sflag:s28], $0x2800  }
0xc1: {  	[sflag:s28] =	ssyncset.done $0x0  }
0xc2: {  	s31 =	simm.s32 $0x1400;
	[sflag:s28] =	ssyncadd.s32 $0xFFFFD800  }
0xc3: {  	[spmem:s3] =	stream.indirect.scatter.add.f32 [tilespmem:s18], [sflag:$0x5], $0x80, s31, s21, $0xb8;
	v63 =	vld [tilespmem:$0x0]  }
0xc4: {  	_ =	swait.ge [sflag:s30], $0x2800  }
0xc5: {  	[sflag:s30] =	ssyncset.done $0x0  }
0xc6: {  	s29 =	simm.s32 $0x1480;
	[sflag:s30] =	ssyncadd.s32 $0xFFFFD800  }
0xc7: {  	[spmem:s3] =	stream.indirect.scatter.add.f32 [tilespmem:s22], [sflag:$0x6], $0x80, s29, s21, $0xb8;
	v63 =	vld [tilespmem:$0x0]  }
0xc8: {  	_ =	swait.ge [sflag:s2], $0x2800  }
0xc9: {  	[sflag:s2] =	ssyncset.done $0x0  }
0xca: {  	s31 =	simm.s32 $0x1500;
	[sflag:s2] =	ssyncadd.s32 $0xFFFFD800  }
0xcb: {  	[spmem:s3] =	stream.indirect.scatter.add.f32 [tilespmem:s24], [sflag:$0x7], $0x80, s31, s21, $0xb8;
	v63 =	vld [tilespmem:$0x0]  }
0xcc: {  	_ =	swait.ge [sflag:s9], $0x2800  }
0xcd: {  	[sflag:s9] =	ssyncset.done $0x0  }
0xce: {  	s29 =	simm.s32 $0x1580;
	[sflag:s9] =	ssyncadd.s32 $0xFFFFD800  }
0xcf: {  	[spmem:s3] =	stream.indirect.scatter.add.f32 [tilespmem:s26], [sflag:$0x8], $0x80, s29, s21, $0xb8;
	v63 =	vld [tilespmem:$0x0]  }
0xd0: {  	_ =	swait.ge [sflag:s11], $0x2800  }
0xd1: {  	[sflag:s11] =	ssyncset.done $0x0  }
0xd2: {  	s31 =	simm.s32 $0x3C0;
	[sflag:s11] =	ssyncadd.s32 $0xFFFFD800  }
0xd3: {  	[tilespmem:s18], [sflag:$0x1] =	stream.indirect.gather [hbm4b:s1+s21], $0x80, s31, s21, $0xb8;
	v63 =	vld [tilespmem:$0x0]  }
0xd4: {  	_ =	swait.ge [sflag:s13], $0x2800  }
0xd5: {  	[sflag:s13] =	ssyncset.done $0x0  }
0xd6: {  	s29 =	simm.s32 $0x410;
	[sflag:s13] =	ssyncadd.s32 $0xFFFFD800  }
0xd7: {  	[tilespmem:s22], [sflag:$0x2] =	stream.indirect.gather [hbm4b:s1+s21], $0x80, s29, s21, $0xb8;
	v63 =	vld [tilespmem:$0x0]  }
0xd8: {  	_ =	swait.ge [sflag:s15], $0x2800  }
0xd9: {  	[sflag:s15] =	ssyncset.done $0x0  }
0xda: {  	s31 =	simm.s32 $0x460;
	[sflag:s15] =	ssyncadd.s32 $0xFFFFD800  }
0xdb: {  	[tilespmem:s24], [sflag:$0x3] =	stream.indirect.gather [hbm4b:s1+s21], $0x80, s31, s21, $0xb8;
	v63 =	vld [tilespmem:$0x0]  }
0xdc: {  	_ =	swait.ge [sflag:s17], $0x2800  }
0xdd: {  	[sflag:s17] =	ssyncset.done $0x0  }
0xde: {  	s29 =	simm.s32 $0x4B0;
	[sflag:s17] =	ssyncadd.s32 $0xFFFFD800  }
0xdf: {  	[tilespmem:s26], [sflag:$0x4] =	stream.indirect.gather [hbm4b:s1+s21], $0x80, s29, s21, $0xb8;
	v63 =	vld [tilespmem:$0x0]  }
0xe0: {  	_ =	swait.ge [sflag:s28], $0x2800  }
0xe1: {  	[sflag:s28] =	ssyncset.done $0x0  }
0xe2: {  	s31 =	simm.s32 $0x1600;
	[sflag:s28] =	ssyncadd.s32 $0xFFFFD800  }
0xe3: {  	[spmem:s3] =	stream.indirect.scatter.add.f32 [tilespmem:s18], [sflag:$0x5], $0x80, s31, s21, $0xb8;
	v63 =	vld [tilespmem:$0x0]  }
0xe4: {  	_ =	swait.ge [sflag:s30], $0x2800  }
0xe5: {  	[sflag:s30] =	ssyncset.done $0x0  }
0xe6: {  	s29 =	simm.s32 $0x1680;
	[sflag:s30] =	ssyncadd.s32 $0xFFFFD800  }
0xe7: {  	[spmem:s3] =	stream.indirect.scatter.add.f32 [tilespmem:s22], [sflag:$0x6], $0x80, s29, s21, $0xb8;
	v63 =	vld [tilespmem:$0x0]  }
0xe8: {  	_ =	swait.ge [sflag:s2], $0x2800  }
0xe9: {  	[sflag:s2] =	ssyncset.done $0x0  }
0xea: {  	s31 =	simm.s32 $0x1700;
	[sflag:s2] =	ssyncadd.s32 $0xFFFFD800  }
0xeb: {  	[spmem:s3] =	stream.indirect.scatter.add.f32 [tilespmem:s24], [sflag:$0x7], $0x80, s31, s21, $0xb8;
	v63 =	vld [tilespmem:$0x0]  }
0xec: {  	_ =	swait.ge [sflag:s9], $0x2800  }
0xed: {  	[sflag:s9] =	ssyncset.done $0x0  }
0xee: {  	s29 =	simm.s32 $0x1780;
	[sflag:s9] =	ssyncadd.s32 $0xFFFFD800  }
0xef: {  	[spmem:s3] =	stream.indirect.scatter.add.f32 [tilespmem:s26], [sflag:$0x8], $0x80, s29, s21, $0xb8;
	v63 =	vld [tilespmem:$0x0]  }
0xf0: {  	_ =	swait.ge [sflag:s11], $0x2800  }
0xf1: {  	[sflag:s11] =	ssyncset.done $0x0  }
0xf2: {  	s31 =	simm.s32 $0x500;
	[sflag:s11] =	ssyncadd.s32 $0xFFFFD800  }
0xf3: {  	[tilespmem:s18], [sflag:$0x1] =	stream.indirect.gather [hbm4b:s1+s21], $0x80, s31, s21, $0xb8;
	v63 =	vld [tilespmem:$0x0]  }
0xf4: {  	_ =	swait.ge [sflag:s13], $0x2800  }
0xf5: {  	[sflag:s13] =	ssyncset.done $0x0  }
0xf6: {  	s29 =	simm.s32 $0x550;
	[sflag:s13] =	ssyncadd.s32 $0xFFFFD800  }
0xf7: {  	[tilespmem:s22], [sflag:$0x2] =	stream.indirect.gather [hbm4b:s1+s21], $0x80, s29, s21, $0xb8;
	v63 =	vld [tilespmem:$0x0]  }
0xf8: {  	_ =	swait.ge [sflag:s15], $0x2800  }
0xf9: {  	[sflag:s15] =	ssyncset.done $0x0  }
0xfa: {  	s31 =	simm.s32 $0x5A0;
	[sflag:s15] =	ssyncadd.s32 $0xFFFFD800  }
0xfb: {  	[tilespmem:s24], [sflag:$0x3] =	stream.indirect.gather [hbm4b:s1+s21], $0x80, s31, s21, $0xb8;
	v63 =	vld [tilespmem:$0x0]  }
0xfc: {  	_ =	swait.ge [sflag:s17], $0x2800  }
0xfd: {  	[sflag:s17] =	ssyncset.done $0x0  }
0xfe: {  	s29 =	simm.s32 $0x5F0;
	[sflag:s17] =	ssyncadd.s32 $0xFFFFD800  }
0xff: {  	[tilespmem:s26], [sflag:$0x4] =	stream.indirect.gather [hbm4b:s1+s21], $0x80, s29, s21, $0xb8;
	v63 =	vld [tilespmem:$0x0]  }
0x100: {  	_ =	swait.ge [sflag:s28], $0x2800  }
0x101: {  	[sflag:s28] =	ssyncset.done $0x0  }
0x102: {  	s31 =	simm.s32 $0x1800;
	[sflag:s28] =	ssyncadd.s32 $0xFFFFD800  }
0x103: {  	[spmem:s3] =	stream.indirect.scatter.add.f32 [tilespmem:s18], [sflag:$0x5], $0x80, s31, s21, $0xb8;
	v63 =	vld [tilespmem:$0x0]  }
0x104: {  	_ =	swait.ge [sflag:s30], $0x2800  }
0x105: {  	[sflag:s30] =	ssyncset.done $0x0  }
0x106: {  	s29 =	simm.s32 $0x1880;
	[sflag:s30] =	ssyncadd.s32 $0xFFFFD800  }
0x107: {  	[spmem:s3] =	stream.indirect.scatter.add.f32 [tilespmem:s22], [sflag:$0x6], $0x80, s29, s21, $0xb8;
	v63 =	vld [tilespmem:$0x0]  }
0x108: {  	_ =	swait.ge [sflag:s2], $0x2800  }
0x109: {  	[sflag:s2] =	ssyncset.done $0x0  }
0x10a: {  	s31 =	simm.s32 $0x1900;
	[sflag:s2] =	ssyncadd.s32 $0xFFFFD800  }
0x10b: {  	[spmem:s3] =	stream.indirect.scatter.add.f32 [tilespmem:s24], [sflag:$0x7], $0x80, s31, s21, $0xb8;
	v63 =	vld [tilespmem:$0x0]  }
0x10c: {  	_ =	swait.ge [sflag:s9], $0x2800  }
0x10d: {  	[sflag:s9] =	ssyncset.done $0x0  }
0x10e: {  	s29 =	simm.s32 $0x1980;
	[sflag:s9] =	ssyncadd.s32 $0xFFFFD800  }
0x10f: {  	[spmem:s3] =	stream.indirect.scatter.add.f32 [tilespmem:s26], [sflag:$0x8], $0x80, s29, s21, $0xb8;
	v63 =	vld [tilespmem:$0x0]  }
0x110: {  	_ =	swait.ge [sflag:s11], $0x2800  }
0x111: {  	[sflag:s11] =	ssyncset.done $0x0  }
0x112: {  	s31 =	simm.s32 $0x640;
	[sflag:s11] =	ssyncadd.s32 $0xFFFFD800  }
0x113: {  	[tilespmem:s18], [sflag:$0x1] =	stream.indirect.gather [hbm4b:s1+s21], $0x80, s31, s21, $0xb8;
	v63 =	vld [tilespmem:$0x0]  }
0x114: {  	_ =	swait.ge [sflag:s13], $0x2800  }
0x115: {  	[sflag:s13] =	ssyncset.done $0x0  }
0x116: {  	s29 =	simm.s32 $0x690;
	[sflag:s13] =	ssyncadd.s32 $0xFFFFD800  }
0x117: {  	[tilespmem:s22], [sflag:$0x2] =	stream.indirect.gather [hbm4b:s1+s21], $0x80, s29, s21, $0xb8;
	v63 =	vld [tilespmem:$0x0]  }
0x118: {  	_ =	swait.ge [sflag:s15], $0x2800  }
0x119: {  	[sflag:s15] =	ssyncset.done $0x0  }
0x11a: {  	s31 =	simm.s32 $0x6E0;
	[sflag:s15] =	ssyncadd.s32 $0xFFFFD800  }
0x11b: {  	[tilespmem:s24], [sflag:$0x3] =	stream.indirect.gather [hbm4b:s1+s21], $0x80, s31, s21, $0xb8;
	v63 =	vld [tilespmem:$0x0]  }
0x11c: {  	_ =	swait.ge [sflag:s17], $0x2800  }
0x11d: {  	[sflag:s17] =	ssyncset.done $0x0  }
0x11e: {  	[sflag:s17] =	ssyncadd.s32 $0xFFFFD800  }
0x11f: {  	[tilespmem:s26], [sflag:$0x4] =	stream.indirect.gather [hbm4b:s1+s21], $0x80, s10, s21, $0xb8;
	v63 =	vld [tilespmem:$0x0]  }
0x120: {  	_ =	swait.ge [sflag:s28], $0x2800  }
0x121: {  	[sflag:s28] =	ssyncset.done $0x0  }
0x122: {  	[sflag:s28] =	ssyncadd.s32 $0xFFFFD800  }
0x123: {  	[spmem:s3] =	stream.indirect.scatter.add.f32 [tilespmem:s18], [sflag:$0x5], $0x80, s12, s21, $0xb8;
	v63 =	vld [tilespmem:$0x0]  }
0x124: {  	_ =	swait.ge [sflag:s30], $0x2800  }
0x125: {  	[sflag:s30] =	ssyncset.done $0x0  }
0x126: {  	[sflag:s30] =	ssyncadd.s32 $0xFFFFD800  }
0x127: {  	[spmem:s3] =	stream.indirect.scatter.add.f32 [tilespmem:s22], [sflag:$0x6], $0x80, s14, s21, $0xb8;
	v63 =	vld [tilespmem:$0x0]  }
0x128: {  	_ =	swait.ge [sflag:s2], $0x2800  }
0x129: {  	[sflag:s2] =	ssyncset.done $0x0  }
0x12a: {  	[sflag:s2] =	ssyncadd.s32 $0xFFFFD800  }
0x12b: {  	[spmem:s3] =	stream.indirect.scatter.add.f32 [tilespmem:s24], [sflag:$0x7], $0x80, s16, s21, $0xb8;
	v63 =	vld [tilespmem:$0x0]  }
0x12c: {  	_ =	swait.ge [sflag:s9], $0x2800  }
0x12d: {  	[sflag:s9] =	ssyncset.done $0x0  }
0x12e: {  	[sflag:s9] =	ssyncadd.s32 $0xFFFFD800  }
0x12f: {  	[spmem:s3] =	stream.indirect.scatter.add.f32 [tilespmem:s26], [sflag:$0x8], $0x80, s7, s21, $0xb8;
	v63 =	vld [tilespmem:$0x0]  }
0x130: {  	_ =	swait.ge [sflag:s11], $0x2800  }
0x131: {  	[sflag:s11] =	ssyncset.done $0x0  }
0x132: {  	[sflag:s11] =	ssyncadd.s32 $0xFFFFD800  }
0x133: {  	[tilespmem:s18], [sflag:$0x1] =	stream.indirect.gather [hbm4b:s1+s21], $0x80, s4, s21, $0xb8;
	v63 =	vld [tilespmem:$0x0]  }
0x134: {  	_ =	swait.ge [sflag:s13], $0x2800  }
0x135: {  	[sflag:s13] =	ssyncset.done $0x0  }
0x136: {  	[sflag:s13] =	ssyncadd.s32 $0xFFFFD800  }
0x137: {  	_ =	swait.ge [sflag:s15], $0x2800  }
0x138: {  	[sflag:s15] =	ssyncset.done $0x0  }
0x139: {  	[sflag:s15] =	ssyncadd.s32 $0xFFFFD800  }
0x13a: {  	_ =	swait.ge [sflag:s17], $0x2800  }
0x13b: {  	[sflag:s17] =	ssyncset.done $0x0  }
0x13c: {  	[sflag:s17] =	ssyncadd.s32 $0xFFFFD800  }
0x13d: {  	s25 =	sadd.s32 $0x1, s25;
	_ =	swait.ge [sflag:s28], $0x2800  }
0x13e: {  	p0 =	sne.s32 s25, $0x5;
	[sflag:s28] =	ssyncset.done $0x0  }
.Ltmp2:
0x13f: {  	[sflag:s28] =	ssyncadd.s32 $0xFFFFD800;
	(pc) =	sbr.rel @p0 .LBB2_4-.Ltmp2, $4  }
0x140: {  	[spmem:s3] =	stream.indirect.scatter.add.f32 [tilespmem:s18], [sflag:$0x5], $0x80, s20, s21, $0xb8;
	v63 =	vld [tilespmem:$0x0]  }
0x141: {  	_ =	swait.ge [sflag:s11], $0x2800  }
0x142: {  	[sflag:s11] =	ssyncset.done $0x0  }
0x143: {  	[sflag:s11] =	ssyncadd.s32 $0xFFFFD800  }
0x144: {  	s0 =	stileid.u32;
	[bflag:$0x0] =	sbarrier.arrive $0xFFFF  }
0x145: {  	s0 =	sshll.u32 s0, $0x6;
	s25 =	rddreg [dreg:$0x4]  }
0x146: {  	s29 =	rddreg [dreg:$0xc];
	s0 =	sor.u32 $0x1C09, s0;
	s23 =	sshrl.u32 s25, $0x3  }
0x147: {  	[hbm:s29], [sflag:s0] =	dma.local [spmem:s23], $0x2800  }
0x148: {  	_ =	swait.ge [sflag:s19], $0x2800  }
0x149: {  	s29 =	rddreg [dreg:$0xe]  }
0x14a: {  	s31 =	rddreg [dreg:$0xd];
	s23 =	sadd.s32 $0x1, s29  }
0x14b: {  	p0 =	sne.s32 s23, s31  }
.Ltmp3:
0x14c: {  	_ = 	snop;
	(pc) =	sbr.rel @p0 .LBB2_1-.Ltmp3, $3  }
0x14d: {  	_ =	sdelay $0x1  }
0x14e: {  	[sflag:s19] =	ssyncset.done $0x0  }
0x14f: {  	[sflag:s19] =	ssyncadd.s32 $0xFFFFD800  }
0x150: {  	_ =	sfence.sel $0x180000  }
0x151: {  	[bflag:$0x0] =	sbarrier.arrive $0xFFFF  }
0x152: {  	_ =	strace $0x9000004A  }
0x153: {  	s0 =	stileid.u32;
	[bflag:$0x2] =	sbarrier.arrive $0xFFFF  }
0x154: {  	p0 =	sne.s32 s0, $0x0;
	s0 =	rddreg [dreg:$0x3]  }
0x155: {  	s0 =	sadd.s32 @!p0 $0x100000, s0  }
0x156: {  	[sflag:s0] =	ssyncadd.tile.s32 @!p0 $0x1;
	_ =	shalt  }
.Lfunc_end2:
_tile_overlayer_lowered:
.L_overlay_start_2:
0x157: {  	(tag) =	ssettag $0x2  }
0x158: {  	s0 =	rddreg [dreg:$0x0];
	s2 =	stileid.u32  }
0x159: {  	s1 =	rddreg [dreg:$0x1];
	p0 =	sne.s32 s2, $0x0  }
0x15a: {  	s3 =	rddreg [dreg:$0x2];
	[bflag:$0x3] =	sbarrier.arrive $0xFFFF;
	s2 =	simm.s32 @!p0 $0x1C09  }
0x15b: {  	[timem:s3], [sflag:s2] =	dma.local @!p0 [hbm:s0], s1  }
0x15c: {  	s0 =	simm.s32 @!p0 $0x9  }
0x15d: {  	_ =	swait.ge @!p0 [sflag:s0], s1  }
0x15e: {  	s1 =	ssub.s32 @!p0 $0x0, s1;
	[sflag:s0] =	ssyncset.done @!p0 $0x0  }
0x15f: {  	[sflag:s0] =	ssyncadd.s32 @!p0 s1  }
0x160: {  	[bflag:$0x3] =	sbarrier.arrive $0xFFFF  }
0x161: {  	_ =	shalt  }

// kernel: kernel.15.cloned.1.call-start
scs
__scs_entry_jumppad:
0x0: {  	(pc) =	sbr.rel $0x88, $3  }
0x1: {  	(tag) =	ssettag $0x0;
	lr =	simm.s32 $0x1  }
0x2: {  	[smem:$0x3F9E] =	sst lr;
	_ =	strace $0xD0000000  }
0x3: {  	_ = 	snop  }
0x4: {  	_ = 	snop  }
0x5: {  	_ = 	snop  }
0x6: {  	_ = 	snop  }
0x7: {  	_ = 	snop  }
__scs_overlays_trampoline_lowered:
0x8: {  	[smem:$0x3FAD] =	sst s0  }
0x9: {  	[smem:$0x3FAE] =	sst s1  }
0xa: {  	[smem:$0x3FAF] =	sst s2  }
0xb: {  	[smem:$0x3FB0] =	sst s3  }
0xc: {  	[smem:$0x3FB1] =	sst s4  }
0xd: {  	[smem:$0x3FB2] =	sst s5  }
0xe: {  	[smem:$0x3FB3] =	sst s6  }
0xf: {  	[smem:$0x3FB4] =	sst s7  }
0x10: {  	[smem:$0x3FB5] =	sst s8  }
0x11: {  	[smem:$0x3FB6] =	sst s9;
	s0 =	simm.s32 @!p0 $0x0  }
0x12: {  	s1 =	sld [smem:$0x3F9C];
	s0 =	simm.s32 @p0 $0x1  }
0x13: {  	[smem:$0x3FB7] =	sst s0;
	s0 =	simm.s32 @!p1 $0x0  }
0x14: {  	s2 =	sld [smem:$0x3F9B];
	s0 =	simm.s32 @p1 $0x1  }
0x15: {  	[smem:$0x3FB8] =	sst s0;
	s0 =	simm.s32 @!p2 $0x0  }
0x16: {  	s3 =	sld [smem:$0x3FDB];
	s0 =	simm.s32 @p2 $0x1  }
0x17: {  	s4 =	simm.s32 $0x1BF5;
	[smem:$0x3FBA] =	sst s0  }
0x18: {  	s0 =	sld [smem:$0x3F9D];
	_ =	swait.ge [sflag:s4], $0x0  }
0x19: {  	s7 =	sld [smem:$0x3F9E]  }
0x1a: {  	s8 =	sadd.s32 $0xFFFFE003, lr  }
0x1b: {  	s9 =	sadd.s32 $0xFFFFFEF7, lr;
	s5 =	simm.s32 $0xFFFFFFFF;
	p2 =	slt.u32 s8, $0xFFFFF086  }
0x1c: {  	p1 =	slt.u32 s9, $0xF7A;
	s5 =	simm.s32 @!p2 $0x0  }
0x1d: {  	s5 =	simm.s32 @p1 $0x1;
	p0 =	seq.s32 s7, s2  }
0x1e: {  	s7 =	smul.u32 @!p0 $0xF7A, s2;
	p2 =	seq.s32 @!p0 s5, $0x0  }
0x1f: {  	s9 =	smul.u32 $0xF7A, s1;
	s8 =	simm.s32 @!p0 $0x1BF5;
	p2 =	por !p2, p0  }
0x20: {  	[sflag:s8] =	ssyncset.s32 @!p0 $0xFFFFF086;
	s6 =	sadd.s32 @!p0 s3, s7;
	s7 =	simm.s32 @!p0 $0x108  }
0x21: {  	s3 =	sadd.s32 s3, s9;
	s6 =	sadd.s32 @!p0 $0x88, s6;
	s7 =	simm.s32 @p2 $0x1082  }
0x22: {  	[simem:s7], [sflag:s8] =	dma.local @!p0 [hbm:s6], $0xF7A  }
0x23: {  	s9 =	sor.u32 $0xD0000000, s2;
	s6 =	simm.s32 $0x108;
	_ =	swait.ge @!p0 [sflag:s8], $0x0  }
0x24: {  	s3 =	sadd.s32 $0x88, s3;
	s6 =	simm.s32 @!p1 $0x1082;
	[sflag:s4] =	ssyncset.s32 $0xFFFFF086  }
0x25: {  	[simem:s6], [sflag:s4] =	dma.local [hbm:s3], $0xF7A  }
0x26: {  	[smem:$0x3F9E] =	sst s1;
	(tag) =	ssettag s2;
	_ =	strace s9  }
0x27: {  	s1 =	sld [smem:$0x3FAE]  }
0x28: {  	s2 =	sld [smem:$0x3FAF]  }
0x29: {  	s4 =	sld [smem:$0x3FB1]  }
0x2a: {  	p0 =	seq.s32 s5, $0x0;
	s5 =	sld [smem:$0x3FB2]  }
0x2b: {  	s6 =	sld [smem:$0x3FB3]  }
0x2c: {  	s7 =	sld [smem:$0x3FB4]  }
0x2d: {  	s3 =	simm.s32 $0x108;
	s8 =	sld [smem:$0x3FB5]  }
0x2e: {  	s3 =	simm.s32 @!p0 $0x1082;
	s9 =	sld [smem:$0x3FB6]  }
0x2f: {  	lr =	sadd.s32 s0, s3;
	s0 =	sld [smem:$0x3FAD]  }
0x30: {  	s3 =	sld [smem:$0x3FB0]  }
0x31: {  	[smem:$0x3FB9] =	sst s10  }
0x32: {  	s10 =	sld [smem:$0x3FB7];
	_ =	sdelay $0x3  }
0x33: {  	p0 =	seq.s32 s10, $0x1;
	s10 =	sld [smem:$0x3FB9];
	_ =	sdelay $0x3  }
0x34: {  	[smem:$0x3FB9] =	sst s10  }
0x35: {  	s10 =	sld [smem:$0x3FB8];
	_ =	sdelay $0x3  }
0x36: {  	p1 =	seq.s32 s10, $0x1;
	s10 =	sld [smem:$0x3FB9];
	_ =	sdelay $0x3  }
0x37: {  	[smem:$0x3FB9] =	sst s10  }
0x38: {  	s10 =	sld [smem:$0x3FBA]  }
0x39: {  	_ = 	snop;
	(pc) =	sbr.ind lr, $3  }
0x3a: {  	_ = 	snop  }
0x3b: {  	_ = 	snop  }
0x3c: {  	p2 =	seq.s32 s10, $0x1;
	s10 =	sld [smem:$0x3FB9]  }
0x3d: {  	_ =	shalt  }
0x3e: {  	_ =	shalt  }
0x3f: {  	_ =	shalt  }
0x40: {  	_ =	shalt  }
0x41: {  	_ =	shalt  }
0x42: {  	_ =	shalt  }
0x43: {  	_ =	shalt  }
0x44: {  	_ =	shalt  }
0x45: {  	_ =	shalt  }
0x46: {  	_ =	shalt  }
0x47: {  	_ =	shalt  }
0x48: {  	_ =	shalt  }
0x49: {  	_ =	shalt  }
0x4a: {  	_ =	shalt  }
0x4b: {  	_ =	shalt  }
0x4c: {  	_ =	shalt  }
0x4d: {  	_ =	shalt  }
0x4e: {  	_ =	shalt  }
0x4f: {  	_ =	shalt  }
0x50: {  	_ =	shalt  }
0x51: {  	_ =	shalt  }
0x52: {  	_ =	shalt  }
0x53: {  	_ =	shalt  }
0x54: {  	_ =	shalt  }
0x55: {  	_ =	shalt  }
0x56: {  	_ =	shalt  }
0x57: {  	_ =	shalt  }
0x58: {  	_ =	shalt  }
0x59: {  	_ =	shalt  }
0x5a: {  	_ =	shalt  }
0x5b: {  	_ =	shalt  }
0x5c: {  	_ =	shalt  }
0x5d: {  	_ =	shalt  }
0x5e: {  	_ =	shalt  }
0x5f: {  	_ =	shalt  }
0x60: {  	_ =	shalt  }
0x61: {  	_ =	shalt  }
0x62: {  	_ =	shalt  }
0x63: {  	_ =	shalt  }
0x64: {  	_ =	shalt  }
0x65: {  	_ =	shalt  }
0x66: {  	_ =	shalt  }
0x67: {  	_ =	shalt  }
0x68: {  	_ =	shalt  }
0x69: {  	_ =	shalt  }
0x6a: {  	_ =	shalt  }
0x6b: {  	_ =	shalt  }
0x6c: {  	_ =	shalt  }
0x6d: {  	_ =	shalt  }
0x6e: {  	_ =	shalt  }
0x6f: {  	_ =	shalt  }
0x70: {  	_ =	shalt  }
0x71: {  	_ =	shalt  }
0x72: {  	_ =	shalt  }
0x73: {  	_ =	shalt  }
0x74: {  	_ =	shalt  }
0x75: {  	_ =	shalt  }
0x76: {  	_ =	shalt  }
0x77: {  	_ =	shalt  }
0x78: {  	_ =	shalt  }
0x79: {  	_ =	shalt  }
0x7a: {  	_ =	shalt  }
0x7b: {  	_ =	shalt  }
0x7c: {  	_ =	shalt  }
0x7d: {  	_ =	shalt  }
0x7e: {  	_ =	shalt  }
0x7f: {  	_ =	shalt  }
0x80: {  	_ =	shalt  }
0x81: {  	_ =	shalt  }
0x82: {  	_ =	shalt  }
0x83: {  	_ =	shalt  }
0x84: {  	_ =	shalt  }
0x85: {  	_ =	shalt  }
0x86: {  	_ =	shalt  }
0x87: {  	_ =	shalt  }
.Lfunc_end0:
.L_simem_size_0:
called_computation.2_lowered:
.L_overlay_start_0:
0x88: {  	s2 =	sld [smem:$0x3FD9]  }
0x89: {  	s3 =	sld [smem:$0x3FFE];
	_ =	sdelay $0x1  }
0x8a: {  	s1 =	srdreg.scid  }
0x8b: {  	s0 =	sand.u32 $0x1, s1  }
0x8c: {  	s17 =	sshll.u32 s0, $0xA;
	s2 =	sadd.s32 s3, s2  }
0x8d: {  	s2 =	sadd.s32 s2, s17  }
0x8e: {  	[smem:$0x3FC5] =	sst s2  }
0x8f: {  	_ = 	snop  }
0x90: {  	s2 =	sld [smem:$0x3FD0];
	(tm) =	ssettm $0x1  }
0x91: {  	s18 =	sld [smem:$0x3FFB];
	_ =	sdelay $0x3  }
0x92: {  	_ =	strace s18  }
0x93: {  	s3 =	sld [smem:$0x3FFC];
	_ =	sdelay $0x3  }
0x94: {  	_ =	strace s3  }
0x95: {  	s3 =	sld [smem:$0x3FFD];
	_ =	sdelay $0x3  }
0x96: {  	_ =	strace s3  }
0x97: {  	_ =	strace $0x8FFFFFFF  }
0x98: {  	s19 =	sld [smem:$0x3FDB];
	_ =	sdelay $0x1  }
0x99: {  	s4 =	simm.s32 $_scs_section_size  }
0x9a: {  	s5 =	simm.s32 $_size__tile_overlayer_lowered;
	s6 =	simm.s32 $_tile_overlayer_lowered  }
0x9b: {  	s22 =	simm.s32 $0x1BFF;
	s21 =	sshll.u32 s6, $0x1;
	s3 =	sadd.s32 s4, s19  }
0x9c: {  	s7 =	simm.s32 $0x0;
	s20 =	sshll.u32 s5, $0x1;
	s5 =	sadd.s32 s21, s3  }
0x9d: {  	[timem:s7], [sflag:s22] =	dma.local [hbm:s5], s20  }
0x9e: {  	_ =	swait.ge [sflag:s22], s20  }
0x9f: {  	s4 =	ssub.s32 $0x0, s20;
	[sflag:s22] =	ssyncset.done $0x0  }
0xa0: {  	[sflag:s22] =	ssyncadd.s32 s4;
	_ =	sdelay $0x1  }
0xa1: {  	s23 =	simm.s32 $0x1B8B  }
0xa2: {  	_ =	swait.ge [sflag:s23], $0x1  }
0xa3: {  	[sflag:s23] =	ssyncset.done $0x0  }
0xa4: {  	s25 =	simm.s32 $0x1B8E;
	s24 =	sld [smem:$0x3FFE];
	[sflag:s23] =	ssyncadd.s32 $0xFFFFFFFF  }
0xa5: {  	s26 =	simm.s32 $execute0_lowered;
	[smem:$0x3FD2] =	sst s25  }
0xa6: {  	s5 =	sshll.u32 s26, $0x1;
	_ =	strace $0x8000004C;
	[dreg:$0x1] =	wrdreg $0xFFFFFFFF  }
0xa7: {  	s28 =	simm.s32 $_size_execute0_lowered;
	s3 =	sadd.s32 s3, s5;
	[dreg:$0x0] =	wrdreg $0x0  }
0xa8: {  	s5 =	sshll.u32 s28, $0x1;
	[dreg:$0x2] =	wrdreg s3  }
0xa9: {  	[dreg:$0x3] =	wrdreg s5  }
0xaa: {  	[dreg:$0x4] =	wrdreg $0xC0  }
0xab: {  	_ =	task [dreg:s7], $0x5FFFF  }
0xac: {  	[dreg:$0x1] =	wrdreg $0xFFFFFFFF  }
0xad: {  	[dreg:$0x0] =	wrdreg $0x60  }
0xae: {  	[dreg:$0x2] =	wrdreg s2  }
0xaf: {  	[dreg:$0x3] =	wrdreg s24  }
0xb0: {  	[dreg:$0x4] =	wrdreg $0xC0000  }
0xb1: {  	[dreg:$0x5] =	wrdreg $0x9  }
0xb2: {  	_ =	task.clear_ibuf [dreg:s7], $0x6FFFF;
	_ =	strace $0x9000004C  }
0xb3: {  	s29 =	simm.s32 $0x9;
	_ =	strace $0x8000004E  }
0xb4: {  	_ =	swait.ge [sflag:s29], $0x1  }
0xb5: {  	[sflag:s29] =	ssyncadd.s32 $0xFFFFFFFF  }
0xb6: {  	_ =	strace $0x9000004E  }
0xb7: {  	_ =	sfence  }
0xb8: {  	s30 =	sld [smem:$0x0];
	_ =	sdelay $0x2  }
0xb9: {  	s31 =	sshll.u32 s1, $0xD;
	s1 =	sshrl.u32 s1, $0x2  }
0xba: {  	s3 =	sand.u32 $0x4000, s31;
	s1 =	sadd.s32 s1, s30  }
0xbb: {  	s0 =	sor.u32 s3, s0;
	s1 =	sshll.u32 s1, $0x11  }
0xbc: {  	s0 =	sor.u32 s1, s0  }
0xbd: {  	s0 =	sadd.s32 $0x8F2B, s0  }
0xbe: {  	[sflag:s0] =	ssyncadd.remote.s32 $0x1  }
0xbf: {  	_ =	sfence.sel $0xFFFF  }
0xc0: {  	[dreg:$0x0] =	wrdreg $0xFFFFFFFF;
	(pc) =	sbr.abs _section_cstart, $3  }
0xc1: {  	[dreg:$0x1] =	wrdreg $0xFFFFFFFF  }
0xc2: {  	_ =	task.clear_ibuf [dreg:s7], $0x2FFFF;
	_ =	strace $0x9FFFFFFF  }
0xc3: {  	(tm) =	ssettm $0x7FFFFFFF  }
tec
execute0_lowered:
.L_overlay_start_1:
0x0: {  	(tag) =	ssettag $0x1  }
0x1: {  	s1 =	rddreg [dreg:$0x0]  }
0x2: {  	s0 =	srdreg.scid;
	s2 =	rddreg [dreg:$0x1]  }
0x3: {  	s9 =	stileid.u32;
	s3 =	rddreg [dreg:$0x2];
	s6 =	simm.s32 $0x0  }
0x4: {  	s28 =	simm.s32 $0x1;
	s30 =	simm.s32 $0x2;
	s11 =	simm.s32 $0x5  }
0x5: {  	s13 =	simm.s32 $0x6;
	s15 =	simm.s32 $0x7;
	s17 =	simm.s32 $0x8  }
0x6: {  	s10 =	simm.s32 $0x730;
	s12 =	simm.s32 $0x1A00;
	s14 =	simm.s32 $0x1A80  }
0x7: {  	s16 =	simm.s32 $0x1B00;
	s0 =	sand.u32 $0x1, s0;
	s5 =	smul.u32 $0x14000, s9  }
0x8: {  	[smem:$0x7FF] =	sst s6;
	s7 =	smul.u32 $0x50000, s9;
	s6 =	sadd.s32 $0xC200, s2  }
0x9: {  	s4 =	smul.u32 $0x140000, s0;
	_ =	strace $0x8000004D;
	s18 =	ssub.s32 $0x2, s0  }
0xa: {  	s0 =	sshll.u32 s0, $0x4;
	s7 =	sshrl.u32 s7, $0x2;
	s8 =	sshrl.u32 s18, $0x1  }
0xb: {  	s0 =	sor.u32 s9, s0;
	s9 =	simm.s32 $0x4;
	s25 =	sadd.s32 s7, s3  }
0xc: {  	s4 =	sadd.s32 s5, s4;
	s19 =	sadd.s32 $0x2800, s25;
	[dreg:$0x4] =	wrdreg s25  }
0xd: {  	s5 =	sadd.s32 $0x2400, s2;
	s20 =	sadd.s32 $0x5000, s25;
	[dreg:$0x5] =	wrdreg s19  }
0xe: {  	s7 =	simm.s32 $0x1B80;
	s21 =	sadd.s32 $0x7800, s25;
	[dreg:$0x6] =	wrdreg s20  }
0xf: {  	s4 =	sshrl.u32 s4, $0x3;
	s22 =	sadd.s32 $0xA000, s25;
	[dreg:$0x7] =	wrdreg s21  }
0x10: {  	s23 =	sadd.s32 $0xC800, s25;
	s24 =	sadd.s32 $0xF000, s25;
	[dreg:$0x8] =	wrdreg s22  }
0x11: {  	s26 =	sadd.s32 $0x11800, s25;
	s2 =	sadd.s32 s4, s2;
	[dreg:$0x9] =	wrdreg s23  }
0x12: {  	s4 =	ssub.s32 s18, s8;
	s8 =	smul.u32 $0x2710, s0;
	[dreg:$0xa] =	wrdreg s24  }
0x13: {  	[dreg:$0xb] =	wrdreg s26;
	s18 =	simm.s32 $0x2000;
	s19 =	simm.s32 $0x9  }
0x14: {  	s21 =	simm.s32 $0x50;
	s22 =	simm.s32 $0x4800;
	s24 =	simm.s32 $0x7000  }
0x15: {  	s26 =	simm.s32 $0x9800;
	s20 =	simm.s32 $0x1C00;
	s29 =	sadd.s32 $0x66000, s2  }
0x16: {  	s23 =	simm.s32 $0x0;
	s31 =	smax.u32 s4, $0x1;
	[dreg:$0xc] =	wrdreg s29  }
0x17: {  	v0 =	vimm.f32 $0.0e+00;
	s2 =	simm.s32 $0x3;
	s4 =	simm.s32 $0x780;
	[dreg:$0xd] =	wrdreg s31  }
.LBB2_1:
0x18: {  	[dreg:$0xe] =	wrdreg s23;
	s0 =	simm.s32 $0x0;
	s23 =	simm.s32 $0x200  }
.LBB2_2:
0x19: {  	p0 =	sne.s32 s23, $0x9E00;
	[tilespmem:s0+$0x2070] =	vst v0  }
0x1a: {  	[tilespmem:s0+$0x2000] =	vst v0  }
0x1b: {  	[tilespmem:s0+$0x2010] =	vst v0  }
.Ltmp0:
0x1c: {  	[tilespmem:s0+$0x2020] =	vst v0;
	(pc) =	sbr.rel @p0 .LBB2_2-.Ltmp0, $4  }
0x1d: {  	[tilespmem:s0+$0x2030] =	vst v0  }
0x1e: {  	[tilespmem:s0+$0x2040] =	vst v0  }
0x1f: {  	[tilespmem:s0+$0x2050] =	vst v0  }
0x20: {  	[tilespmem:s0+$0x2060] =	vst v0;
	s0 =	sshra.s32 s23, $0x2;
	s23 =	sadd.s32 $0x200, s23  }
0x21: {  	[tilespmem:s0+$0x2070] =	vst v0  }
0x22: {  	[tilespmem:s0+$0x2000] =	vst v0  }
0x23: {  	[tilespmem:s0+$0x2010] =	vst v0  }
0x24: {  	[tilespmem:s0+$0x2020] =	vst v0  }
0x25: {  	[tilespmem:s0+$0x2030] =	vst v0  }
0x26: {  	[tilespmem:s0+$0x2040] =	vst v0  }
0x27: {  	[tilespmem:s0+$0x2050] =	vst v0  }
0x28: {  	[tilespmem:s0+$0x2060] =	vst v0  }
0x29: {  	[spmem:s25] =	stream.linear.scatter [tilespmem:s18], [sflag:$0x9], $0x2800, $0x38;
	v63 =	vld [tilespmem:$0x0]  }
0x2a: {  	_ =	swait.ge [sflag:s19], $0x2800  }
0x2b: {  	[sflag:s19] =	ssyncset.done $0x0  }
0x2c: {  	s25 =	rddreg [dreg:$0x5];
	[sflag:s19] =	ssyncadd.s32 $0xFFFFD800  }
0x2d: {  	[spmem:s25] =	stream.linear.scatter [tilespmem:s18], [sflag:$0x9], $0x2800, $0x38;
	v63 =	vld [tilespmem:$0x0]  }
0x2e: {  	_ =	swait.ge [sflag:s19], $0x2800  }
0x2f: {  	[sflag:s19] =	ssyncset.done $0x0  }
0x30: {  	s29 =	rddreg [dreg:$0x6];
	[sflag:s19] =	ssyncadd.s32 $0xFFFFD800  }
0x31: {  	[spmem:s29] =	stream.linear.scatter [tilespmem:s18], [sflag:$0x9], $0x2800, $0x38;
	v63 =	vld [tilespmem:$0x0]  }
0x32: {  	_ =	swait.ge [sflag:s19], $0x2800  }
0x33: {  	[sflag:s19] =	ssyncset.done $0x0  }
0x34: {  	s31 =	rddreg [dreg:$0x7];
	[sflag:s19] =	ssyncadd.s32 $0xFFFFD800  }
0x35: {  	[spmem:s31] =	stream.linear.scatter [tilespmem:s18], [sflag:$0x9], $0x2800, $0x38;
	v63 =	vld [tilespmem:$0x0]  }
0x36: {  	_ =	swait.ge [sflag:s19], $0x2800  }
0x37: {  	[sflag:s19] =	ssyncset.done $0x0  }
0x38: {  	s23 =	rddreg [dreg:$0x8];
	[sflag:s19] =	ssyncadd.s32 $0xFFFFD800  }
0x39: {  	[spmem:s23] =	stream.linear.scatter [tilespmem:s18], [sflag:$0x9], $0x2800, $0x38;
	v63 =	vld [tilespmem:$0x0]  }
0x3a: {  	_ =	swait.ge [sflag:s19], $0x2800  }
0x3b: {  	[sflag:s19] =	ssyncset.done $0x0  }
0x3c: {  	s25 =	rddreg [dreg:$0x9];
	[sflag:s19] =	ssyncadd.s32 $0xFFFFD800  }
0x3d: {  	[spmem:s25] =	stream.linear.scatter [tilespmem:s18], [sflag:$0x9], $0x2800, $0x38;
	v63 =	vld [tilespmem:$0x0]  }
0x3e: {  	_ =	swait.ge [sflag:s19], $0x2800  }
0x3f: {  	[sflag:s19] =	ssyncset.done $0x0  }
0x40: {  	s29 =	rddreg [dreg:$0xa];
	[sflag:s19] =	ssyncadd.s32 $0xFFFFD800  }
0x41: {  	[spmem:s29] =	stream.linear.scatter [tilespmem:s18], [sflag:$0x9], $0x2800, $0x38;
	v63 =	vld [tilespmem:$0x0]  }
0x42: {  	_ =	swait.ge [sflag:s19], $0x2800  }
0x43: {  	[sflag:s19] =	ssyncset.done $0x0  }
0x44: {  	s31 =	rddreg [dreg:$0xb];
	[sflag:s19] =	ssyncadd.s32 $0xFFFFD800  }
0x45: {  	[spmem:s31] =	stream.linear.scatter [tilespmem:s18], [sflag:$0x9], $0x2800, $0x38;
	v63 =	vld [tilespmem:$0x0]  }
0x46: {  	_ =	swait.ge [sflag:s19], $0x2800  }
0x47: {  	[sflag:s19] =	ssyncset.done $0x0  }
0x48: {  	[sflag:s19] =	ssyncadd.s32 $0xFFFFD800  }
0x49: {  	s23 =	simm.s32 $0x0;
	s25 =	simm.s32 $0x0;
	[bflag:$0x0] =	sbarrier.arrive $0xFFFF  }
.LBB2_4:
0x4a: {  	s0 =	smul.u32 $0x7D0, s25;
	_ =	sdelay $0x1  }
0x4b: {  	s0 =	sadd.s32 s8, s0  }
0x4c: {  	s0 =	sshrl.u32 s0, $0x3  }
0x4d: {  	s29 =	sadd.s32 s5, s0  }
0x4e: {  	[tilespmem:s23], [sflag:$0x9] =	stream.linear.gather [hbm4b:s29+s23], $0x7D0, $0x38;
	v63 =	vld [tilespmem:$0x0]  }
0x4f: {  	_ =	swait.ge [sflag:s19], $0x7D0  }
0x50: {  	[sflag:s19] =	ssyncset.done $0x0  }
0x51: {  	s0 =	sadd.s32 s6, s0;
	s29 =	simm.s32 $0x800;
	[sflag:s19] =	ssyncadd.s32 $0xFFFFF830  }
0x52: {  	[tilespmem:s29], [sflag:$0x9] =	stream.linear.gather [hbm4b:s0+s23], $0x7D0, $0x38;
	v63 =	vld [tilespmem:$0x0]  }
0x53: {  	_ =	swait.ge [sflag:s19], $0x7D0  }
0x54: {  	[sflag:s19] =	ssyncset.done $0x0  }
0x55: {  	s0 =	simm.s32 $0x0;
	[sflag:s19] =	ssyncadd.s32 $0xFFFFF830  }
0x56: {  	v1 =	vld [tilespmem:s0+$0x800];
	_ =	sdelay $0x3  }
0x57: {  	s29 =	simm.s32 $0x1020  }
0x58: {  	[tilespmem:s29+$0xFFFFFFE0] =	vst v1  }
0x59: {  	v1 =	vld [tilespmem:s0+$0x810];
	_ =	sdelay $0x4  }
0x5a: {  	[tilespmem:s29+$0xFFFFFFF0] =	vst v1  }
0x5b: {  	v1 =	vld [tilespmem:s0+$0x820];
	_ =	sdelay $0x4  }
0x5c: {  	[tilespmem:s29+$0x0] =	vst v1  }
0x5d: {  	v1 =	vld [tilespmem:s0+$0x830];
	_ =	sdelay $0x4  }
0x5e: {  	[tilespmem:s29+$0x10] =	vst v1  }
0x5f: {  	v1 =	vld [tilespmem:s0+$0x840];
	_ =	sdelay $0x4  }
0x60: {  	s31 =	simm.s32 $0x50;
	s0 =	simm.s32 $0x280;
	[tilespmem:s29+$0x20] =	vst v1  }
.LBB2_5:
0x61: {  	p0 =	sne.s32 s0, $0x1E00;
	v1 =	vld [tilespmem:s31+$0x800];
	_ =	sdelay $0x3  }
0x62: {  	s29 =	sadd.s32 $0x80, s29  }
0x63: {  	[tilespmem:s29+$0xFFFFFFE0] =	vst v1  }
0x64: {  	v1 =	vld [tilespmem:s31+$0x810];
	_ =	sdelay $0x4  }
0x65: {  	[tilespmem:s29+$0xFFFFFFF0] =	vst v1  }
0x66: {  	v1 =	vld [tilespmem:s31+$0x820];
	_ =	sdelay $0x4  }
0x67: {  	[tilespmem:s29+$0x0] =	vst v1  }
0x68: {  	v1 =	vld [tilespmem:s31+$0x830];
	_ =	sdelay $0x4  }
0x69: {  	[tilespmem:s29+$0x10] =	vst v1  }
0x6a: {  	v1 =	vld [tilespmem:s31+$0x840]  }
.Ltmp1:
0x6b: {  	(pc) =	sbr.rel @p0 .LBB2_5-.Ltmp1, $2  }
0x6c: {  	_ =	sdelay $0x2  }
0x6d: {  	s31 =	sshra.s32 s0, $0x2;
	s0 =	sadd.s32 $0x140, s0;
	[tilespmem:s29+$0x20] =	vst v1  }
0x6e: {  	v1 =	vld [tilespmem:s31+$0x800];
	_ =	sdelay $0x3  }
0x6f: {  	s0 =	sadd.s32 $0x80, s29  }
0x70: {  	[tilespmem:s0+$0xFFFFFFE0] =	vst v1  }
0x71: {  	v1 =	vld [tilespmem:s31+$0x810];
	_ =	sdelay $0x4  }
0x72: {  	[tilespmem:s0+$0xFFFFFFF0] =	vst v1  }
0x73: {  	v1 =	vld [tilespmem:s31+$0x820];
	_ =	sdelay $0x4  }
0x74: {  	[tilespmem:s0+$0x0] =	vst v1  }
0x75: {  	v1 =	vld [tilespmem:s31+$0x830];
	_ =	sdelay $0x4  }
0x76: {  	[tilespmem:s0+$0x10] =	vst v1  }
0x77: {  	v1 =	vld [tilespmem:s31+$0x840];
	_ =	sdelay $0x4  }
0x78: {  	s29 =	simm.s32 $0x0;
	[tilespmem:s0+$0x20] =	vst v1  }
0x79: {  	[tilespmem:s18], [sflag:$0x1] =	stream.indirect.gather [hbm4b:s1+s21], $0x80, s29, s21, $0xb8;
	v63 =	vld [tilespmem:$0x0]  }
0x7a: {  	_ = 	snop  }
0x7b: {  	[tilespmem:s22], [sflag:$0x2] =	stream.indirect.gather [hbm4b:s1+s21], $0x80, s21, s21, $0xb8;
	v63 =	vld [tilespmem:$0x0]  }
0x7c: {  	s31 =	simm.s32 $0xA0  }
0x7d: {  	[tilespmem:s24], [sflag:$0x3] =	stream.indirect.gather [hbm4b:s1+s21], $0x80, s31, s21, $0xb8;
	v63 =	vld [tilespmem:$0x0]  }
0x7e: {  	s29 =	simm.s32 $0xF0  }
0x7f: {  	[tilespmem:s26], [sflag:$0x4] =	stream.indirect.gather [hbm4b:s1+s21], $0x80, s29, s21, $0xb8;
	v63 =	vld [tilespmem:$0x0]  }
0x80: {  	_ =	swait.ge [sflag:s28], $0x2800  }
0x81: {  	[sflag:s28] =	ssyncset.done $0x0  }
0x82: {  	s31 =	simm.s32 $0x1000;
	[sflag:s28] =	ssyncadd.s32 $0xFFFFD800  }
0x83: {  	[spmem:s3] =	stream.indirect.scatter.add.f32 [tilespmem:s18], [sflag:$0x5], $0x80, s31, s21, $0xb8;
	v63 =	vld [tilespmem:$0x0]  }
0x84: {  	_ =	swait.ge [sflag:s30], $0x2800  }
0x85: {  	[sflag:s30] =	ssyncset.done $0x0  }
0x86: {  	s29 =	simm.s32 $0x1080;
	[sflag:s30] =	ssyncadd.s32 $0xFFFFD800  }
0x87: {  	[spmem:s3] =	stream.indirect.scatter.add.f32 [tilespmem:s22], [sflag:$0x6], $0x80, s29, s21, $0xb8;
	v63 =	vld [tilespmem:$0x0]  }
0x88: {  	_ =	swait.ge [sflag:s2], $0x2800  }
0x89: {  	[sflag:s2] =	ssyncset.done $0x0  }
0x8a: {  	s31 =	simm.s32 $0x1100;
	[sflag:s2] =	ssyncadd.s32 $0xFFFFD800  }
0x8b: {  	[spmem:s3] =	stream.indirect.scatter.add.f32 [tilespmem:s24], [sflag:$0x7], $0x80, s31, s21, $0xb8;
	v63 =	vld [tilespmem:$0x0]  }
0x8c: {  	_ =	swait.ge [sflag:s9], $0x2800  }
0x8d: {  	[sflag:s9] =	ssyncset.done $0x0  }
0x8e: {  	s29 =	simm.s32 $0x1180;
	[sflag:s9] =	ssyncadd.s32 $0xFFFFD800  }
0x8f: {  	[spmem:s3] =	stream.indirect.scatter.add.f32 [tilespmem:s26], [sflag:$0x8], $0x80, s29, s21, $0xb8;
	v63 =	vld [tilespmem:$0x0]  }
0x90: {  	_ =	swait.ge [sflag:s11], $0x2800  }
0x91: {  	[sflag:s11] =	ssyncset.done $0x0  }
0x92: {  	s31 =	simm.s32 $0x140;
	[sflag:s11] =	ssyncadd.s32 $0xFFFFD800  }
0x93: {  	[tilespmem:s18], [sflag:$0x1] =	stream.indirect.gather [hbm4b:s1+s21], $0x80, s31, s21, $0xb8;
	v63 =	vld [tilespmem:$0x0]  }
0x94: {  	_ =	swait.ge [sflag:s13], $0x2800  }
0x95: {  	[sflag:s13] =	ssyncset.done $0x0  }
0x96: {  	s29 =	simm.s32 $0x190;
	[sflag:s13] =	ssyncadd.s32 $0xFFFFD800  }
0x97: {  	[tilespmem:s22], [sflag:$0x2] =	stream.indirect.gather [hbm4b:s1+s21], $0x80, s29, s21, $0xb8;
	v63 =	vld [tilespmem:$0x0]  }
0x98: {  	_ =	swait.ge [sflag:s15], $0x2800  }
0x99: {  	[sflag:s15] =	ssyncset.done $0x0  }
0x9a: {  	s31 =	simm.s32 $0x1E0;
	[sflag:s15] =	ssyncadd.s32 $0xFFFFD800  }
0x9b: {  	[tilespmem:s24], [sflag:$0x3] =	stream.indirect.gather [hbm4b:s1+s21], $0x80, s31, s21, $0xb8;
	v63 =	vld [tilespmem:$0x0]  }
0x9c: {  	_ =	swait.ge [sflag:s17], $0x2800  }
0x9d: {  	[sflag:s17] =	ssyncset.done $0x0  }
0x9e: {  	s29 =	simm.s32 $0x230;
	[sflag:s17] =	ssyncadd.s32 $0xFFFFD800  }
0x9f: {  	[tilespmem:s26], [sflag:$0x4] =	stream.indirect.gather [hbm4b:s1+s21], $0x80, s29, s21, $0xb8;
	v63 =	vld [tilespmem:$0x0]  }
0xa0: {  	_ =	swait.ge [sflag:s28], $0x2800  }
0xa1: {  	[sflag:s28] =	ssyncset.done $0x0  }
0xa2: {  	s31 =	simm.s32 $0x1200;
	[sflag:s28] =	ssyncadd.s32 $0xFFFFD800  }
0xa3: {  	[spmem:s3] =	stream.indirect.scatter.add.f32 [tilespmem:s18], [sflag:$0x5], $0x80, s31, s21, $0xb8;
	v63 =	vld [tilespmem:$0x0]  }
0xa4: {  	_ =	swait.ge [sflag:s30], $0x2800  }
0xa5: {  	[sflag:s30] =	ssyncset.done $0x0  }
0xa6: {  	s29 =	simm.s32 $0x1280;
	[sflag:s30] =	ssyncadd.s32 $0xFFFFD800  }
0xa7: {  	[spmem:s3] =	stream.indirect.scatter.add.f32 [tilespmem:s22], [sflag:$0x6], $0x80, s29, s21, $0xb8;
	v63 =	vld [tilespmem:$0x0]  }
0xa8: {  	_ =	swait.ge [sflag:s2], $0x2800  }
0xa9: {  	[sflag:s2] =	ssyncset.done $0x0  }
0xaa: {  	s31 =	simm.s32 $0x1300;
	[sflag:s2] =	ssyncadd.s32 $0xFFFFD800  }
0xab: {  	[spmem:s3] =	stream.indirect.scatter.add.f32 [tilespmem:s24], [sflag:$0x7], $0x80, s31, s21, $0xb8;
	v63 =	vld [tilespmem:$0x0]  }
0xac: {  	_ =	swait.ge [sflag:s9], $0x2800  }
0xad: {  	[sflag:s9] =	ssyncset.done $0x0  }
0xae: {  	s29 =	simm.s32 $0x1380;
	[sflag:s9] =	ssyncadd.s32 $0xFFFFD800  }
0xaf: {  	[spmem:s3] =	stream.indirect.scatter.add.f32 [tilespmem:s26], [sflag:$0x8], $0x80, s29, s21, $0xb8;
	v63 =	vld [tilespmem:$0x0]  }
0xb0: {  	_ =	swait.ge [sflag:s11], $0x2800  }
0xb1: {  	[sflag:s11] =	ssyncset.done $0x0  }
0xb2: {  	s31 =	simm.s32 $0x280;
	[sflag:s11] =	ssyncadd.s32 $0xFFFFD800  }
0xb3: {  	[tilespmem:s18], [sflag:$0x1] =	stream.indirect.gather [hbm4b:s1+s21], $0x80, s31, s21, $0xb8;
	v63 =	vld [tilespmem:$0x0]  }
0xb4: {  	_ =	swait.ge [sflag:s13], $0x2800  }
0xb5: {  	[sflag:s13] =	ssyncset.done $0x0  }
0xb6: {  	s29 =	simm.s32 $0x2D0;
	[sflag:s13] =	ssyncadd.s32 $0xFFFFD800  }
0xb7: {  	[tilespmem:s22], [sflag:$0x2] =	stream.indirect.gather [hbm4b:s1+s21], $0x80, s29, s21, $0xb8;
	v63 =	vld [tilespmem:$0x0]  }
0xb8: {  	_ =	swait.ge [sflag:s15], $0x2800  }
0xb9: {  	[sflag:s15] =	ssyncset.done $0x0  }
0xba: {  	s31 =	simm.s32 $0x320;
	[sflag:s15] =	ssyncadd.s32 $0xFFFFD800  }
0xbb: {  	[tilespmem:s24], [sflag:$0x3] =	stream.indirect.gather [hbm4b:s1+s21], $0x80, s31, s21, $0xb8;
	v63 =	vld [tilespmem:$0x0]  }
0xbc: {  	_ =	swait.ge [sflag:s17], $0x2800  }
0xbd: {  	[sflag:s17] =	ssyncset.done $0x0  }
0xbe: {  	s29 =	simm.s32 $0x370;
	[sflag:s17] =	ssyncadd.s32 $0xFFFFD800  }
0xbf: {  	[tilespmem:s26], [sflag:$0x4] =	stream.indirect.gather [hbm4b:s1+s21], $0x80, s29, s21, $0xb8;
	v63 =	vld [tilespmem:$0x0]  }
0xc0: {  	_ =	swait.ge [sflag:s28], $0x2800  }
0xc1: {  	[sflag:s28] =	ssyncset.done $0x0  }
0xc2: {  	s31 =	simm.s32 $0x1400;
	[sflag:s28] =	ssyncadd.s32 $0xFFFFD800  }
0xc3: {  	[spmem:s3] =	stream.indirect.scatter.add.f32 [tilespmem:s18], [sflag:$0x5], $0x80, s31, s21, $0xb8;
	v63 =	vld [tilespmem:$0x0]  }
0xc4: {  	_ =	swait.ge [sflag:s30], $0x2800  }
0xc5: {  	[sflag:s30] =	ssyncset.done $0x0  }
0xc6: {  	s29 =	simm.s32 $0x1480;
	[sflag:s30] =	ssyncadd.s32 $0xFFFFD800  }
0xc7: {  	[spmem:s3] =	stream.indirect.scatter.add.f32 [tilespmem:s22], [sflag:$0x6], $0x80, s29, s21, $0xb8;
	v63 =	vld [tilespmem:$0x0]  }
0xc8: {  	_ =	swait.ge [sflag:s2], $0x2800  }
0xc9: {  	[sflag:s2] =	ssyncset.done $0x0  }
0xca: {  	s31 =	simm.s32 $0x1500;
	[sflag:s2] =	ssyncadd.s32 $0xFFFFD800  }
0xcb: {  	[spmem:s3] =	stream.indirect.scatter.add.f32 [tilespmem:s24], [sflag:$0x7], $0x80, s31, s21, $0xb8;
	v63 =	vld [tilespmem:$0x0]  }
0xcc: {  	_ =	swait.ge [sflag:s9], $0x2800  }
0xcd: {  	[sflag:s9] =	ssyncset.done $0x0  }
0xce: {  	s29 =	simm.s32 $0x1580;
	[sflag:s9] =	ssyncadd.s32 $0xFFFFD800  }
0xcf: {  	[spmem:s3] =	stream.indirect.scatter.add.f32 [tilespmem:s26], [sflag:$0x8], $0x80, s29, s21, $0xb8;
	v63 =	vld [tilespmem:$0x0]  }
0xd0: {  	_ =	swait.ge [sflag:s11], $0x2800  }
0xd1: {  	[sflag:s11] =	ssyncset.done $0x0  }
0xd2: {  	s31 =	simm.s32 $0x3C0;
	[sflag:s11] =	ssyncadd.s32 $0xFFFFD800  }
0xd3: {  	[tilespmem:s18], [sflag:$0x1] =	stream.indirect.gather [hbm4b:s1+s21], $0x80, s31, s21, $0xb8;
	v63 =	vld [tilespmem:$0x0]  }
0xd4: {  	_ =	swait.ge [sflag:s13], $0x2800  }
0xd5: {  	[sflag:s13] =	ssyncset.done $0x0  }
0xd6: {  	s29 =	simm.s32 $0x410;
	[sflag:s13] =	ssyncadd.s32 $0xFFFFD800  }
0xd7: {  	[tilespmem:s22], [sflag:$0x2] =	stream.indirect.gather [hbm4b:s1+s21], $0x80, s29, s21, $0xb8;
	v63 =	vld [tilespmem:$0x0]  }
0xd8: {  	_ =	swait.ge [sflag:s15], $0x2800  }
0xd9: {  	[sflag:s15] =	ssyncset.done $0x0  }
0xda: {  	s31 =	simm.s32 $0x460;
	[sflag:s15] =	ssyncadd.s32 $0xFFFFD800  }
0xdb: {  	[tilespmem:s24], [sflag:$0x3] =	stream.indirect.gather [hbm4b:s1+s21], $0x80, s31, s21, $0xb8;
	v63 =	vld [tilespmem:$0x0]  }
0xdc: {  	_ =	swait.ge [sflag:s17], $0x2800  }
0xdd: {  	[sflag:s17] =	ssyncset.done $0x0  }
0xde: {  	s29 =	simm.s32 $0x4B0;
	[sflag:s17] =	ssyncadd.s32 $0xFFFFD800  }
0xdf: {  	[tilespmem:s26], [sflag:$0x4] =	stream.indirect.gather [hbm4b:s1+s21], $0x80, s29, s21, $0xb8;
	v63 =	vld [tilespmem:$0x0]  }
0xe0: {  	_ =	swait.ge [sflag:s28], $0x2800  }
0xe1: {  	[sflag:s28] =	ssyncset.done $0x0  }
0xe2: {  	s31 =	simm.s32 $0x1600;
	[sflag:s28] =	ssyncadd.s32 $0xFFFFD800  }
0xe3: {  	[spmem:s3] =	stream.indirect.scatter.add.f32 [tilespmem:s18], [sflag:$0x5], $0x80, s31, s21, $0xb8;
	v63 =	vld [tilespmem:$0x0]  }
0xe4: {  	_ =	swait.ge [sflag:s30], $0x2800  }
0xe5: {  	[sflag:s30] =	ssyncset.done $0x0  }
0xe6: {  	s29 =	simm.s32 $0x1680;
	[sflag:s30] =	ssyncadd.s32 $0xFFFFD800  }
0xe7: {  	[spmem:s3] =	stream.indirect.scatter.add.f32 [tilespmem:s22], [sflag:$0x6], $0x80, s29, s21, $0xb8;
	v63 =	vld [tilespmem:$0x0]  }
0xe8: {  	_ =	swait.ge [sflag:s2], $0x2800  }
0xe9: {  	[sflag:s2] =	ssyncset.done $0x0  }
0xea: {  	s31 =	simm.s32 $0x1700;
	[sflag:s2] =	ssyncadd.s32 $0xFFFFD800  }
0xeb: {  	[spmem:s3] =	stream.indirect.scatter.add.f32 [tilespmem:s24], [sflag:$0x7], $0x80, s31, s21, $0xb8;
	v63 =	vld [tilespmem:$0x0]  }
0xec: {  	_ =	swait.ge [sflag:s9], $0x2800  }
0xed: {  	[sflag:s9] =	ssyncset.done $0x0  }
0xee: {  	s29 =	simm.s32 $0x1780;
	[sflag:s9] =	ssyncadd.s32 $0xFFFFD800  }
0xef: {  	[spmem:s3] =	stream.indirect.scatter.add.f32 [tilespmem:s26], [sflag:$0x8], $0x80, s29, s21, $0xb8;
	v63 =	vld [tilespmem:$0x0]  }
0xf0: {  	_ =	swait.ge [sflag:s11], $0x2800  }
0xf1: {  	[sflag:s11] =	ssyncset.done $0x0  }
0xf2: {  	s31 =	simm.s32 $0x500;
	[sflag:s11] =	ssyncadd.s32 $0xFFFFD800  }
0xf3: {  	[tilespmem:s18], [sflag:$0x1] =	stream.indirect.gather [hbm4b:s1+s21], $0x80, s31, s21, $0xb8;
	v63 =	vld [tilespmem:$0x0]  }
0xf4: {  	_ =	swait.ge [sflag:s13], $0x2800  }
0xf5: {  	[sflag:s13] =	ssyncset.done $0x0  }
0xf6: {  	s29 =	simm.s32 $0x550;
	[sflag:s13] =	ssyncadd.s32 $0xFFFFD800  }
0xf7: {  	[tilespmem:s22], [sflag:$0x2] =	stream.indirect.gather [hbm4b:s1+s21], $0x80, s29, s21, $0xb8;
	v63 =	vld [tilespmem:$0x0]  }
0xf8: {  	_ =	swait.ge [sflag:s15], $0x2800  }
0xf9: {  	[sflag:s15] =	ssyncset.done $0x0  }
0xfa: {  	s31 =	simm.s32 $0x5A0;
	[sflag:s15] =	ssyncadd.s32 $0xFFFFD800  }
0xfb: {  	[tilespmem:s24], [sflag:$0x3] =	stream.indirect.gather [hbm4b:s1+s21], $0x80, s31, s21, $0xb8;
	v63 =	vld [tilespmem:$0x0]  }
0xfc: {  	_ =	swait.ge [sflag:s17], $0x2800  }
0xfd: {  	[sflag:s17] =	ssyncset.done $0x0  }
0xfe: {  	s29 =	simm.s32 $0x5F0;
	[sflag:s17] =	ssyncadd.s32 $0xFFFFD800  }
0xff: {  	[tilespmem:s26], [sflag:$0x4] =	stream.indirect.gather [hbm4b:s1+s21], $0x80, s29, s21, $0xb8;
	v63 =	vld [tilespmem:$0x0]  }
0x100: {  	_ =	swait.ge [sflag:s28], $0x2800  }
0x101: {  	[sflag:s28] =	ssyncset.done $0x0  }
0x102: {  	s31 =	simm.s32 $0x1800;
	[sflag:s28] =	ssyncadd.s32 $0xFFFFD800  }
0x103: {  	[spmem:s3] =	stream.indirect.scatter.add.f32 [tilespmem:s18], [sflag:$0x5], $0x80, s31, s21, $0xb8;
	v63 =	vld [tilespmem:$0x0]  }
0x104: {  	_ =	swait.ge [sflag:s30], $0x2800  }
0x105: {  	[sflag:s30] =	ssyncset.done $0x0  }
0x106: {  	s29 =	simm.s32 $0x1880;
	[sflag:s30] =	ssyncadd.s32 $0xFFFFD800  }
0x107: {  	[spmem:s3] =	stream.indirect.scatter.add.f32 [tilespmem:s22], [sflag:$0x6], $0x80, s29, s21, $0xb8;
	v63 =	vld [tilespmem:$0x0]  }
0x108: {  	_ =	swait.ge [sflag:s2], $0x2800  }
0x109: {  	[sflag:s2] =	ssyncset.done $0x0  }
0x10a: {  	s31 =	simm.s32 $0x1900;
	[sflag:s2] =	ssyncadd.s32 $0xFFFFD800  }
0x10b: {  	[spmem:s3] =	stream.indirect.scatter.add.f32 [tilespmem:s24], [sflag:$0x7], $0x80, s31, s21, $0xb8;
	v63 =	vld [tilespmem:$0x0]  }
0x10c: {  	_ =	swait.ge [sflag:s9], $0x2800  }
0x10d: {  	[sflag:s9] =	ssyncset.done $0x0  }
0x10e: {  	s29 =	simm.s32 $0x1980;
	[sflag:s9] =	ssyncadd.s32 $0xFFFFD800  }
0x10f: {  	[spmem:s3] =	stream.indirect.scatter.add.f32 [tilespmem:s26], [sflag:$0x8], $0x80, s29, s21, $0xb8;
	v63 =	vld [tilespmem:$0x0]  }
0x110: {  	_ =	swait.ge [sflag:s11], $0x2800  }
0x111: {  	[sflag:s11] =	ssyncset.done $0x0  }
0x112: {  	s31 =	simm.s32 $0x640;
	[sflag:s11] =	ssyncadd.s32 $0xFFFFD800  }
0x113: {  	[tilespmem:s18], [sflag:$0x1] =	stream.indirect.gather [hbm4b:s1+s21], $0x80, s31, s21, $0xb8;
	v63 =	vld [tilespmem:$0x0]  }
0x114: {  	_ =	swait.ge [sflag:s13], $0x2800  }
0x115: {  	[sflag:s13] =	ssyncset.done $0x0  }
0x116: {  	s29 =	simm.s32 $0x690;
	[sflag:s13] =	ssyncadd.s32 $0xFFFFD800  }
0x117: {  	[tilespmem:s22], [sflag:$0x2] =	stream.indirect.gather [hbm4b:s1+s21], $0x80, s29, s21, $0xb8;
	v63 =	vld [tilespmem:$0x0]  }
0x118: {  	_ =	swait.ge [sflag:s15], $0x2800  }
0x119: {  	[sflag:s15] =	ssyncset.done $0x0  }
0x11a: {  	s31 =	simm.s32 $0x6E0;
	[sflag:s15] =	ssyncadd.s32 $0xFFFFD800  }
0x11b: {  	[tilespmem:s24], [sflag:$0x3] =	stream.indirect.gather [hbm4b:s1+s21], $0x80, s31, s21, $0xb8;
	v63 =	vld [tilespmem:$0x0]  }
0x11c: {  	_ =	swait.ge [sflag:s17], $0x2800  }
0x11d: {  	[sflag:s17] =	ssyncset.done $0x0  }
0x11e: {  	[sflag:s17] =	ssyncadd.s32 $0xFFFFD800  }
0x11f: {  	[tilespmem:s26], [sflag:$0x4] =	stream.indirect.gather [hbm4b:s1+s21], $0x80, s10, s21, $0xb8;
	v63 =	vld [tilespmem:$0x0]  }
0x120: {  	_ =	swait.ge [sflag:s28], $0x2800  }
0x121: {  	[sflag:s28] =	ssyncset.done $0x0  }
0x122: {  	[sflag:s28] =	ssyncadd.s32 $0xFFFFD800  }
0x123: {  	[spmem:s3] =	stream.indirect.scatter.add.f32 [tilespmem:s18], [sflag:$0x5], $0x80, s12, s21, $0xb8;
	v63 =	vld [tilespmem:$0x0]  }
0x124: {  	_ =	swait.ge [sflag:s30], $0x2800  }
0x125: {  	[sflag:s30] =	ssyncset.done $0x0  }
0x126: {  	[sflag:s30] =	ssyncadd.s32 $0xFFFFD800  }
0x127: {  	[spmem:s3] =	stream.indirect.scatter.add.f32 [tilespmem:s22], [sflag:$0x6], $0x80, s14, s21, $0xb8;
	v63 =	vld [tilespmem:$0x0]  }
0x128: {  	_ =	swait.ge [sflag:s2], $0x2800  }
0x129: {  	[sflag:s2] =	ssyncset.done $0x0  }
0x12a: {  	[sflag:s2] =	ssyncadd.s32 $0xFFFFD800  }
0x12b: {  	[spmem:s3] =	stream.indirect.scatter.add.f32 [tilespmem:s24], [sflag:$0x7], $0x80, s16, s21, $0xb8;
	v63 =	vld [tilespmem:$0x0]  }
0x12c: {  	_ =	swait.ge [sflag:s9], $0x2800  }
0x12d: {  	[sflag:s9] =	ssyncset.done $0x0  }
0x12e: {  	[sflag:s9] =	ssyncadd.s32 $0xFFFFD800  }
0x12f: {  	[spmem:s3] =	stream.indirect.scatter.add.f32 [tilespmem:s26], [sflag:$0x8], $0x80, s7, s21, $0xb8;
	v63 =	vld [tilespmem:$0x0]  }
0x130: {  	_ =	swait.ge [sflag:s11], $0x2800  }
0x131: {  	[sflag:s11] =	ssyncset.done $0x0  }
0x132: {  	[sflag:s11] =	ssyncadd.s32 $0xFFFFD800  }
0x133: {  	[tilespmem:s18], [sflag:$0x1] =	stream.indirect.gather [hbm4b:s1+s21], $0x80, s4, s21, $0xb8;
	v63 =	vld [tilespmem:$0x0]  }
0x134: {  	_ =	swait.ge [sflag:s13], $0x2800  }
0x135: {  	[sflag:s13] =	ssyncset.done $0x0  }
0x136: {  	[sflag:s13] =	ssyncadd.s32 $0xFFFFD800  }
0x137: {  	_ =	swait.ge [sflag:s15], $0x2800  }
0x138: {  	[sflag:s15] =	ssyncset.done $0x0  }
0x139: {  	[sflag:s15] =	ssyncadd.s32 $0xFFFFD800  }
0x13a: {  	_ =	swait.ge [sflag:s17], $0x2800  }
0x13b: {  	[sflag:s17] =	ssyncset.done $0x0  }
0x13c: {  	[sflag:s17] =	ssyncadd.s32 $0xFFFFD800  }
0x13d: {  	s25 =	sadd.s32 $0x1, s25;
	_ =	swait.ge [sflag:s28], $0x2800  }
0x13e: {  	p0 =	sne.s32 s25, $0x5;
	[sflag:s28] =	ssyncset.done $0x0  }
.Ltmp2:
0x13f: {  	[sflag:s28] =	ssyncadd.s32 $0xFFFFD800;
	(pc) =	sbr.rel @p0 .LBB2_4-.Ltmp2, $4  }
0x140: {  	[spmem:s3] =	stream.indirect.scatter.add.f32 [tilespmem:s18], [sflag:$0x5], $0x80, s20, s21, $0xb8;
	v63 =	vld [tilespmem:$0x0]  }
0x141: {  	_ =	swait.ge [sflag:s11], $0x2800  }
0x142: {  	[sflag:s11] =	ssyncset.done $0x0  }
0x143: {  	[sflag:s11] =	ssyncadd.s32 $0xFFFFD800  }
0x144: {  	s0 =	stileid.u32;
	[bflag:$0x0] =	sbarrier.arrive $0xFFFF  }
0x145: {  	s0 =	sshll.u32 s0, $0x6;
	s25 =	rddreg [dreg:$0x4]  }
0x146: {  	s29 =	rddreg [dreg:$0xc];
	s0 =	sor.u32 $0x1C09, s0;
	s23 =	sshrl.u32 s25, $0x3  }
0x147: {  	[hbm:s29], [sflag:s0] =	dma.local [spmem:s23], $0x2800  }
0x148: {  	_ =	swait.ge [sflag:s19], $0x2800  }
0x149: {  	s29 =	rddreg [dreg:$0xe]  }
0x14a: {  	s31 =	rddreg [dreg:$0xd];
	s23 =	sadd.s32 $0x1, s29  }
0x14b: {  	p0 =	sne.s32 s23, s31  }
.Ltmp3:
0x14c: {  	_ = 	snop;
	(pc) =	sbr.rel @p0 .LBB2_1-.Ltmp3, $3  }
0x14d: {  	_ =	sdelay $0x1  }
0x14e: {  	[sflag:s19] =	ssyncset.done $0x0  }
0x14f: {  	[sflag:s19] =	ssyncadd.s32 $0xFFFFD800  }
0x150: {  	_ =	sfence.sel $0x180000  }
0x151: {  	[bflag:$0x0] =	sbarrier.arrive $0xFFFF  }
0x152: {  	_ =	strace $0x9000004D  }
0x153: {  	s0 =	stileid.u32;
	[bflag:$0x2] =	sbarrier.arrive $0xFFFF  }
0x154: {  	p0 =	sne.s32 s0, $0x0;
	s0 =	rddreg [dreg:$0x3]  }
0x155: {  	s0 =	sadd.s32 @!p0 $0x100000, s0  }
0x156: {  	[sflag:s0] =	ssyncadd.tile.s32 @!p0 $0x1;
	_ =	shalt  }
.Lfunc_end2:
_tile_overlayer_lowered:
.L_overlay_start_2:
0x157: {  	(tag) =	ssettag $0x2  }
0x158: {  	s0 =	rddreg [dreg:$0x0];
	s2 =	stileid.u32  }
0x159: {  	s1 =	rddreg [dreg:$0x1];
	p0 =	sne.s32 s2, $0x0  }
0x15a: {  	s3 =	rddreg [dreg:$0x2];
	[bflag:$0x3] =	sbarrier.arrive $0xFFFF;
	s2 =	simm.s32 @!p0 $0x1C09  }
0x15b: {  	[timem:s3], [sflag:s2] =	dma.local @!p0 [hbm:s0], s1  }
0x15c: {  	s0 =	simm.s32 @!p0 $0x9  }
0x15d: {  	_ =	swait.ge @!p0 [sflag:s0], s1  }
0x15e: {  	s1 =	ssub.s32 @!p0 $0x0, s1;
	[sflag:s0] =	ssyncset.done @!p0 $0x0  }
0x15f: {  	[sflag:s0] =	ssyncadd.s32 @!p0 s1  }
0x160: {  	[bflag:$0x3] =	sbarrier.arrive $0xFFFF  }
0x161: {  	_ =	shalt  }

// kernel: kernel.9.cloned.1.call-start
scs
__scs_entry_jumppad:
0x0: {  	(pc) =	sbr.rel $0x88, $3  }
0x1: {  	(tag) =	ssettag $0x0;
	lr =	simm.s32 $0x1  }
0x2: {  	[smem:$0x3F9E] =	sst lr;
	_ =	strace $0xD0000000  }
0x3: {  	_ = 	snop  }
0x4: {  	_ = 	snop  }
0x5: {  	_ = 	snop  }
0x6: {  	_ = 	snop  }
0x7: {  	_ = 	snop  }
__scs_overlays_trampoline_lowered:
0x8: {  	[smem:$0x3FAD] =	sst s0  }
0x9: {  	[smem:$0x3FAE] =	sst s1  }
0xa: {  	[smem:$0x3FAF] =	sst s2  }
0xb: {  	[smem:$0x3FB0] =	sst s3  }
0xc: {  	[smem:$0x3FB1] =	sst s4  }
0xd: {  	[smem:$0x3FB2] =	sst s5  }
0xe: {  	[smem:$0x3FB3] =	sst s6  }
0xf: {  	[smem:$0x3FB4] =	sst s7  }
0x10: {  	[smem:$0x3FB5] =	sst s8  }
0x11: {  	[smem:$0x3FB6] =	sst s9;
	s0 =	simm.s32 @!p0 $0x0  }
0x12: {  	s1 =	sld [smem:$0x3F9C];
	s0 =	simm.s32 @p0 $0x1  }
0x13: {  	[smem:$0x3FB7] =	sst s0;
	s0 =	simm.s32 @!p1 $0x0  }
0x14: {  	s2 =	sld [smem:$0x3F9B];
	s0 =	simm.s32 @p1 $0x1  }
0x15: {  	[smem:$0x3FB8] =	sst s0;
	s0 =	simm.s32 @!p2 $0x0  }
0x16: {  	s3 =	sld [smem:$0x3FDB];
	s0 =	simm.s32 @p2 $0x1  }
0x17: {  	s4 =	simm.s32 $0x1BF5;
	[smem:$0x3FBA] =	sst s0  }
0x18: {  	s0 =	sld [smem:$0x3F9D];
	_ =	swait.ge [sflag:s4], $0x0  }
0x19: {  	s7 =	sld [smem:$0x3F9E]  }
0x1a: {  	s8 =	sadd.s32 $0xFFFFE003, lr  }
0x1b: {  	s9 =	sadd.s32 $0xFFFFFEF7, lr;
	s5 =	simm.s32 $0xFFFFFFFF;
	p2 =	slt.u32 s8, $0xFFFFF086  }
0x1c: {  	p1 =	slt.u32 s9, $0xF7A;
	s5 =	simm.s32 @!p2 $0x0  }
0x1d: {  	s5 =	simm.s32 @p1 $0x1;
	p0 =	seq.s32 s7, s2  }
0x1e: {  	s7 =	smul.u32 @!p0 $0xF7A, s2;
	p2 =	seq.s32 @!p0 s5, $0x0  }
0x1f: {  	s9 =	smul.u32 $0xF7A, s1;
	s8 =	simm.s32 @!p0 $0x1BF5;
	p2 =	por !p2, p0  }
0x20: {  	[sflag:s8] =	ssyncset.s32 @!p0 $0xFFFFF086;
	s6 =	sadd.s32 @!p0 s3, s7;
	s7 =	simm.s32 @!p0 $0x108  }
0x21: {  	s3 =	sadd.s32 s3, s9;
	s6 =	sadd.s32 @!p0 $0x88, s6;
	s7 =	simm.s32 @p2 $0x1082  }
0x22: {  	[simem:s7], [sflag:s8] =	dma.local @!p0 [hbm:s6], $0xF7A  }
0x23: {  	s9 =	sor.u32 $0xD0000000, s2;
	s6 =	simm.s32 $0x108;
	_ =	swait.ge @!p0 [sflag:s8], $0x0  }
0x24: {  	s3 =	sadd.s32 $0x88, s3;
	s6 =	simm.s32 @!p1 $0x1082;
	[sflag:s4] =	ssyncset.s32 $0xFFFFF086  }
0x25: {  	[simem:s6], [sflag:s4] =	dma.local [hbm:s3], $0xF7A  }
0x26: {  	[smem:$0x3F9E] =	sst s1;
	(tag) =	ssettag s2;
	_ =	strace s9  }
0x27: {  	s1 =	sld [smem:$0x3FAE]  }
0x28: {  	s2 =	sld [smem:$0x3FAF]  }
0x29: {  	s4 =	sld [smem:$0x3FB1]  }
0x2a: {  	p0 =	seq.s32 s5, $0x0;
	s5 =	sld [smem:$0x3FB2]  }
0x2b: {  	s6 =	sld [smem:$0x3FB3]  }
0x2c: {  	s7 =	sld [smem:$0x3FB4]  }
0x2d: {  	s3 =	simm.s32 $0x108;
	s8 =	sld [smem:$0x3FB5]  }
0x2e: {  	s3 =	simm.s32 @!p0 $0x1082;
	s9 =	sld [smem:$0x3FB6]  }
0x2f: {  	lr =	sadd.s32 s0, s3;
	s0 =	sld [smem:$0x3FAD]  }
0x30: {  	s3 =	sld [smem:$0x3FB0]  }
0x31: {  	[smem:$0x3FB9] =	sst s10  }
0x32: {  	s10 =	sld [smem:$0x3FB7];
	_ =	sdelay $0x3  }
0x33: {  	p0 =	seq.s32 s10, $0x1;
	s10 =	sld [smem:$0x3FB9];
	_ =	sdelay $0x3  }
0x34: {  	[smem:$0x3FB9] =	sst s10  }
0x35: {  	s10 =	sld [smem:$0x3FB8];
	_ =	sdelay $0x3  }
0x36: {  	p1 =	seq.s32 s10, $0x1;
	s10 =	sld [smem:$0x3FB9];
	_ =	sdelay $0x3  }
0x37: {  	[smem:$0x3FB9] =	sst s10  }
0x38: {  	s10 =	sld [smem:$0x3FBA]  }
0x39: {  	_ = 	snop;
	(pc) =	sbr.ind lr, $3  }
0x3a: {  	_ = 	snop  }
0x3b: {  	_ = 	snop  }
0x3c: {  	p2 =	seq.s32 s10, $0x1;
	s10 =	sld [smem:$0x3FB9]  }
0x3d: {  	_ =	shalt  }
0x3e: {  	_ =	shalt  }
0x3f: {  	_ =	shalt  }
0x40: {  	_ =	shalt  }
0x41: {  	_ =	shalt  }
0x42: {  	_ =	shalt  }
0x43: {  	_ =	shalt  }
0x44: {  	_ =	shalt  }
0x45: {  	_ =	shalt  }
0x46: {  	_ =	shalt  }
0x47: {  	_ =	shalt  }
0x48: {  	_ =	shalt  }
0x49: {  	_ =	shalt  }
0x4a: {  	_ =	shalt  }
0x4b: {  	_ =	shalt  }
0x4c: {  	_ =	shalt  }
0x4d: {  	_ =	shalt  }
0x4e: {  	_ =	shalt  }
0x4f: {  	_ =	shalt  }
0x50: {  	_ =	shalt  }
0x51: {  	_ =	shalt  }
0x52: {  	_ =	shalt  }
0x53: {  	_ =	shalt  }
0x54: {  	_ =	shalt  }
0x55: {  	_ =	shalt  }
0x56: {  	_ =	shalt  }
0x57: {  	_ =	shalt  }
0x58: {  	_ =	shalt  }
0x59: {  	_ =	shalt  }
0x5a: {  	_ =	shalt  }
0x5b: {  	_ =	shalt  }
0x5c: {  	_ =	shalt  }
0x5d: {  	_ =	shalt  }
0x5e: {  	_ =	shalt  }
0x5f: {  	_ =	shalt  }
0x60: {  	_ =	shalt  }
0x61: {  	_ =	shalt  }
0x62: {  	_ =	shalt  }
0x63: {  	_ =	shalt  }
0x64: {  	_ =	shalt  }
0x65: {  	_ =	shalt  }
0x66: {  	_ =	shalt  }
0x67: {  	_ =	shalt  }
0x68: {  	_ =	shalt  }
0x69: {  	_ =	shalt  }
0x6a: {  	_ =	shalt  }
0x6b: {  	_ =	shalt  }
0x6c: {  	_ =	shalt  }
0x6d: {  	_ =	shalt  }
0x6e: {  	_ =	shalt  }
0x6f: {  	_ =	shalt  }
0x70: {  	_ =	shalt  }
0x71: {  	_ =	shalt  }
0x72: {  	_ =	shalt  }
0x73: {  	_ =	shalt  }
0x74: {  	_ =	shalt  }
0x75: {  	_ =	shalt  }
0x76: {  	_ =	shalt  }
0x77: {  	_ =	shalt  }
0x78: {  	_ =	shalt  }
0x79: {  	_ =	shalt  }
0x7a: {  	_ =	shalt  }
0x7b: {  	_ =	shalt  }
0x7c: {  	_ =	shalt  }
0x7d: {  	_ =	shalt  }
0x7e: {  	_ =	shalt  }
0x7f: {  	_ =	shalt  }
0x80: {  	_ =	shalt  }
0x81: {  	_ =	shalt  }
0x82: {  	_ =	shalt  }
0x83: {  	_ =	shalt  }
0x84: {  	_ =	shalt  }
0x85: {  	_ =	shalt  }
0x86: {  	_ =	shalt  }
0x87: {  	_ =	shalt  }
.Lfunc_end0:
.L_simem_size_0:
called_computation_lowered:
.L_overlay_start_0:
0x88: {  	s2 =	sld [smem:$0x3FD9]  }
0x89: {  	s3 =	sld [smem:$0x3FFE];
	_ =	sdelay $0x1  }
0x8a: {  	s1 =	srdreg.scid  }
0x8b: {  	s0 =	sand.u32 $0x1, s1  }
0x8c: {  	s16 =	sshll.u32 s0, $0xA;
	s2 =	sadd.s32 s3, s2  }
0x8d: {  	s2 =	sadd.s32 s2, s16  }
0x8e: {  	[smem:$0x3FC5] =	sst s2  }
0x8f: {  	_ = 	snop  }
0x90: {  	(tm) =	ssettm $0x1  }
0x91: {  	s17 =	sld [smem:$0x3FFB];
	_ =	sdelay $0x3  }
0x92: {  	_ =	strace s17  }
0x93: {  	s2 =	sld [smem:$0x3FFC];
	_ =	sdelay $0x3  }
0x94: {  	_ =	strace s2  }
0x95: {  	s2 =	sld [smem:$0x3FFD];
	_ =	sdelay $0x3  }
0x96: {  	_ =	strace s2  }
0x97: {  	_ =	strace $0x8FFFFFFF  }
0x98: {  	s18 =	sld [smem:$0x3FDB];
	_ =	sdelay $0x1  }
0x99: {  	s19 =	simm.s32 $_scs_section_size  }
0x9a: {  	s4 =	simm.s32 $_size__tile_overlayer_lowered;
	s5 =	simm.s32 $_tile_overlayer_lowered  }
0x9b: {  	s22 =	simm.s32 $0x1BFF;
	s21 =	sshll.u32 s5, $0x1;
	s2 =	sadd.s32 s19, s18  }
0x9c: {  	s6 =	simm.s32 $0x0;
	s20 =	sshll.u32 s4, $0x1;
	s4 =	sadd.s32 s21, s2  }
0x9d: {  	[timem:s6], [sflag:s22] =	dma.local [hbm:s4], s20  }
0x9e: {  	_ =	swait.ge [sflag:s22], s20  }
0x9f: {  	s3 =	ssub.s32 $0x0, s20;
	[sflag:s22] =	ssyncset.done $0x0  }
0xa0: {  	[sflag:s22] =	ssyncadd.s32 s3;
	_ =	sdelay $0x1  }
0xa1: {  	s23 =	simm.s32 $0x1B8B  }
0xa2: {  	_ =	swait.ge [sflag:s23], $0x1  }
0xa3: {  	[sflag:s23] =	ssyncset.done $0x0  }
0xa4: {  	s25 =	simm.s32 $0x1B8E;
	s24 =	sld [smem:$0x3FFE];
	[sflag:s23] =	ssyncadd.s32 $0xFFFFFFFF  }
0xa5: {  	s26 =	simm.s32 $execute0_lowered;
	[smem:$0x3FD2] =	sst s25  }
0xa6: {  	s4 =	sshll.u32 s26, $0x1;
	_ =	strace $0x80000046;
	[dreg:$0x1] =	wrdreg $0xFFFFFFFF  }
0xa7: {  	s28 =	simm.s32 $_size_execute0_lowered;
	s2 =	sadd.s32 s2, s4;
	[dreg:$0x0] =	wrdreg $0x0  }
0xa8: {  	s4 =	sshll.u32 s28, $0x1;
	[dreg:$0x2] =	wrdreg s2  }
0xa9: {  	[dreg:$0x3] =	wrdreg s4  }
0xaa: {  	[dreg:$0x4] =	wrdreg $0xC0  }
0xab: {  	_ =	task [dreg:s6], $0x5FFFF  }
0xac: {  	[dreg:$0x1] =	wrdreg $0xFFFFFFFF  }
0xad: {  	[dreg:$0x0] =	wrdreg $0x60  }
0xae: {  	[dreg:$0x2] =	wrdreg s24  }
0xaf: {  	[dreg:$0x3] =	wrdreg $0x40000  }
0xb0: {  	[dreg:$0x4] =	wrdreg $0x9  }
0xb1: {  	_ =	task.clear_ibuf [dreg:s6], $0x5FFFF;
	_ =	strace $0x90000046  }
0xb2: {  	s29 =	simm.s32 $0x9;
	_ =	strace $0x80000048  }
0xb3: {  	_ =	swait.ge [sflag:s29], $0x1  }
0xb4: {  	[sflag:s29] =	ssyncadd.s32 $0xFFFFFFFF  }
0xb5: {  	_ =	strace $0x90000048  }
0xb6: {  	_ =	sfence  }
0xb7: {  	s30 =	sld [smem:$0x0];
	_ =	sdelay $0x2  }
0xb8: {  	s31 =	sshll.u32 s1, $0xD;
	s1 =	sshrl.u32 s1, $0x2  }
0xb9: {  	s3 =	sand.u32 $0x4000, s31;
	s1 =	sadd.s32 s1, s30  }
0xba: {  	s0 =	sor.u32 s3, s0;
	s1 =	sshll.u32 s1, $0x11  }
0xbb: {  	s0 =	sor.u32 s1, s0  }
0xbc: {  	s0 =	sadd.s32 $0x8F2B, s0  }
0xbd: {  	[sflag:s0] =	ssyncadd.remote.s32 $0x1  }
0xbe: {  	_ =	sfence.sel $0xFFFF  }
0xbf: {  	[dreg:$0x0] =	wrdreg $0xFFFFFFFF;
	(pc) =	sbr.abs _section_cstart, $3  }
0xc0: {  	[dreg:$0x1] =	wrdreg $0xFFFFFFFF  }
0xc1: {  	_ =	task.clear_ibuf [dreg:s6], $0x2FFFF;
	_ =	strace $0x9FFFFFFF  }
0xc2: {  	(tm) =	ssettm $0x7FFFFFFF  }
0xc3: {  	_ =	shalt  }
tec
execute0_lowered:
.L_overlay_start_1:
0x0: {  	(tag) =	ssettag $0x1  }
0x1: {  	s0 =	srdreg.scid;
	s1 =	rddreg [dreg:$0x0]  }
0x2: {  	s7 =	stileid.u32;
	s2 =	rddreg [dreg:$0x1];
	s20 =	simm.s32 $0x0  }
0x3: {  	s28 =	simm.s32 $0xC00;
	s29 =	simm.s32 $0xC80;
	s30 =	simm.s32 $0xD00  }
0x4: {  	s31 =	simm.s32 $0xD80;
	s8 =	simm.s32 $0xF80;
	s9 =	simm.s32 $0x1000  }
0x5: {  	s10 =	simm.s32 $0x1080;
	s11 =	simm.s32 $0x1100;
	s12 =	simm.s32 $0x1180  }
0x6: {  	s13 =	simm.s32 $0x1200;
	s14 =	simm.s32 $0x1280;
	s4 =	smul.u32 $0x14000, s7  }
0x7: {  	s0 =	sand.u32 $0x1, s0;
	[smem:$0x7FF] =	sst s20;
	s5 =	smul.u32 $0x50000, s7  }
0x8: {  	s3 =	smul.u32 $0x140000, s0;
	_ =	strace $0x80000047;
	s15 =	ssub.s32 $0x2, s0  }
0x9: {  	s0 =	sshll.u32 s0, $0x4;
	s6 =	sshrl.u32 s15, $0x1;
	s5 =	sshrl.u32 s5, $0x2  }
0xa: {  	s0 =	sor.u32 s7, s0;
	s7 =	simm.s32 $0xF00;
	s22 =	sadd.s32 s5, s2  }
0xb: {  	s3 =	sadd.s32 s4, s3;
	s16 =	sadd.s32 $0x2800, s22;
	[dreg:$0x4] =	wrdreg s22  }
0xc: {  	s4 =	sadd.s32 $0xC200, s1;
	s17 =	sadd.s32 $0x5000, s22;
	[dreg:$0x5] =	wrdreg s16  }
0xd: {  	s5 =	simm.s32 $0x1380;
	s18 =	sadd.s32 $0x7800, s22;
	[dreg:$0x6] =	wrdreg s17  }
0xe: {  	s3 =	sshrl.u32 s3, $0x3;
	s19 =	sadd.s32 $0xA000, s22;
	[dreg:$0x7] =	wrdreg s18  }
0xf: {  	s21 =	sadd.s32 $0xC800, s22;
	s23 =	sadd.s32 $0xF000, s22;
	[dreg:$0x8] =	wrdreg s19  }
0x10: {  	s24 =	sadd.s32 $0x11800, s22;
	s1 =	sadd.s32 s3, s1;
	[dreg:$0x9] =	wrdreg s21  }
0x11: {  	s3 =	ssub.s32 s15, s6;
	s6 =	smul.u32 $0x2710, s0;
	[dreg:$0xa] =	wrdreg s23  }
0x12: {  	[dreg:$0xb] =	wrdreg s24;
	s16 =	simm.s32 $0x1800;
	s17 =	simm.s32 $0x2  }
0x13: {  	s18 =	simm.s32 $0x50;
	s0 =	simm.s32 $0xE80;
	s15 =	simm.s32 $0x1300  }
0x14: {  	s19 =	simm.s32 $0x1;
	s25 =	sadd.s32 $0x16000, s1;
	s26 =	smax.u32 s3, $0x1  }
0x15: {  	s1 =	simm.s32 $0xE00;
	s3 =	simm.s32 $0x1400;
	[dreg:$0xc] =	wrdreg s25  }
0x16: {  	v0 =	vimm.f32 $0.0e+00;
	v1 =	vimm.f32 $1.000000000e+00;
	[dreg:$0xd] =	wrdreg s26;
	s25 =	simm.s32 $0xB00;
	s26 =	simm.s32 $0xB80  }
.LBB2_1:
0x17: {  	[dreg:$0x3] =	wrdreg s20;
	s20 =	simm.s32 $0x0;
	s21 =	simm.s32 $0x200  }
.LBB2_2:
0x18: {  	p0 =	sne.s32 s21, $0x9E00;
	[tilespmem:s20+$0x1870] =	vst v0  }
0x19: {  	[tilespmem:s20+$0x1800] =	vst v0  }
0x1a: {  	[tilespmem:s20+$0x1810] =	vst v0  }
.Ltmp0:
0x1b: {  	[tilespmem:s20+$0x1820] =	vst v0;
	(pc) =	sbr.rel @p0 .LBB2_2-.Ltmp0, $4  }
0x1c: {  	[tilespmem:s20+$0x1830] =	vst v0  }
0x1d: {  	[tilespmem:s20+$0x1840] =	vst v0  }
0x1e: {  	[tilespmem:s20+$0x1850] =	vst v0  }
0x1f: {  	[tilespmem:s20+$0x1860] =	vst v0;
	s20 =	sshra.s32 s21, $0x2;
	s21 =	sadd.s32 $0x200, s21  }
0x20: {  	[tilespmem:s20+$0x1870] =	vst v0  }
0x21: {  	[tilespmem:s20+$0x1800] =	vst v0  }
0x22: {  	[tilespmem:s20+$0x1810] =	vst v0  }
0x23: {  	[tilespmem:s20+$0x1820] =	vst v0  }
0x24: {  	[tilespmem:s20+$0x1830] =	vst v0  }
0x25: {  	[tilespmem:s20+$0x1840] =	vst v0  }
0x26: {  	[tilespmem:s20+$0x1850] =	vst v0  }
0x27: {  	[tilespmem:s20+$0x1860] =	vst v0  }
0x28: {  	[spmem:s22] =	stream.linear.scatter [tilespmem:s16], [sflag:$0x2], $0x2800, $0x38;
	[tilespmem:$0x18000] =	vst v63  }
0x29: {  	_ =	swait.ge [sflag:s17], $0x2800  }
0x2a: {  	[sflag:s17] =	ssyncset.done $0x0  }
0x2b: {  	s22 =	rddreg [dreg:$0x5];
	[sflag:s17] =	ssyncadd.s32 $0xFFFFD800  }
0x2c: {  	[spmem:s22] =	stream.linear.scatter [tilespmem:s16], [sflag:$0x2], $0x2800, $0x38;
	[tilespmem:$0x18000] =	vst v63  }
0x2d: {  	_ =	swait.ge [sflag:s17], $0x2800  }
0x2e: {  	[sflag:s17] =	ssyncset.done $0x0  }
0x2f: {  	s23 =	rddreg [dreg:$0x6];
	[sflag:s17] =	ssyncadd.s32 $0xFFFFD800  }
0x30: {  	[spmem:s23] =	stream.linear.scatter [tilespmem:s16], [sflag:$0x2], $0x2800, $0x38;
	[tilespmem:$0x18000] =	vst v63  }
0x31: {  	_ =	swait.ge [sflag:s17], $0x2800  }
0x32: {  	[sflag:s17] =	ssyncset.done $0x0  }
0x33: {  	s24 =	rddreg [dreg:$0x7];
	[sflag:s17] =	ssyncadd.s32 $0xFFFFD800  }
0x34: {  	[spmem:s24] =	stream.linear.scatter [tilespmem:s16], [sflag:$0x2], $0x2800, $0x38;
	[tilespmem:$0x18000] =	vst v63  }
0x35: {  	_ =	swait.ge [sflag:s17], $0x2800  }
0x36: {  	[sflag:s17] =	ssyncset.done $0x0  }
0x37: {  	s21 =	rddreg [dreg:$0x8];
	[sflag:s17] =	ssyncadd.s32 $0xFFFFD800  }
0x38: {  	[spmem:s21] =	stream.linear.scatter [tilespmem:s16], [sflag:$0x2], $0x2800, $0x38;
	[tilespmem:$0x18000] =	vst v63  }
0x39: {  	_ =	swait.ge [sflag:s17], $0x2800  }
0x3a: {  	[sflag:s17] =	ssyncset.done $0x0  }
0x3b: {  	s22 =	rddreg [dreg:$0x9];
	[sflag:s17] =	ssyncadd.s32 $0xFFFFD800  }
0x3c: {  	[spmem:s22] =	stream.linear.scatter [tilespmem:s16], [sflag:$0x2], $0x2800, $0x38;
	[tilespmem:$0x18000] =	vst v63  }
0x3d: {  	_ =	swait.ge [sflag:s17], $0x2800  }
0x3e: {  	[sflag:s17] =	ssyncset.done $0x0  }
0x3f: {  	s23 =	rddreg [dreg:$0xa];
	[sflag:s17] =	ssyncadd.s32 $0xFFFFD800  }
0x40: {  	[spmem:s23] =	stream.linear.scatter [tilespmem:s16], [sflag:$0x2], $0x2800, $0x38;
	[tilespmem:$0x18000] =	vst v63  }
0x41: {  	_ =	swait.ge [sflag:s17], $0x2800  }
0x42: {  	[sflag:s17] =	ssyncset.done $0x0  }
0x43: {  	s24 =	rddreg [dreg:$0xb];
	[sflag:s17] =	ssyncadd.s32 $0xFFFFD800  }
0x44: {  	[spmem:s24] =	stream.linear.scatter [tilespmem:s16], [sflag:$0x2], $0x2800, $0x38;
	[tilespmem:$0x18000] =	vst v63  }
0x45: {  	_ =	swait.ge [sflag:s17], $0x2800  }
0x46: {  	[sflag:s17] =	ssyncset.done $0x0  }
0x47: {  	s20 =	simm.s32 $0x0;
	s21 =	simm.s32 $0x200;
	[sflag:s17] =	ssyncadd.s32 $0xFFFFD800  }
.LBB2_4:
0x48: {  	p0 =	sne.s32 s21, $0x9E00;
	[tilespmem:s20+$0x1870] =	vst v1  }
0x49: {  	[tilespmem:s20+$0x1800] =	vst v1  }
0x4a: {  	[tilespmem:s20+$0x1810] =	vst v1  }
.Ltmp1:
0x4b: {  	[tilespmem:s20+$0x1820] =	vst v1;
	(pc) =	sbr.rel @p0 .LBB2_4-.Ltmp1, $4  }
0x4c: {  	[tilespmem:s20+$0x1830] =	vst v1  }
0x4d: {  	[tilespmem:s20+$0x1840] =	vst v1  }
0x4e: {  	[tilespmem:s20+$0x1850] =	vst v1  }
0x4f: {  	[tilespmem:s20+$0x1860] =	vst v1;
	s20 =	sshra.s32 s21, $0x2;
	s21 =	sadd.s32 $0x200, s21  }
0x50: {  	[tilespmem:s20+$0x1870] =	vst v1  }
0x51: {  	[tilespmem:s20+$0x1800] =	vst v1  }
0x52: {  	[tilespmem:s20+$0x1810] =	vst v1  }
0x53: {  	[tilespmem:s20+$0x1820] =	vst v1  }
0x54: {  	[tilespmem:s20+$0x1830] =	vst v1  }
0x55: {  	[tilespmem:s20+$0x1840] =	vst v1  }
0x56: {  	[tilespmem:s20+$0x1850] =	vst v1  }
0x57: {  	[tilespmem:s20+$0x1860] =	vst v1  }
0x58: {  	s20 =	simm.s32 $0x0;
	s21 =	simm.s32 $0x0;
	[bflag:$0x0] =	sbarrier.arrive $0xFFFF  }
.LBB2_6:
0x59: {  	s22 =	smul.u32 $0x7D0, s21;
	_ =	sdelay $0x1  }
0x5a: {  	s22 =	sadd.s32 s6, s22  }
0x5b: {  	s22 =	sshrl.u32 s22, $0x3  }
0x5c: {  	s22 =	sadd.s32 s4, s22  }
0x5d: {  	[tilespmem:s20], [sflag:$0x2] =	stream.linear.gather [hbm4b:s22+s20], $0x7D0, $0x38;
	[tilespmem:$0x18000] =	vst v63  }
0x5e: {  	_ =	swait.ge [sflag:s17], $0x7D0  }
0x5f: {  	[sflag:s17] =	ssyncset.done $0x0  }
0x60: {  	s23 =	simm.s32 $0x0;
	[sflag:s17] =	ssyncadd.s32 $0xFFFFF830  }
0x61: {  	v2 =	vld [tilespmem:s23+$0x0];
	_ =	sdelay $0x3  }
0x62: {  	s22 =	simm.s32 $0x820  }
0x63: {  	[tilespmem:s22+$0xFFFFFFE0] =	vst v2  }
0x64: {  	v2 =	vld [tilespmem:s23+$0x10];
	_ =	sdelay $0x4  }
0x65: {  	[tilespmem:s22+$0xFFFFFFF0] =	vst v2  }
0x66: {  	v2 =	vld [tilespmem:s23+$0x20];
	_ =	sdelay $0x4  }
0x67: {  	[tilespmem:s22+$0x0] =	vst v2  }
0x68: {  	v2 =	vld [tilespmem:s23+$0x30];
	_ =	sdelay $0x4  }
0x69: {  	[tilespmem:s22+$0x10] =	vst v2  }
0x6a: {  	v2 =	vld [tilespmem:s23+$0x40];
	_ =	sdelay $0x4  }
0x6b: {  	s24 =	simm.s32 $0x280;
	s23 =	simm.s32 $0x50;
	[tilespmem:s22+$0x20] =	vst v2  }
.LBB2_7:
0x6c: {  	p0 =	sne.s32 s24, $0x1E00;
	v2 =	vld [tilespmem:s23+$0x0];
	_ =	sdelay $0x3  }
0x6d: {  	s22 =	sadd.s32 $0x80, s22  }
0x6e: {  	[tilespmem:s22+$0xFFFFFFE0] =	vst v2  }
0x6f: {  	v2 =	vld [tilespmem:s23+$0x10];
	_ =	sdelay $0x4  }
0x70: {  	[tilespmem:s22+$0xFFFFFFF0] =	vst v2  }
0x71: {  	v2 =	vld [tilespmem:s23+$0x20];
	_ =	sdelay $0x4  }
0x72: {  	[tilespmem:s22+$0x0] =	vst v2  }
0x73: {  	v2 =	vld [tilespmem:s23+$0x30];
	_ =	sdelay $0x4  }
0x74: {  	[tilespmem:s22+$0x10] =	vst v2  }
0x75: {  	v2 =	vld [tilespmem:s23+$0x40]  }
.Ltmp2:
0x76: {  	(pc) =	sbr.rel @p0 .LBB2_7-.Ltmp2, $2  }
0x77: {  	_ =	sdelay $0x2  }
0x78: {  	s23 =	sshra.s32 s24, $0x2;
	s24 =	sadd.s32 $0x140, s24;
	[tilespmem:s22+$0x20] =	vst v2  }
0x79: {  	v2 =	vld [tilespmem:s23+$0x0];
	_ =	sdelay $0x3  }
0x7a: {  	s22 =	sadd.s32 $0x80, s22  }
0x7b: {  	[tilespmem:s22+$0xFFFFFFE0] =	vst v2  }
0x7c: {  	v2 =	vld [tilespmem:s23+$0x10];
	_ =	sdelay $0x4  }
0x7d: {  	[tilespmem:s22+$0xFFFFFFF0] =	vst v2  }
0x7e: {  	v2 =	vld [tilespmem:s23+$0x20];
	_ =	sdelay $0x4  }
0x7f: {  	[tilespmem:s22+$0x0] =	vst v2  }
0x80: {  	v2 =	vld [tilespmem:s23+$0x30];
	_ =	sdelay $0x4  }
0x81: {  	[tilespmem:s22+$0x10] =	vst v2  }
0x82: {  	v2 =	vld [tilespmem:s23+$0x40];
	_ =	sdelay $0x4  }
0x83: {  	s23 =	simm.s32 $0x800;
	[tilespmem:s22+$0x20] =	vst v2  }
0x84: {  	[spmem:s2] =	stream.indirect.scatter.add.f32 [tilespmem:s16], [sflag:$0x1], $0x80, s23, s18, $0xb8;
	[tilespmem:$0x18000] =	vst v63  }
0x85: {  	s24 =	simm.s32 $0x880  }
0x86: {  	[spmem:s2] =	stream.indirect.scatter.add.f32 [tilespmem:s16], [sflag:$0x1], $0x80, s24, s18, $0xb8;
	[tilespmem:$0x18000] =	vst v63  }
0x87: {  	s23 =	simm.s32 $0x900  }
0x88: {  	[spmem:s2] =	stream.indirect.scatter.add.f32 [tilespmem:s16], [sflag:$0x1], $0x80, s23, s18, $0xb8;
	[tilespmem:$0x18000] =	vst v63  }
0x89: {  	s24 =	simm.s32 $0x980  }
0x8a: {  	[spmem:s2] =	stream.indirect.scatter.add.f32 [tilespmem:s16], [sflag:$0x1], $0x80, s24, s18, $0xb8;
	[tilespmem:$0x18000] =	vst v63  }
0x8b: {  	s23 =	simm.s32 $0xA00  }
0x8c: {  	[spmem:s2] =	stream.indirect.scatter.add.f32 [tilespmem:s16], [sflag:$0x1], $0x80, s23, s18, $0xb8;
	[tilespmem:$0x18000] =	vst v63  }
0x8d: {  	s24 =	simm.s32 $0xA80  }
0x8e: {  	[spmem:s2] =	stream.indirect.scatter.add.f32 [tilespmem:s16], [sflag:$0x1], $0x80, s24, s18, $0xb8;
	[tilespmem:$0x18000] =	vst v63  }
0x8f: {  	_ = 	snop  }
0x90: {  	[spmem:s2] =	stream.indirect.scatter.add.f32 [tilespmem:s16], [sflag:$0x1], $0x80, s25, s18, $0xb8;
	[tilespmem:$0x18000] =	vst v63  }
0x91: {  	_ = 	snop  }
0x92: {  	[spmem:s2] =	stream.indirect.scatter.add.f32 [tilespmem:s16], [sflag:$0x1], $0x80, s26, s18, $0xb8;
	[tilespmem:$0x18000] =	vst v63  }
0x93: {  	_ = 	snop  }
0x94: {  	[spmem:s2] =	stream.indirect.scatter.add.f32 [tilespmem:s16], [sflag:$0x1], $0x80, s28, s18, $0xb8;
	[tilespmem:$0x18000] =	vst v63  }
0x95: {  	_ = 	snop  }
0x96: {  	[spmem:s2] =	stream.indirect.scatter.add.f32 [tilespmem:s16], [sflag:$0x1], $0x80, s29, s18, $0xb8;
	[tilespmem:$0x18000] =	vst v63  }
0x97: {  	_ = 	snop  }
0x98: {  	[spmem:s2] =	stream.indirect.scatter.add.f32 [tilespmem:s16], [sflag:$0x1], $0x80, s30, s18, $0xb8;
	[tilespmem:$0x18000] =	vst v63  }
0x99: {  	_ = 	snop  }
0x9a: {  	[spmem:s2] =	stream.indirect.scatter.add.f32 [tilespmem:s16], [sflag:$0x1], $0x80, s31, s18, $0xb8;
	[tilespmem:$0x18000] =	vst v63  }
0x9b: {  	_ = 	snop  }
0x9c: {  	[spmem:s2] =	stream.indirect.scatter.add.f32 [tilespmem:s16], [sflag:$0x1], $0x80, s1, s18, $0xb8;
	[tilespmem:$0x18000] =	vst v63  }
0x9d: {  	_ = 	snop  }
0x9e: {  	[spmem:s2] =	stream.indirect.scatter.add.f32 [tilespmem:s16], [sflag:$0x1], $0x80, s0, s18, $0xb8;
	[tilespmem:$0x18000] =	vst v63  }
0x9f: {  	_ = 	snop  }
0xa0: {  	[spmem:s2] =	stream.indirect.scatter.add.f32 [tilespmem:s16], [sflag:$0x1], $0x80, s7, s18, $0xb8;
	[tilespmem:$0x18000] =	vst v63  }
0xa1: {  	_ = 	snop  }
0xa2: {  	[spmem:s2] =	stream.indirect.scatter.add.f32 [tilespmem:s16], [sflag:$0x1], $0x80, s8, s18, $0xb8;
	[tilespmem:$0x18000] =	vst v63  }
0xa3: {  	_ = 	snop  }
0xa4: {  	[spmem:s2] =	stream.indirect.scatter.add.f32 [tilespmem:s16], [sflag:$0x1], $0x80, s9, s18, $0xb8;
	[tilespmem:$0x18000] =	vst v63  }
0xa5: {  	_ = 	snop  }
0xa6: {  	[spmem:s2] =	stream.indirect.scatter.add.f32 [tilespmem:s16], [sflag:$0x1], $0x80, s10, s18, $0xb8;
	[tilespmem:$0x18000] =	vst v63  }
0xa7: {  	_ = 	snop  }
0xa8: {  	[spmem:s2] =	stream.indirect.scatter.add.f32 [tilespmem:s16], [sflag:$0x1], $0x80, s11, s18, $0xb8;
	[tilespmem:$0x18000] =	vst v63  }
0xa9: {  	_ = 	snop  }
0xaa: {  	[spmem:s2] =	stream.indirect.scatter.add.f32 [tilespmem:s16], [sflag:$0x1], $0x80, s12, s18, $0xb8;
	[tilespmem:$0x18000] =	vst v63  }
0xab: {  	_ = 	snop  }
0xac: {  	[spmem:s2] =	stream.indirect.scatter.add.f32 [tilespmem:s16], [sflag:$0x1], $0x80, s13, s18, $0xb8;
	[tilespmem:$0x18000] =	vst v63  }
0xad: {  	_ = 	snop  }
0xae: {  	[spmem:s2] =	stream.indirect.scatter.add.f32 [tilespmem:s16], [sflag:$0x1], $0x80, s14, s18, $0xb8;
	[tilespmem:$0x18000] =	vst v63  }
0xaf: {  	_ = 	snop  }
0xb0: {  	[spmem:s2] =	stream.indirect.scatter.add.f32 [tilespmem:s16], [sflag:$0x1], $0x80, s15, s18, $0xb8;
	[tilespmem:$0x18000] =	vst v63  }
0xb1: {  	_ = 	snop  }
0xb2: {  	[spmem:s2] =	stream.indirect.scatter.add.f32 [tilespmem:s16], [sflag:$0x1], $0x80, s5, s18, $0xb8;
	[tilespmem:$0x18000] =	vst v63  }
0xb3: {  	_ = 	snop  }
0xb4: {  	[spmem:s2] =	stream.indirect.scatter.add.f32 [tilespmem:s16], [sflag:$0x1], $0x80, s3, s18, $0xb8;
	[tilespmem:$0x18000] =	vst v63  }
0xb5: {  	_ =	swait.ge [sflag:s19], $0x2800  }
0xb6: {  	[sflag:s19] =	ssyncset.done $0x0  }
0xb7: {  	[sflag:s19] =	ssyncadd.s32 $0xFFFFD800  }
0xb8: {  	_ =	swait.ge [sflag:s19], $0x2800  }
0xb9: {  	[sflag:s19] =	ssyncset.done $0x0  }
0xba: {  	[sflag:s19] =	ssyncadd.s32 $0xFFFFD800  }
0xbb: {  	_ =	swait.ge [sflag:s19], $0x2800  }
0xbc: {  	[sflag:s19] =	ssyncset.done $0x0  }
0xbd: {  	[sflag:s19] =	ssyncadd.s32 $0xFFFFD800  }
0xbe: {  	_ =	swait.ge [sflag:s19], $0x2800  }
0xbf: {  	[sflag:s19] =	ssyncset.done $0x0  }
0xc0: {  	[sflag:s19] =	ssyncadd.s32 $0xFFFFD800  }
0xc1: {  	_ =	swait.ge [sflag:s19], $0x2800  }
0xc2: {  	[sflag:s19] =	ssyncset.done $0x0  }
0xc3: {  	[sflag:s19] =	ssyncadd.s32 $0xFFFFD800  }
0xc4: {  	_ =	swait.ge [sflag:s19], $0x2800  }
0xc5: {  	[sflag:s19] =	ssyncset.done $0x0  }
0xc6: {  	[sflag:s19] =	ssyncadd.s32 $0xFFFFD800  }
0xc7: {  	_ =	swait.ge [sflag:s19], $0x2800  }
0xc8: {  	[sflag:s19] =	ssyncset.done $0x0  }
0xc9: {  	[sflag:s19] =	ssyncadd.s32 $0xFFFFD800  }
0xca: {  	_ =	swait.ge [sflag:s19], $0x2800  }
0xcb: {  	[sflag:s19] =	ssyncset.done $0x0  }
0xcc: {  	[sflag:s19] =	ssyncadd.s32 $0xFFFFD800  }
0xcd: {  	_ =	swait.ge [sflag:s19], $0x2800  }
0xce: {  	[sflag:s19] =	ssyncset.done $0x0  }
0xcf: {  	[sflag:s19] =	ssyncadd.s32 $0xFFFFD800  }
0xd0: {  	_ =	swait.ge [sflag:s19], $0x2800  }
0xd1: {  	[sflag:s19] =	ssyncset.done $0x0  }
0xd2: {  	[sflag:s19] =	ssyncadd.s32 $0xFFFFD800  }
0xd3: {  	_ =	swait.ge [sflag:s19], $0x2800  }
0xd4: {  	[sflag:s19] =	ssyncset.done $0x0  }
0xd5: {  	[sflag:s19] =	ssyncadd.s32 $0xFFFFD800  }
0xd6: {  	_ =	swait.ge [sflag:s19], $0x2800  }
0xd7: {  	[sflag:s19] =	ssyncset.done $0x0  }
0xd8: {  	[sflag:s19] =	ssyncadd.s32 $0xFFFFD800  }
0xd9: {  	_ =	swait.ge [sflag:s19], $0x2800  }
0xda: {  	[sflag:s19] =	ssyncset.done $0x0  }
0xdb: {  	[sflag:s19] =	ssyncadd.s32 $0xFFFFD800  }
0xdc: {  	_ =	swait.ge [sflag:s19], $0x2800  }
0xdd: {  	[sflag:s19] =	ssyncset.done $0x0  }
0xde: {  	[sflag:s19] =	ssyncadd.s32 $0xFFFFD800  }
0xdf: {  	_ =	swait.ge [sflag:s19], $0x2800  }
0xe0: {  	[sflag:s19] =	ssyncset.done $0x0  }
0xe1: {  	[sflag:s19] =	ssyncadd.s32 $0xFFFFD800  }
0xe2: {  	_ =	swait.ge [sflag:s19], $0x2800  }
0xe3: {  	[sflag:s19] =	ssyncset.done $0x0  }
0xe4: {  	[sflag:s19] =	ssyncadd.s32 $0xFFFFD800  }
0xe5: {  	_ =	swait.ge [sflag:s19], $0x2800  }
0xe6: {  	[sflag:s19] =	ssyncset.done $0x0  }
0xe7: {  	[sflag:s19] =	ssyncadd.s32 $0xFFFFD800  }
0xe8: {  	_ =	swait.ge [sflag:s19], $0x2800  }
0xe9: {  	[sflag:s19] =	ssyncset.done $0x0  }
0xea: {  	[sflag:s19] =	ssyncadd.s32 $0xFFFFD800  }
0xeb: {  	_ =	swait.ge [sflag:s19], $0x2800  }
0xec: {  	[sflag:s19] =	ssyncset.done $0x0  }
0xed: {  	[sflag:s19] =	ssyncadd.s32 $0xFFFFD800  }
0xee: {  	_ =	swait.ge [sflag:s19], $0x2800  }
0xef: {  	[sflag:s19] =	ssyncset.done $0x0  }
0xf0: {  	[sflag:s19] =	ssyncadd.s32 $0xFFFFD800  }
0xf1: {  	_ =	swait.ge [sflag:s19], $0x2800  }
0xf2: {  	[sflag:s19] =	ssyncset.done $0x0  }
0xf3: {  	[sflag:s19] =	ssyncadd.s32 $0xFFFFD800  }
0xf4: {  	_ =	swait.ge [sflag:s19], $0x2800  }
0xf5: {  	[sflag:s19] =	ssyncset.done $0x0  }
0xf6: {  	[sflag:s19] =	ssyncadd.s32 $0xFFFFD800  }
0xf7: {  	_ =	swait.ge [sflag:s19], $0x2800  }
0xf8: {  	[sflag:s19] =	ssyncset.done $0x0  }
0xf9: {  	s21 =	sadd.s32 $0x1, s21;
	[sflag:s19] =	ssyncadd.s32 $0xFFFFD800  }
0xfa: {  	p0 =	sne.s32 s21, $0x5;
	_ =	swait.ge [sflag:s19], $0x2800  }
.Ltmp3:
0xfb: {  	[sflag:s19] =	ssyncset.done $0x0;
	(pc) =	sbr.rel @p0 .LBB2_6-.Ltmp3, $4  }
0xfc: {  	[sflag:s19] =	ssyncadd.s32 $0xFFFFD800  }
0xfd: {  	_ =	swait.ge [sflag:s19], $0x2800  }
0xfe: {  	[sflag:s19] =	ssyncset.done $0x0  }
0xff: {  	[sflag:s19] =	ssyncadd.s32 $0xFFFFD800  }
0x100: {  	s20 =	stileid.u32;
	[bflag:$0x0] =	sbarrier.arrive $0xFFFF  }
0x101: {  	s20 =	sshll.u32 s20, $0x6;
	s22 =	rddreg [dreg:$0x4]  }
0x102: {  	s23 =	rddreg [dreg:$0xc];
	s20 =	sor.u32 $0x1C02, s20;
	s21 =	sshrl.u32 s22, $0x3  }
0x103: {  	[hbm:s23], [sflag:s20] =	dma.local [spmem:s21], $0x2800  }
0x104: {  	_ =	swait.ge [sflag:s17], $0x2800  }
0x105: {  	s23 =	rddreg [dreg:$0x3]  }
0x106: {  	s24 =	rddreg [dreg:$0xd];
	s20 =	sadd.s32 $0x1, s23  }
0x107: {  	p0 =	sne.s32 s20, s24  }
.Ltmp4:
0x108: {  	_ = 	snop;
	(pc) =	sbr.rel @p0 .LBB2_1-.Ltmp4, $3  }
0x109: {  	_ =	sdelay $0x1  }
0x10a: {  	[sflag:s17] =	ssyncset.done $0x0  }
0x10b: {  	[sflag:s17] =	ssyncadd.s32 $0xFFFFD800  }
0x10c: {  	_ =	sfence.sel $0x180000  }
0x10d: {  	[bflag:$0x0] =	sbarrier.arrive $0xFFFF  }
0x10e: {  	_ =	strace $0x90000047  }
0x10f: {  	s0 =	stileid.u32;
	[bflag:$0x2] =	sbarrier.arrive $0xFFFF  }
0x110: {  	p0 =	sne.s32 s0, $0x0;
	s0 =	rddreg [dreg:$0x2]  }
0x111: {  	s0 =	sadd.s32 @!p0 $0x100000, s0  }
0x112: {  	[sflag:s0] =	ssyncadd.tile.s32 @!p0 $0x1;
	_ =	shalt  }
.Lfunc_end2:
_tile_overlayer_lowered:
.L_overlay_start_2:
0x113: {  	(tag) =	ssettag $0x2  }
0x114: {  	s0 =	rddreg [dreg:$0x0];
	s2 =	stileid.u32  }
0x115: {  	s1 =	rddreg [dreg:$0x1];
	p0 =	sne.s32 s2, $0x0  }
0x116: {  	s3 =	rddreg [dreg:$0x2];
	[bflag:$0x3] =	sbarrier.arrive $0xFFFF;
	s2 =	simm.s32 @!p0 $0x1C02  }
0x117: {  	[timem:s3], [sflag:s2] =	dma.local @!p0 [hbm:s0], s1  }
0x118: {  	s0 =	simm.s32 @!p0 $0x2  }
0x119: {  	_ =	swait.ge @!p0 [sflag:s0], s1  }
0x11a: {  	s1 =	ssub.s32 @!p0 $0x0, s1;
	[sflag:s0] =	ssyncset.done @!p0 $0x0  }
0x11b: {  	[sflag:s0] =	ssyncadd.s32 @!p0 s1  }
0x11c: {  	[bflag:$0x3] =	sbarrier.arrive $0xFFFF  }
0x11d: {  	_ =	shalt  }

</sc_bundles>
